<compile_context>
chip_gen: v7x
topology: tpu7x:2x2x1
jax: 0.10.2.dev20260603
libtpu: 0.0.44.dev20260713+nightly
codegen_flags: <defaults>
</compile_context>

<pallas_src>
import functools
import jax
import jax.numpy as jnp
from jax import lax
from jax.experimental import pallas as pl
from jax.experimental.pallas import tpu as pltpu
from jax.experimental.pallas import tpu_sc as plsc

B, N, H, W = 8, 256, 512, 512
MAX_ITERS = 20
NC, NS, L = 2, 16, 16
NW = NC * NS
PTS = B * N
PPW = PTS // NW
WPB = N // PPW
GRPS = PPW // L
NBR = 9
OFFS = [(dy, dx) for dy in (-1, 0, 1) for dx in (-1, 0, 1)]
HPTS = PPW // 2
OFFS8 = [o for o in OFFS if o != (0, 0)]
HFLAT = 8 * HPTS
HG = GRPS // 2


MROWS = H * 4
DROWS = MROWS + 8
DSTR = DROWS * 128


SMB = 4


def _smooth_body(d_ref, p_ref, o_ref):
    for i in range(SMB):
        a = d_ref[i, 0]
        zr = jnp.zeros((1, W), jnp.float32)
        rs = a + jnp.concatenate([a[1:], zr], 0) + jnp.concatenate([zr, a[:-1]], 0)
        zc = jnp.zeros((H, 1), jnp.float32)
        cs = rs + jnp.concatenate([rs[:, 1:], zc], 1) + jnp.concatenate([zc, rs[:, :-1]], 1)
        o_ref[i, :MROWS] = (cs * jnp.float32(1.0 / 9.0)).reshape(MROWS, 128)
        ybits = jax.lax.bitcast_convert_type(p_ref[i, :, 0], jnp.float32)
        xbits = jax.lax.bitcast_convert_type(p_ref[i, :, 1], jnp.float32)
        o_ref[i, MROWS:MROWS + 2] = ybits.reshape(2, 128)
        o_ref[i, MROWS + 2:MROWS + 4] = xbits.reshape(2, 128)
        o_ref[i, MROWS + 4:] = jnp.zeros((4, 128), jnp.float32)


_smooth_call = pl.pallas_call(
    _smooth_body,
    out_shape=jax.ShapeDtypeStruct((B, DROWS, 128), jnp.float32),
    grid=(B // SMB,),
    in_specs=[pl.BlockSpec((SMB, 1, H, W), lambda b: (b, 0, 0, 0)),
              pl.BlockSpec((SMB, N, 2), lambda b: (b, 0, 0))],
    out_specs=pl.BlockSpec((SMB, DROWS, 128), lambda b: (b, 0, 0)),
)


def _climb_body(d_hbm, out_hbm,
                pin, ycur, xcur, cv, idxA, valsA, idxB, valsB, obuf, shared,
                semA, semB):
    cid = lax.axis_index("c")
    sid = lax.axis_index("s")
    wid = cid * NS + sid
    base_pt = wid * PPW
    bat = cid * WPB + sid // WPB
    quarter = sid % WPB
    boff = (sid // WPB) * (H * W)

    SEG = H * W // WPB
    pltpu.sync_copy(d_hbm.at[pl.ds(bat * DSTR + quarter * SEG, SEG)],
                    shared.at[pl.ds(sid * SEG, SEG)])

    lane16 = lax.iota(jnp.int32, L)

    pltpu.sync_copy(d_hbm.at[pl.ds(bat * DSTR + H * W + quarter * PPW, PPW)],
                    pin.at[pl.ds(0, PPW)])
    pltpu.sync_copy(d_hbm.at[pl.ds(bat * DSTR + H * W + N + quarter * PPW, PPW)],
                    pin.at[pl.ds(PPW, PPW)])
    plsc.subcore_barrier()
    for g in range(GRPS):
        sl = pl.ds(g * L, L)
        ycur[sl] = plsc.bitcast(pin[pl.ds(g * L, L)], jnp.int32)
        xcur[sl] = plsc.bitcast(pin[pl.ds(PPW + g * L, L)], jnp.int32)

    halves = ((idxA, valsA, semA, 0), (idxB, valsB, semB, 1))

    def compute_idx(idx_ref, h):
        for g in range(HG):
            g_abs = 2 * h + g
            sl = pl.ds(g_abs * L, L)
            yv = ycur[sl]
            xv = xcur[sl]
            cyd = {dy: (jnp.clip(yv + dy, 0, H - 1) << 9) + boff for dy in (-1, 0, 1)}
            cxd = {dx: jnp.clip(xv + dx, 0, W - 1) for dx in (-1, 0, 1)}
            for k, (dy, dx) in enumerate(OFFS8):
                idx_ref[pl.ds(k * HPTS + g * L, L)] = cyd[dy] + cxd[dx]

    def fire(idx_ref, vals_ref, sem):
        return [pltpu.async_copy(shared.at[idx_ref.at[pl.ds(o, 128)]],
                                 vals_ref.at[pl.ds(o, 128)], sem)
                for o in (0, 128)]

    def drain(copies):
        for c in copies:
            c.wait()

    def advance(vals_ref, h):
        for g in range(HG):
            g_abs = 2 * h + g
            sl = pl.ds(g_abs * L, L)
            yv = ycur[sl]
            xv = xcur[sl]
            bv = bdy = bdx = None
            k8 = 0
            for (dy, dx) in OFFS:
                if (dy, dx) == (0, 0):
                    val = cv[sl]
                else:
                    val = vals_ref[pl.ds(k8 * HPTS + g * L, L)]
                    k8 += 1
                if bv is None:
                    bv = val
                    bdy = jnp.full((L,), dy, jnp.int32)
                    bdx = jnp.full((L,), dx, jnp.int32)
                else:
                    m = val > bv
                    bv = jnp.where(m, val, bv)
                    bdy = jnp.where(m, jnp.int32(dy), bdy)
                    bdx = jnp.where(m, jnp.int32(dx), bdx)
            cv[sl] = bv
            ycur[sl] = jnp.clip(yv + bdy, 0, H - 1)
            xcur[sl] = jnp.clip(xv + bdx, 0, W - 1)

    for g in range(GRPS):
        sl = pl.ds(g * L, L)
        idxA[sl] = boff + (ycur[sl] << 9) + xcur[sl]
    pltpu.async_copy(shared.at[idxA.at[pl.ds(0, PPW)]], cv, semA).wait()

    compute_idx(idxA, 0)
    fire(idxA, valsA, semA)
    compute_idx(idxB, 1)
    fire(idxB, valsB, semB)

    def body2(_, carry):
        drain([pltpu.make_async_copy(shared.at[idxA.at[pl.ds(o, 128)]],
                                     valsA.at[pl.ds(o, 128)], semA)
               for o in (0, 128)])
        advance(valsA, 0)
        compute_idx(idxA, 0)
        fire(idxA, valsA, semA)
        drain([pltpu.make_async_copy(shared.at[idxB.at[pl.ds(o, 128)]],
                                     valsB.at[pl.ds(o, 128)], semB)
               for o in (0, 128)])
        advance(valsB, 1)
        compute_idx(idxB, 1)
        fire(idxB, valsB, semB)
        return carry

    lax.fori_loop(0, MAX_ITERS, body2, 0)

    drain([pltpu.make_async_copy(shared.at[idxA.at[pl.ds(o, 128)]],
                                 valsA.at[pl.ds(o, 128)], semA)
           for o in (0, 128)])
    drain([pltpu.make_async_copy(shared.at[idxB.at[pl.ds(o, 128)]],
                                 valsB.at[pl.ds(o, 128)], semB)
           for o in (0, 128)])

    for g in range(GRPS):
        sl = pl.ds(g * L, L)
        oi = (lane16 << 1) + (2 * g * L)
        plsc.store_scatter(obuf, [oi], ycur[sl].astype(jnp.float32))
        plsc.store_scatter(obuf, [oi + 1], xcur[sl].astype(jnp.float32))
    pltpu.sync_copy(obuf, out_hbm.at[pl.ds(base_pt * 2, 2 * PPW)])


@functools.cache
def _climb_call():
    return pl.kernel(
        _climb_body,
        out_type=jax.ShapeDtypeStruct((PTS * 2,), jnp.float32),
        mesh=plsc.VectorSubcoreMesh(core_axis_name="c", subcore_axis_name="s",
                                    num_cores=NC, num_subcores=NS),
        scratch_types=[
            pltpu.VMEM((2 * PPW,), jnp.float32),
            pltpu.VMEM((PPW,), jnp.int32),
            pltpu.VMEM((PPW,), jnp.int32),
            pltpu.VMEM((PPW,), jnp.float32),
            pltpu.VMEM((HFLAT,), jnp.int32),
            pltpu.VMEM((HFLAT,), jnp.float32),
            pltpu.VMEM((HFLAT,), jnp.int32),
            pltpu.VMEM((HFLAT,), jnp.float32),
            pltpu.VMEM((2 * PPW,), jnp.float32),
            pltpu.VMEM_SHARED((WPB * H * W,), jnp.float32),
            pltpu.SemaphoreType.DMA,
            pltpu.SemaphoreType.DMA,
        ],
        compiler_params=pltpu.CompilerParams(needs_layout_passes=False),
    )


def kernel(depth, points):
    d = _smooth_call(depth, points)
    out = _climb_call()(d.reshape(B * DSTR))
    return out.reshape(B, N, 2)

# --- scband reference (transcript-rebuilt; emitter-appended) ---
"""Pipeline reference for scband-gravity-guided-debias-module-38663295599085 (READ-ONLY COPY).

The authoritative reference and input builder live on the scoring server;
editing this copy changes nothing except your own understanding.
"""

import jax, jax.numpy as jnp
import numpy as np

B, N, H, W = 8, 256, 512, 512
RADIUS = 1
MAX_ITERS = 20
KERNEL_SIZE = 3


def _smooth(depth, kernel_size=3):
    # Faithful port of GravityGuidedDebiasModule.smooth_tensor
    k = jnp.ones((1, 1, kernel_size, kernel_size), depth.dtype) / (kernel_size ** 2)
    pad = kernel_size // 2
    return jax.lax.conv_general_dilated(
        depth, k, window_strides=(1, 1),
        padding=((pad, pad), (pad, pad)),
        dimension_numbers=('NCHW', 'OIHW', 'NCHW'))


def setup_inputs(seed: int = 0) -> dict:
    key = jax.random.key(seed)
    k1, k2 = jax.random.split(key)
    depth = jax.random.uniform(k1, (B, 1, H, W), dtype=jnp.float32)
    points = jax.random.randint(k2, (B, N, 2), 0, 512, dtype=jnp.int32)
    return {"depth": depth, "points": points}


def reference(depth, points):
    # smooth_sign=True: smooth the depth map first
    d = _smooth(depth, KERNEL_SIZE)[:, 0]  # (B, H, W)
    # neighborhood offsets within radius (3x3 for radius=1), row-major order
    r = RADIUS
    oy, ox = jnp.meshgrid(jnp.arange(-r, r + 1), jnp.arange(-r, r + 1), indexing='ij')
    offs = jnp.stack([oy.reshape(-1), ox.reshape(-1)], axis=-1)  # (K, 2)
    bidx = jnp.arange(B)[:, None, None]  # (B,1,1)

    pts = points.astype(jnp.int32)
    for _ in range(MAX_ITERS):
        y = pts[..., 0]  # (B, N)
        x = pts[..., 1]
        ny = jnp.clip(y[..., None] + offs[:, 0], 0, H - 1)  # (B, N, K)
        nx = jnp.clip(x[..., None] + offs[:, 1], 0, W - 1)
        vals = d[bidx, ny, nx]  # gather: (B, N, K)
        best = jnp.argmax(vals, axis=-1)  # (B, N)
        by = jnp.take(offs[:, 0], best)
        bx = jnp.take(offs[:, 1], best)
        new_y = jnp.clip(y + by, 0, H - 1)
        new_x = jnp.clip(x + bx, 0, W - 1)
        # tol-based early stop in the original only terminates iteration early;
        # once a point sits at a local max, argmax selects the center offset
        # and the point no longer moves, so running all iterations is equivalent.
        pts = jnp.stack([new_y, new_x], axis=-1)
    return pts.astype(jnp.float32)


if False:  # reference __main__ guard neutralized (emitter)
    inp = setup_inputs()
    out = reference(**inp)
    print(out.shape, out.dtype)

if __name__ == "__main__":
    import jax
    _d = setup_inputs()
    print(jax.jit(kernel)(*tuple(_d.values())))

</pallas_src>

<mosaic_0001>
#map = affine_map<(d0, d1) -> (0)>
module attributes {stable_mosaic.version = 14 : i64} {
  func.func @_climb_body(%arg0: i32, %arg1: i32, %arg2: memref<2105344xf32, #tpu.memory_space<hbm>>, %arg3: memref<4096xf32, #tpu.memory_space<hbm>>, %arg4: memref<128xf32, #tpu.memory_space<vmem>>, %arg5: memref<64xi32, #tpu.memory_space<vmem>>, %arg6: memref<64xi32, #tpu.memory_space<vmem>>, %arg7: memref<64xf32, #tpu.memory_space<vmem>>, %arg8: memref<256xi32, #tpu.memory_space<vmem>>, %arg9: memref<256xf32, #tpu.memory_space<vmem>>, %arg10: memref<256xi32, #tpu.memory_space<vmem>>, %arg11: memref<256xf32, #tpu.memory_space<vmem>>, %arg12: memref<128xf32, #tpu.memory_space<vmem>>, %arg13: memref<1048576xf32, #tpu.memory_space<vmem_shared>>, %arg14: memref<!tpu.dma_semaphore, #tpu.memory_space<semaphore_mem>>, %arg15: memref<!tpu.dma_semaphore, #tpu.memory_space<semaphore_mem>>) attributes {dimension_semantics = [#tpu.dimension_semantics<core_parallel>, #tpu.dimension_semantics<subcore_parallel>], iteration_bounds = array<i64: 2, 16>, scalar_prefetch = 0 : i64, scratch_operands = 12 : i64, tpu.core_type = #tpu.core_type<sc_vector_subcore>, window_params = [{transform_indices = #map}, {transform_indices = #map}]} {
    %mul3A = arith.constant 16 : i32
    %mul3A_0 = arith.muli %arg0, %mul3A : i32
    %add3A = arith.addi %mul3A_0, %arg1 : i32
    %mul3A_1 = arith.constant 64 : i32
    %mul3A_2 = arith.muli %add3A, %mul3A_1 : i32
    %mul3A_3 = arith.constant 4 : i32
    %mul3A_4 = arith.muli %arg0, %mul3A_3 : i32
    %jit3A = arith.constant 4 : i32
    %div3A = arith.divsi %arg1, %jit3A : i32
    %sign3A = arith.constant 0 : i32
    %sign3A_5 = arith.cmpi sgt, %arg1, %sign3A : i32
    %sign3A_6 = arith.extui %sign3A_5 : i1 to i32
    %sign3A_7 = arith.constant 0 : i32
    %sign3A_8 = arith.cmpi slt, %arg1, %sign3A_7 : i32
    %sign3A_9 = arith.extui %sign3A_8 : i1 to i32
    %sign3A_10 = arith.subi %sign3A_6, %sign3A_9 : i32
    %sign3A_11 = arith.constant 0 : i32
    %sign3A_12 = arith.cmpi sgt, %jit3A, %sign3A_11 : i32
    %sign3A_13 = arith.extui %sign3A_12 : i1 to i32
    %sign3A_14 = arith.constant 0 : i32
    %sign3A_15 = arith.cmpi slt, %jit3A, %sign3A_14 : i32
    %sign3A_16 = arith.extui %sign3A_15 : i1 to i32
    %sign3A_17 = arith.subi %sign3A_13, %sign3A_16 : i32
    %ne3A = arith.cmpi ne, %sign3A_10, %sign3A_17 : i32
    %rem3A = arith.remsi %arg1, %jit3A : i32
    %ne3A_18 = arith.constant 0 : i32
    %ne3A_19 = arith.cmpi ne, %rem3A, %ne3A_18 : i32
    %and3A = arith.andi %ne3A, %ne3A_19 : i1
    %sub3A = arith.constant 1 : i32
    %sub3A_20 = arith.subi %div3A, %sub3A : i32
    %select_n3A = arith.select %and3A, %sub3A_20, %div3A : i32
    %add3A_21 = arith.addi %mul3A_4, %select_n3A : i32
    %jit3A_22 = arith.constant 4 : i32
    %eq3A = arith.constant 0 : i32
    %eq3A_23 = arith.cmpi eq, %jit3A_22, %eq3A : i32
    %jit3A_24 = arith.constant 1 : i32
    %select_n3A_25 = arith.select %eq3A_23, %jit3A_24, %jit3A_22 : i32
    %rem3A_26 = arith.remsi %arg1, %select_n3A_25 : i32
    %ne3A_27 = arith.constant 0 : i32
    %ne3A_28 = arith.cmpi ne, %rem3A_26, %ne3A_27 : i32
    %lt3A = arith.constant 0 : i32
    %lt3A_29 = arith.cmpi slt, %rem3A_26, %lt3A : i32
    %lt3A_30 = arith.constant 0 : i32
    %lt3A_31 = arith.cmpi slt, %select_n3A_25, %lt3A_30 : i32
    %ne3A_32 = arith.xori %lt3A_29, %lt3A_31 : i1
    %and3A_33 = arith.andi %ne3A_32, %ne3A_28 : i1
    %add3A_34 = arith.addi %rem3A_26, %select_n3A_25 : i32
    %select_n3A_35 = arith.select %and3A_33, %add3A_34, %rem3A_26 : i32
    %jit3A_36 = arith.constant 4 : i32
    %div3A_37 = arith.divsi %arg1, %jit3A_36 : i32
    %sign3A_38 = arith.constant 0 : i32
    %sign3A_39 = arith.cmpi sgt, %arg1, %sign3A_38 : i32
    %sign3A_40 = arith.extui %sign3A_39 : i1 to i32
    %sign3A_41 = arith.constant 0 : i32
    %sign3A_42 = arith.cmpi slt, %arg1, %sign3A_41 : i32
    %sign3A_43 = arith.extui %sign3A_42 : i1 to i32
    %sign3A_44 = arith.subi %sign3A_40, %sign3A_43 : i32
    %sign3A_45 = arith.constant 0 : i32
    %sign3A_46 = arith.cmpi sgt, %jit3A_36, %sign3A_45 : i32
    %sign3A_47 = arith.extui %sign3A_46 : i1 to i32
    %sign3A_48 = arith.constant 0 : i32
    %sign3A_49 = arith.cmpi slt, %jit3A_36, %sign3A_48 : i32
    %sign3A_50 = arith.extui %sign3A_49 : i1 to i32
    %sign3A_51 = arith.subi %sign3A_47, %sign3A_50 : i32
    %ne3A_52 = arith.cmpi ne, %sign3A_44, %sign3A_51 : i32
    %rem3A_53 = arith.remsi %arg1, %jit3A_36 : i32
    %ne3A_54 = arith.constant 0 : i32
    %ne3A_55 = arith.cmpi ne, %rem3A_53, %ne3A_54 : i32
    %and3A_56 = arith.andi %ne3A_52, %ne3A_55 : i1
    %sub3A_57 = arith.constant 1 : i32
    %sub3A_58 = arith.subi %div3A_37, %sub3A_57 : i32
    %select_n3A_59 = arith.select %and3A_56, %sub3A_58, %div3A_37 : i32
    %mul3A_60 = arith.constant 262144 : i32
    %mul3A_61 = arith.muli %select_n3A_59, %mul3A_60 : i32
    %mul3A_62 = arith.constant 263168 : i32
    %mul3A_63 = arith.muli %add3A_21, %mul3A_62 : i32
    %mul3A_64 = arith.constant 65536 : i32
    %mul3A_65 = arith.muli %select_n3A_35, %mul3A_64 : i32
    %add3A_66 = arith.addi %mul3A_63, %mul3A_65 : i32
    %mul3A_67 = arith.constant 65536 : i32
    %mul3A_68 = arith.muli %arg1, %mul3A_67 : i32
    "tpu.region"() ({
      %run_scoped3A = tpu.sem_alloc : memref<!tpu.dma_semaphore, #tpu.memory_space<semaphore_mem>>
      %dma_start3A_675 = tpu.memref_slice %arg13[%mul3A_68] : memref<1048576xf32, #tpu.memory_space<vmem_shared>> -> memref<65536xf32, #tpu.memory_space<vmem_shared>>
      %dma_start3A_676 = tpu.memref_slice %arg2[%add3A_66] : memref<2105344xf32, #tpu.memory_space<hbm>> -> memref<65536xf32, #tpu.memory_space<hbm>>
      tpu.enqueue_dma source(%dma_start3A_676 : memref<65536xf32, #tpu.memory_space<hbm>>) target(%dma_start3A_675 : memref<65536xf32, #tpu.memory_space<vmem_shared>>) target_semaphore(%run_scoped3A : memref<!tpu.dma_semaphore, #tpu.memory_space<semaphore_mem>>)
      %dma_wait3A_677 = tpu.memref_slice %arg13[%mul3A_68] : memref<1048576xf32, #tpu.memory_space<vmem_shared>> -> memref<65536xf32, #tpu.memory_space<vmem_shared>>
      %dma_wait3A_678 = tpu.memref_slice %arg2[%add3A_66] : memref<2105344xf32, #tpu.memory_space<hbm>> -> memref<65536xf32, #tpu.memory_space<hbm>>
      tpu.wait_dma2 semaphore(%run_scoped3A : memref<!tpu.dma_semaphore, #tpu.memory_space<semaphore_mem>>) src(%dma_wait3A_678 : memref<65536xf32, #tpu.memory_space<hbm>>) dst(%dma_wait3A_677 : memref<65536xf32, #tpu.memory_space<vmem_shared>>)
      tpu.yield
    }) : () -> ()
    %iota3A = tpu.iota {dimensions = array<i32: 0>} : vector<16xi32>
    %mul3A_69 = arith.constant 263168 : i32
    %mul3A_70 = arith.muli %add3A_21, %mul3A_69 : i32
    %add3A_71 = arith.constant 262144 : i32
    %add3A_72 = arith.addi %mul3A_70, %add3A_71 : i32
    %mul3A_73 = arith.constant 64 : i32
    %mul3A_74 = arith.muli %select_n3A_35, %mul3A_73 : i32
    %add3A_75 = arith.addi %add3A_72, %mul3A_74 : i32
    "tpu.region"() ({
      %run_scoped3A = tpu.sem_alloc : memref<!tpu.dma_semaphore, #tpu.memory_space<semaphore_mem>>
      %dma_start3A_675 = arith.constant 0 : i32
      %dma_start3A_676 = tpu.memref_slice %arg4[%dma_start3A_675] : memref<128xf32, #tpu.memory_space<vmem>> -> memref<64xf32, #tpu.memory_space<vmem>>
      %dma_start3A_677 = tpu.memref_slice %arg2[%add3A_75] : memref<2105344xf32, #tpu.memory_space<hbm>> -> memref<64xf32, #tpu.memory_space<hbm>>
      %dma_start3A_678 = arith.constant 0 : i32
      %dma_start3A_679 = tpu.memref_slice %arg4[%dma_start3A_678] : memref<128xf32, #tpu.memory_space<vmem>> -> memref<64xf32, #tpu.memory_space<vmem>>
      %dma_start3A_680 = tpu.memref_slice %arg2[%add3A_75] : memref<2105344xf32, #tpu.memory_space<hbm>> -> memref<64xf32, #tpu.memory_space<hbm>>
      tpu.enqueue_dma source(%dma_start3A_680 : memref<64xf32, #tpu.memory_space<hbm>>) target(%dma_start3A_679 : memref<64xf32, #tpu.memory_space<vmem>>) target_semaphore(%run_scoped3A : memref<!tpu.dma_semaphore, #tpu.memory_space<semaphore_mem>>)
      %dma_wait3A_681 = arith.constant 0 : i32
      %dma_wait3A_682 = tpu.memref_slice %arg4[%dma_wait3A_681] : memref<128xf32, #tpu.memory_space<vmem>> -> memref<64xf32, #tpu.memory_space<vmem>>
      %dma_wait3A_683 = tpu.memref_slice %arg2[%add3A_75] : memref<2105344xf32, #tpu.memory_space<hbm>> -> memref<64xf32, #tpu.memory_space<hbm>>
      %dma_wait3A_684 = arith.constant 0 : i32
      %dma_wait3A_685 = tpu.memref_slice %arg4[%dma_wait3A_684] : memref<128xf32, #tpu.memory_space<vmem>> -> memref<64xf32, #tpu.memory_space<vmem>>
      %dma_wait3A_686 = tpu.memref_slice %arg2[%add3A_75] : memref<2105344xf32, #tpu.memory_space<hbm>> -> memref<64xf32, #tpu.memory_space<hbm>>
      tpu.wait_dma2 semaphore(%run_scoped3A : memref<!tpu.dma_semaphore, #tpu.memory_space<semaphore_mem>>) src(%dma_wait3A_686 : memref<64xf32, #tpu.memory_space<hbm>>) dst(%dma_wait3A_685 : memref<64xf32, #tpu.memory_space<vmem>>)
      tpu.yield
    }) : () -> ()
    %mul3A_76 = arith.constant 263168 : i32
    %mul3A_77 = arith.muli %add3A_21, %mul3A_76 : i32
    %add3A_78 = arith.constant 262144 : i32
    %add3A_79 = arith.addi %mul3A_77, %add3A_78 : i32
    %add3A_80 = arith.constant 256 : i32
    %add3A_81 = arith.addi %add3A_79, %add3A_80 : i32
    %mul3A_82 = arith.constant 64 : i32
    %mul3A_83 = arith.muli %select_n3A_35, %mul3A_82 : i32
    %add3A_84 = arith.addi %add3A_81, %mul3A_83 : i32
    "tpu.region"() ({
      %run_scoped3A = tpu.sem_alloc : memref<!tpu.dma_semaphore, #tpu.memory_space<semaphore_mem>>
      %dma_start3A_675 = arith.constant 64 : i32
      %dma_start3A_676 = tpu.memref_slice %arg4[%dma_start3A_675] : memref<128xf32, #tpu.memory_space<vmem>> -> memref<64xf32, #tpu.memory_space<vmem>>
      %dma_start3A_677 = tpu.memref_slice %arg2[%add3A_84] : memref<2105344xf32, #tpu.memory_space<hbm>> -> memref<64xf32, #tpu.memory_space<hbm>>
      %dma_start3A_678 = arith.constant 64 : i32
      %dma_start3A_679 = tpu.memref_slice %arg4[%dma_start3A_678] : memref<128xf32, #tpu.memory_space<vmem>> -> memref<64xf32, #tpu.memory_space<vmem>>
      %dma_start3A_680 = tpu.memref_slice %arg2[%add3A_84] : memref<2105344xf32, #tpu.memory_space<hbm>> -> memref<64xf32, #tpu.memory_space<hbm>>
      tpu.enqueue_dma source(%dma_start3A_680 : memref<64xf32, #tpu.memory_space<hbm>>) target(%dma_start3A_679 : memref<64xf32, #tpu.memory_space<vmem>>) target_semaphore(%run_scoped3A : memref<!tpu.dma_semaphore, #tpu.memory_space<semaphore_mem>>)
      %dma_wait3A_681 = arith.constant 64 : i32
      %dma_wait3A_682 = tpu.memref_slice %arg4[%dma_wait3A_681] : memref<128xf32, #tpu.memory_space<vmem>> -> memref<64xf32, #tpu.memory_space<vmem>>
      %dma_wait3A_683 = tpu.memref_slice %arg2[%add3A_84] : memref<2105344xf32, #tpu.memory_space<hbm>> -> memref<64xf32, #tpu.memory_space<hbm>>
      %dma_wait3A_684 = arith.constant 64 : i32
      %dma_wait3A_685 = tpu.memref_slice %arg4[%dma_wait3A_684] : memref<128xf32, #tpu.memory_space<vmem>> -> memref<64xf32, #tpu.memory_space<vmem>>
      %dma_wait3A_686 = tpu.memref_slice %arg2[%add3A_84] : memref<2105344xf32, #tpu.memory_space<hbm>> -> memref<64xf32, #tpu.memory_space<hbm>>
      tpu.wait_dma2 semaphore(%run_scoped3A : memref<!tpu.dma_semaphore, #tpu.memory_space<semaphore_mem>>) src(%dma_wait3A_686 : memref<64xf32, #tpu.memory_space<hbm>>) dst(%dma_wait3A_685 : memref<64xf32, #tpu.memory_space<vmem>>)
      tpu.yield
    }) : () -> ()
    %barrier3A = arith.constant 0 : index
    tpu.barrier barrier_id(%barrier3A)
    %get3A = arith.constant 0 : index
    %get3A_85 = tpu.vector_load %arg4[%get3A] {strides = array<i32>} : memref<128xf32, #tpu.memory_space<vmem>>, vector<16xf32>,
    %bitcast3A = vector.bitcast %get3A_85 : vector<16xf32> to vector<16xi32>
    %swap3A = arith.constant 0 : index
    %swap3A_86 = tpu.vector_load %arg5[%swap3A] {strides = array<i32>} : memref<64xi32, #tpu.memory_space<vmem>>, vector<16xi32>,
    tpu.vector_store %arg5[%swap3A], %bitcast3A {strides = array<i32>} : memref<64xi32, #tpu.memory_space<vmem>>, vector<16xi32>,
    %get3A_87 = arith.constant 64 : index
    %get3A_88 = tpu.vector_load %arg4[%get3A_87] {strides = array<i32>} : memref<128xf32, #tpu.memory_space<vmem>>, vector<16xf32>,
    %bitcast3A_89 = vector.bitcast %get3A_88 : vector<16xf32> to vector<16xi32>
    %swap3A_90 = arith.constant 0 : index
    %swap3A_91 = tpu.vector_load %arg6[%swap3A_90] {strides = array<i32>} : memref<64xi32, #tpu.memory_space<vmem>>, vector<16xi32>,
    tpu.vector_store %arg6[%swap3A_90], %bitcast3A_89 {strides = array<i32>} : memref<64xi32, #tpu.memory_space<vmem>>, vector<16xi32>,
    %get3A_92 = arith.constant 16 : index
    %get3A_93 = tpu.vector_load %arg4[%get3A_92] {strides = array<i32>} : memref<128xf32, #tpu.memory_space<vmem>>, vector<16xf32>,
    %bitcast3A_94 = vector.bitcast %get3A_93 : vector<16xf32> to vector<16xi32>
    %swap3A_95 = arith.constant 16 : index
    %swap3A_96 = tpu.vector_load %arg5[%swap3A_95] {strides = array<i32>} : memref<64xi32, #tpu.memory_space<vmem>>, vector<16xi32>,
    tpu.vector_store %arg5[%swap3A_95], %bitcast3A_94 {strides = array<i32>} : memref<64xi32, #tpu.memory_space<vmem>>, vector<16xi32>,
    %get3A_97 = arith.constant 80 : index
    %get3A_98 = tpu.vector_load %arg4[%get3A_97] {strides = array<i32>} : memref<128xf32, #tpu.memory_space<vmem>>, vector<16xf32>,
    %bitcast3A_99 = vector.bitcast %get3A_98 : vector<16xf32> to vector<16xi32>
    %swap3A_100 = arith.constant 16 : index
    %swap3A_101 = tpu.vector_load %arg6[%swap3A_100] {strides = array<i32>} : memref<64xi32, #tpu.memory_space<vmem>>, vector<16xi32>,
    tpu.vector_store %arg6[%swap3A_100], %bitcast3A_99 {strides = array<i32>} : memref<64xi32, #tpu.memory_space<vmem>>, vector<16xi32>,
    %get3A_102 = arith.constant 32 : index
    %get3A_103 = tpu.vector_load %arg4[%get3A_102] {strides = array<i32>} : memref<128xf32, #tpu.memory_space<vmem>>, vector<16xf32>,
    %bitcast3A_104 = vector.bitcast %get3A_103 : vector<16xf32> to vector<16xi32>
    %swap3A_105 = arith.constant 32 : index
    %swap3A_106 = tpu.vector_load %arg5[%swap3A_105] {strides = array<i32>} : memref<64xi32, #tpu.memory_space<vmem>>, vector<16xi32>,
    tpu.vector_store %arg5[%swap3A_105], %bitcast3A_104 {strides = array<i32>} : memref<64xi32, #tpu.memory_space<vmem>>, vector<16xi32>,
    %get3A_107 = arith.constant 96 : index
    %get3A_108 = tpu.vector_load %arg4[%get3A_107] {strides = array<i32>} : memref<128xf32, #tpu.memory_space<vmem>>, vector<16xf32>,
    %bitcast3A_109 = vector.bitcast %get3A_108 : vector<16xf32> to vector<16xi32>
    %swap3A_110 = arith.constant 32 : index
    %swap3A_111 = tpu.vector_load %arg6[%swap3A_110] {strides = array<i32>} : memref<64xi32, #tpu.memory_space<vmem>>, vector<16xi32>,
    tpu.vector_store %arg6[%swap3A_110], %bitcast3A_109 {strides = array<i32>} : memref<64xi32, #tpu.memory_space<vmem>>, vector<16xi32>,
    %get3A_112 = arith.constant 48 : index
    %get3A_113 = tpu.vector_load %arg4[%get3A_112] {strides = array<i32>} : memref<128xf32, #tpu.memory_space<vmem>>, vector<16xf32>,
    %bitcast3A_114 = vector.bitcast %get3A_113 : vector<16xf32> to vector<16xi32>
    %swap3A_115 = arith.constant 48 : index
    %swap3A_116 = tpu.vector_load %arg5[%swap3A_115] {strides = array<i32>} : memref<64xi32, #tpu.memory_space<vmem>>, vector<16xi32>,
    tpu.vector_store %arg5[%swap3A_115], %bitcast3A_114 {strides = array<i32>} : memref<64xi32, #tpu.memory_space<vmem>>, vector<16xi32>,
    %get3A_117 = arith.constant 112 : index
    %get3A_118 = tpu.vector_load %arg4[%get3A_117] {strides = array<i32>} : memref<128xf32, #tpu.memory_space<vmem>>, vector<16xf32>,
    %bitcast3A_119 = vector.bitcast %get3A_118 : vector<16xf32> to vector<16xi32>
    %swap3A_120 = arith.constant 48 : index
    %swap3A_121 = tpu.vector_load %arg6[%swap3A_120] {strides = array<i32>} : memref<64xi32, #tpu.memory_space<vmem>>, vector<16xi32>,
    tpu.vector_store %arg6[%swap3A_120], %bitcast3A_119 {strides = array<i32>} : memref<64xi32, #tpu.memory_space<vmem>>, vector<16xi32>,
    %get3A_122 = arith.constant 0 : index
    %get3A_123 = tpu.vector_load %arg5[%get3A_122] {strides = array<i32>} : memref<64xi32, #tpu.memory_space<vmem>>, vector<16xi32>,
    %shift_left3A = arith.constant 9 : i32
    %shift_left3A_124 = vector.broadcast %shift_left3A : i32 to vector<16xi32>
    %shift_left3A_125 = arith.shli %get3A_123, %shift_left3A_124 : vector<16xi32>
    %add3A_126 = vector.broadcast %mul3A_61 : i32 to vector<16xi32>
    %add3A_127 = arith.addi %add3A_126, %shift_left3A_125 : vector<16xi32>
    %get3A_128 = arith.constant 0 : index
    %get3A_129 = tpu.vector_load %arg6[%get3A_128] {strides = array<i32>} : memref<64xi32, #tpu.memory_space<vmem>>, vector<16xi32>,
    %add3A_130 = arith.addi %add3A_127, %get3A_129 : vector<16xi32>
    %swap3A_131 = arith.constant 0 : index
    %swap3A_132 = tpu.vector_load %arg8[%swap3A_131] {strides = array<i32>} : memref<256xi32, #tpu.memory_space<vmem>>, vector<16xi32>,
    tpu.vector_store %arg8[%swap3A_131], %add3A_130 {strides = array<i32>} : memref<256xi32, #tpu.memory_space<vmem>>, vector<16xi32>,
    %get3A_133 = arith.constant 16 : index
    %get3A_134 = tpu.vector_load %arg5[%get3A_133] {strides = array<i32>} : memref<64xi32, #tpu.memory_space<vmem>>, vector<16xi32>,
    %shift_left3A_135 = arith.constant 9 : i32
    %shift_left3A_136 = vector.broadcast %shift_left3A_135 : i32 to vector<16xi32>
    %shift_left3A_137 = arith.shli %get3A_134, %shift_left3A_136 : vector<16xi32>
    %add3A_138 = vector.broadcast %mul3A_61 : i32 to vector<16xi32>
    %add3A_139 = arith.addi %add3A_138, %shift_left3A_137 : vector<16xi32>
    %get3A_140 = arith.constant 16 : index
    %get3A_141 = tpu.vector_load %arg6[%get3A_140] {strides = array<i32>} : memref<64xi32, #tpu.memory_space<vmem>>, vector<16xi32>,
    %add3A_142 = arith.addi %add3A_139, %get3A_141 : vector<16xi32>
    %swap3A_143 = arith.constant 16 : index
    %swap3A_144 = tpu.vector_load %arg8[%swap3A_143] {strides = array<i32>} : memref<256xi32, #tpu.memory_space<vmem>>, vector<16xi32>,
    tpu.vector_store %arg8[%swap3A_143], %add3A_142 {strides = array<i32>} : memref<256xi32, #tpu.memory_space<vmem>>, vector<16xi32>,
    %get3A_145 = arith.constant 32 : index
    %get3A_146 = tpu.vector_load %arg5[%get3A_145] {strides = array<i32>} : memref<64xi32, #tpu.memory_space<vmem>>, vector<16xi32>,
    %shift_left3A_147 = arith.constant 9 : i32
    %shift_left3A_148 = vector.broadcast %shift_left3A_147 : i32 to vector<16xi32>
    %shift_left3A_149 = arith.shli %get3A_146, %shift_left3A_148 : vector<16xi32>
    %add3A_150 = vector.broadcast %mul3A_61 : i32 to vector<16xi32>
    %add3A_151 = arith.addi %add3A_150, %shift_left3A_149 : vector<16xi32>
    %get3A_152 = arith.constant 32 : index
    %get3A_153 = tpu.vector_load %arg6[%get3A_152] {strides = array<i32>} : memref<64xi32, #tpu.memory_space<vmem>>, vector<16xi32>,
    %add3A_154 = arith.addi %add3A_151, %get3A_153 : vector<16xi32>
    %swap3A_155 = arith.constant 32 : index
    %swap3A_156 = tpu.vector_load %arg8[%swap3A_155] {strides = array<i32>} : memref<256xi32, #tpu.memory_space<vmem>>, vector<16xi32>,
    tpu.vector_store %arg8[%swap3A_155], %add3A_154 {strides = array<i32>} : memref<256xi32, #tpu.memory_space<vmem>>, vector<16xi32>,
    %get3A_157 = arith.constant 48 : index
    %get3A_158 = tpu.vector_load %arg5[%get3A_157] {strides = array<i32>} : memref<64xi32, #tpu.memory_space<vmem>>, vector<16xi32>,
    %shift_left3A_159 = arith.constant 9 : i32
    %shift_left3A_160 = vector.broadcast %shift_left3A_159 : i32 to vector<16xi32>
    %shift_left3A_161 = arith.shli %get3A_158, %shift_left3A_160 : vector<16xi32>
    %add3A_162 = vector.broadcast %mul3A_61 : i32 to vector<16xi32>
    %add3A_163 = arith.addi %add3A_162, %shift_left3A_161 : vector<16xi32>
    %get3A_164 = arith.constant 48 : index
    %get3A_165 = tpu.vector_load %arg6[%get3A_164] {strides = array<i32>} : memref<64xi32, #tpu.memory_space<vmem>>, vector<16xi32>,
    %add3A_166 = arith.addi %add3A_163, %get3A_165 : vector<16xi32>
    %swap3A_167 = arith.constant 48 : index
    %swap3A_168 = tpu.vector_load %arg8[%swap3A_167] {strides = array<i32>} : memref<256xi32, #tpu.memory_space<vmem>>, vector<16xi32>,
    tpu.vector_store %arg8[%swap3A_167], %add3A_166 {strides = array<i32>} : memref<256xi32, #tpu.memory_space<vmem>>, vector<16xi32>,
    %dma_start3A = arith.constant 0 : i32
    %dma_start3A_169 = tpu.memref_slice %arg8[%dma_start3A] : memref<256xi32, #tpu.memory_space<vmem>> -> memref<64xi32, #tpu.memory_space<vmem>>
    %dma_start3A_170 = arith.constant 0 : i32
    %dma_start3A_171 = tpu.memref_slice %arg13[%dma_start3A_170] : memref<1048576xf32, #tpu.memory_space<vmem_shared>> -> memref<1048576xf32, #tpu.memory_space<vmem_shared>>
    tpu.enqueue_indirect_dma source(%dma_start3A_171 : memref<1048576xf32, #tpu.memory_space<vmem_shared>>) target(%arg7 : memref<64xf32, #tpu.memory_space<vmem>>) offsets(%dma_start3A_169 : memref<64xi32, #tpu.memory_space<vmem>>) semaphore(%arg14 : memref<!tpu.dma_semaphore, #tpu.memory_space<semaphore_mem>>)
    %dma_wait3A = arith.constant 0 : i32
    %dma_wait3A_172 = tpu.memref_slice %arg8[%dma_wait3A] : memref<256xi32, #tpu.memory_space<vmem>> -> memref<64xi32, #tpu.memory_space<vmem>>
    %dma_wait3A_173 = arith.constant 0 : i32
    %dma_wait3A_174 = tpu.memref_slice %arg13[%dma_wait3A_173] : memref<1048576xf32, #tpu.memory_space<vmem_shared>> -> memref<1048576xf32, #tpu.memory_space<vmem_shared>>
    tpu.wait_indirect_dma semaphore(%arg14 : memref<!tpu.dma_semaphore, #tpu.memory_space<semaphore_mem>>) src(%dma_wait3A_174 : memref<1048576xf32, #tpu.memory_space<vmem_shared>>) dst(%arg7 : memref<64xf32, #tpu.memory_space<vmem>>)
    %get3A_175 = arith.constant 0 : index
    %get3A_176 = tpu.vector_load %arg5[%get3A_175] {strides = array<i32>} : memref<64xi32, #tpu.memory_space<vmem>>, vector<16xi32>,
    %get3A_177 = arith.constant 0 : index
    %get3A_178 = tpu.vector_load %arg6[%get3A_177] {strides = array<i32>} : memref<64xi32, #tpu.memory_space<vmem>>, vector<16xi32>,
    %add3A_179 = arith.constant -1 : i32
    %add3A_180 = vector.broadcast %add3A_179 : i32 to vector<16xi32>
    %add3A_181 = arith.addi %get3A_176, %add3A_180 : vector<16xi32>
    %jit3A_182 = arith.constant 0 : i32
    %jit3A_183 = arith.constant 511 : i32
    %max3A = vector.broadcast %jit3A_182 : i32 to vector<16xi32>
    %max3A_184 = arith.maxsi %max3A, %add3A_181 : vector<16xi32>
    %min3A = vector.broadcast %jit3A_183 : i32 to vector<16xi32>
    %min3A_185 = arith.minsi %min3A, %max3A_184 : vector<16xi32>
    %shift_left3A_186 = arith.constant 9 : i32
    %shift_left3A_187 = vector.broadcast %shift_left3A_186 : i32 to vector<16xi32>
    %shift_left3A_188 = arith.shli %min3A_185, %shift_left3A_187 : vector<16xi32>
    %add3A_189 = vector.broadcast %mul3A_61 : i32 to vector<16xi32>
    %add3A_190 = arith.addi %shift_left3A_188, %add3A_189 : vector<16xi32>
    %add3A_191 = arith.constant 0 : i32
    %add3A_192 = vector.broadcast %add3A_191 : i32 to vector<16xi32>
    %add3A_193 = arith.addi %get3A_176, %add3A_192 : vector<16xi32>
    %jit3A_194 = arith.constant 0 : i32
    %jit3A_195 = arith.constant 511 : i32
    %max3A_196 = vector.broadcast %jit3A_194 : i32 to vector<16xi32>
    %max3A_197 = arith.maxsi %max3A_196, %add3A_193 : vector<16xi32>
    %min3A_198 = vector.broadcast %jit3A_195 : i32 to vector<16xi32>
    %min3A_199 = arith.minsi %min3A_198, %max3A_197 : vector<16xi32>
    %shift_left3A_200 = arith.constant 9 : i32
    %shift_left3A_201 = vector.broadcast %shift_left3A_200 : i32 to vector<16xi32>
    %shift_left3A_202 = arith.shli %min3A_199, %shift_left3A_201 : vector<16xi32>
    %add3A_203 = vector.broadcast %mul3A_61 : i32 to vector<16xi32>
    %add3A_204 = arith.addi %shift_left3A_202, %add3A_203 : vector<16xi32>
    %add3A_205 = arith.constant 1 : i32
    %add3A_206 = vector.broadcast %add3A_205 : i32 to vector<16xi32>
    %add3A_207 = arith.addi %get3A_176, %add3A_206 : vector<16xi32>
    %jit3A_208 = arith.constant 0 : i32
    %jit3A_209 = arith.constant 511 : i32
    %max3A_210 = vector.broadcast %jit3A_208 : i32 to vector<16xi32>
    %max3A_211 = arith.maxsi %max3A_210, %add3A_207 : vector<16xi32>
    %min3A_212 = vector.broadcast %jit3A_209 : i32 to vector<16xi32>
    %min3A_213 = arith.minsi %min3A_212, %max3A_211 : vector<16xi32>
    %shift_left3A_214 = arith.constant 9 : i32
    %shift_left3A_215 = vector.broadcast %shift_left3A_214 : i32 to vector<16xi32>
    %shift_left3A_216 = arith.shli %min3A_213, %shift_left3A_215 : vector<16xi32>
    %add3A_217 = vector.broadcast %mul3A_61 : i32 to vector<16xi32>
    %add3A_218 = arith.addi %shift_left3A_216, %add3A_217 : vector<16xi32>
    %add3A_219 = arith.constant -1 : i32
    %add3A_220 = vector.broadcast %add3A_219 : i32 to vector<16xi32>
    %add3A_221 = arith.addi %get3A_178, %add3A_220 : vector<16xi32>
    %jit3A_222 = arith.constant 0 : i32
    %jit3A_223 = arith.constant 511 : i32
    %max3A_224 = vector.broadcast %jit3A_222 : i32 to vector<16xi32>
    %max3A_225 = arith.maxsi %max3A_224, %add3A_221 : vector<16xi32>
    %min3A_226 = vector.broadcast %jit3A_223 : i32 to vector<16xi32>
    %min3A_227 = arith.minsi %min3A_226, %max3A_225 : vector<16xi32>
    %add3A_228 = arith.constant 0 : i32
    %add3A_229 = vector.broadcast %add3A_228 : i32 to vector<16xi32>
    %add3A_230 = arith.addi %get3A_178, %add3A_229 : vector<16xi32>
    %jit3A_231 = arith.constant 0 : i32
    %jit3A_232 = arith.constant 511 : i32
    %max3A_233 = vector.broadcast %jit3A_231 : i32 to vector<16xi32>
    %max3A_234 = arith.maxsi %max3A_233, %add3A_230 : vector<16xi32>
    %min3A_235 = vector.broadcast %jit3A_232 : i32 to vector<16xi32>
    %min3A_236 = arith.minsi %min3A_235, %max3A_234 : vector<16xi32>
    %add3A_237 = arith.constant 1 : i32
    %add3A_238 = vector.broadcast %add3A_237 : i32 to vector<16xi32>
    %add3A_239 = arith.addi %get3A_178, %add3A_238 : vector<16xi32>
    %jit3A_240 = arith.constant 0 : i32
    %jit3A_241 = arith.constant 511 : i32
    %max3A_242 = vector.broadcast %jit3A_240 : i32 to vector<16xi32>
    %max3A_243 = arith.maxsi %max3A_242, %add3A_239 : vector<16xi32>
    %min3A_244 = vector.broadcast %jit3A_241 : i32 to vector<16xi32>
    %min3A_245 = arith.minsi %min3A_244, %max3A_243 : vector<16xi32>
    %add3A_246 = arith.addi %add3A_190, %min3A_227 : vector<16xi32>
    %swap3A_247 = arith.constant 0 : index
    %swap3A_248 = tpu.vector_load %arg8[%swap3A_247] {strides = array<i32>} : memref<256xi32, #tpu.memory_space<vmem>>, vector<16xi32>,
    tpu.vector_store %arg8[%swap3A_247], %add3A_246 {strides = array<i32>} : memref<256xi32, #tpu.memory_space<vmem>>, vector<16xi32>,
    %add3A_249 = arith.addi %add3A_190, %min3A_236 : vector<16xi32>
    %swap3A_250 = arith.constant 32 : index
    %swap3A_251 = tpu.vector_load %arg8[%swap3A_250] {strides = array<i32>} : memref<256xi32, #tpu.memory_space<vmem>>, vector<16xi32>,
    tpu.vector_store %arg8[%swap3A_250], %add3A_249 {strides = array<i32>} : memref<256xi32, #tpu.memory_space<vmem>>, vector<16xi32>,
    %add3A_252 = arith.addi %add3A_190, %min3A_245 : vector<16xi32>
    %swap3A_253 = arith.constant 64 : index
    %swap3A_254 = tpu.vector_load %arg8[%swap3A_253] {strides = array<i32>} : memref<256xi32, #tpu.memory_space<vmem>>, vector<16xi32>,
    tpu.vector_store %arg8[%swap3A_253], %add3A_252 {strides = array<i32>} : memref<256xi32, #tpu.memory_space<vmem>>, vector<16xi32>,
    %add3A_255 = arith.addi %add3A_204, %min3A_227 : vector<16xi32>
    %swap3A_256 = arith.constant 96 : index
    %swap3A_257 = tpu.vector_load %arg8[%swap3A_256] {strides = array<i32>} : memref<256xi32, #tpu.memory_space<vmem>>, vector<16xi32>,
    tpu.vector_store %arg8[%swap3A_256], %add3A_255 {strides = array<i32>} : memref<256xi32, #tpu.memory_space<vmem>>, vector<16xi32>,
    %add3A_258 = arith.addi %add3A_204, %min3A_245 : vector<16xi32>
    %swap3A_259 = arith.constant 128 : index
    %swap3A_260 = tpu.vector_load %arg8[%swap3A_259] {strides = array<i32>} : memref<256xi32, #tpu.memory_space<vmem>>, vector<16xi32>,
    tpu.vector_store %arg8[%swap3A_259], %add3A_258 {strides = array<i32>} : memref<256xi32, #tpu.memory_space<vmem>>, vector<16xi32>,
    %add3A_261 = arith.addi %add3A_218, %min3A_227 : vector<16xi32>
    %swap3A_262 = arith.constant 160 : index
    %swap3A_263 = tpu.vector_load %arg8[%swap3A_262] {strides = array<i32>} : memref<256xi32, #tpu.memory_space<vmem>>, vector<16xi32>,
    tpu.vector_store %arg8[%swap3A_262], %add3A_261 {strides = array<i32>} : memref<256xi32, #tpu.memory_space<vmem>>, vector<16xi32>,
    %add3A_264 = arith.addi %add3A_218, %min3A_236 : vector<16xi32>
    %swap3A_265 = arith.constant 192 : index
    %swap3A_266 = tpu.vector_load %arg8[%swap3A_265] {strides = array<i32>} : memref<256xi32, #tpu.memory_space<vmem>>, vector<16xi32>,
    tpu.vector_store %arg8[%swap3A_265], %add3A_264 {strides = array<i32>} : memref<256xi32, #tpu.memory_space<vmem>>, vector<16xi32>,
    %add3A_267 = arith.addi %add3A_218, %min3A_245 : vector<16xi32>
    %swap3A_268 = arith.constant 224 : index
    %swap3A_269 = tpu.vector_load %arg8[%swap3A_268] {strides = array<i32>} : memref<256xi32, #tpu.memory_space<vmem>>, vector<16xi32>,
    tpu.vector_store %arg8[%swap3A_268], %add3A_267 {strides = array<i32>} : memref<256xi32, #tpu.memory_space<vmem>>, vector<16xi32>,
    %get3A_270 = arith.constant 16 : index
    %get3A_271 = tpu.vector_load %arg5[%get3A_270] {strides = array<i32>} : memref<64xi32, #tpu.memory_space<vmem>>, vector<16xi32>,
    %get3A_272 = arith.constant 16 : index
    %get3A_273 = tpu.vector_load %arg6[%get3A_272] {strides = array<i32>} : memref<64xi32, #tpu.memory_space<vmem>>, vector<16xi32>,
    %add3A_274 = arith.constant -1 : i32
    %add3A_275 = vector.broadcast %add3A_274 : i32 to vector<16xi32>
    %add3A_276 = arith.addi %get3A_271, %add3A_275 : vector<16xi32>
    %jit3A_277 = arith.constant 0 : i32
    %jit3A_278 = arith.constant 511 : i32
    %max3A_279 = vector.broadcast %jit3A_277 : i32 to vector<16xi32>
    %max3A_280 = arith.maxsi %max3A_279, %add3A_276 : vector<16xi32>
    %min3A_281 = vector.broadcast %jit3A_278 : i32 to vector<16xi32>
    %min3A_282 = arith.minsi %min3A_281, %max3A_280 : vector<16xi32>
    %shift_left3A_283 = arith.constant 9 : i32
    %shift_left3A_284 = vector.broadcast %shift_left3A_283 : i32 to vector<16xi32>
    %shift_left3A_285 = arith.shli %min3A_282, %shift_left3A_284 : vector<16xi32>
    %add3A_286 = vector.broadcast %mul3A_61 : i32 to vector<16xi32>
    %add3A_287 = arith.addi %shift_left3A_285, %add3A_286 : vector<16xi32>
    %add3A_288 = arith.constant 0 : i32
    %add3A_289 = vector.broadcast %add3A_288 : i32 to vector<16xi32>
    %add3A_290 = arith.addi %get3A_271, %add3A_289 : vector<16xi32>
    %jit3A_291 = arith.constant 0 : i32
    %jit3A_292 = arith.constant 511 : i32
    %max3A_293 = vector.broadcast %jit3A_291 : i32 to vector<16xi32>
    %max3A_294 = arith.maxsi %max3A_293, %add3A_290 : vector<16xi32>
    %min3A_295 = vector.broadcast %jit3A_292 : i32 to vector<16xi32>
    %min3A_296 = arith.minsi %min3A_295, %max3A_294 : vector<16xi32>
    %shift_left3A_297 = arith.constant 9 : i32
    %shift_left3A_298 = vector.broadcast %shift_left3A_297 : i32 to vector<16xi32>
    %shift_left3A_299 = arith.shli %min3A_296, %shift_left3A_298 : vector<16xi32>
    %add3A_300 = vector.broadcast %mul3A_61 : i32 to vector<16xi32>
    %add3A_301 = arith.addi %shift_left3A_299, %add3A_300 : vector<16xi32>
    %add3A_302 = arith.constant 1 : i32
    %add3A_303 = vector.broadcast %add3A_302 : i32 to vector<16xi32>
    %add3A_304 = arith.addi %get3A_271, %add3A_303 : vector<16xi32>
    %jit3A_305 = arith.constant 0 : i32
    %jit3A_306 = arith.constant 511 : i32
    %max3A_307 = vector.broadcast %jit3A_305 : i32 to vector<16xi32>
    %max3A_308 = arith.maxsi %max3A_307, %add3A_304 : vector<16xi32>
    %min3A_309 = vector.broadcast %jit3A_306 : i32 to vector<16xi32>
    %min3A_310 = arith.minsi %min3A_309, %max3A_308 : vector<16xi32>
    %shift_left3A_311 = arith.constant 9 : i32
    %shift_left3A_312 = vector.broadcast %shift_left3A_311 : i32 to vector<16xi32>
    %shift_left3A_313 = arith.shli %min3A_310, %shift_left3A_312 : vector<16xi32>
    %add3A_314 = vector.broadcast %mul3A_61 : i32 to vector<16xi32>
    %add3A_315 = arith.addi %shift_left3A_313, %add3A_314 : vector<16xi32>
    %add3A_316 = arith.constant -1 : i32
    %add3A_317 = vector.broadcast %add3A_316 : i32 to vector<16xi32>
    %add3A_318 = arith.addi %get3A_273, %add3A_317 : vector<16xi32>
    %jit3A_319 = arith.constant 0 : i32
    %jit3A_320 = arith.constant 511 : i32
    %max3A_321 = vector.broadcast %jit3A_319 : i32 to vector<16xi32>
    %max3A_322 = arith.maxsi %max3A_321, %add3A_318 : vector<16xi32>
    %min3A_323 = vector.broadcast %jit3A_320 : i32 to vector<16xi32>
    %min3A_324 = arith.minsi %min3A_323, %max3A_322 : vector<16xi32>
    %add3A_325 = arith.constant 0 : i32
    %add3A_326 = vector.broadcast %add3A_325 : i32 to vector<16xi32>
    %add3A_327 = arith.addi %get3A_273, %add3A_326 : vector<16xi32>
    %jit3A_328 = arith.constant 0 : i32
    %jit3A_329 = arith.constant 511 : i32
    %max3A_330 = vector.broadcast %jit3A_328 : i32 to vector<16xi32>
    %max3A_331 = arith.maxsi %max3A_330, %add3A_327 : vector<16xi32>
    %min3A_332 = vector.broadcast %jit3A_329 : i32 to vector<16xi32>
    %min3A_333 = arith.minsi %min3A_332, %max3A_331 : vector<16xi32>
    %add3A_334 = arith.constant 1 : i32
    %add3A_335 = vector.broadcast %add3A_334 : i32 to vector<16xi32>
    %add3A_336 = arith.addi %get3A_273, %add3A_335 : vector<16xi32>
    %jit3A_337 = arith.constant 0 : i32
    %jit3A_338 = arith.constant 511 : i32
    %max3A_339 = vector.broadcast %jit3A_337 : i32 to vector<16xi32>
    %max3A_340 = arith.maxsi %max3A_339, %add3A_336 : vector<16xi32>
    %min3A_341 = vector.broadcast %jit3A_338 : i32 to vector<16xi32>
    %min3A_342 = arith.minsi %min3A_341, %max3A_340 : vector<16xi32>
    %add3A_343 = arith.addi %add3A_287, %min3A_324 : vector<16xi32>
    %swap3A_344 = arith.constant 16 : index
    %swap3A_345 = tpu.vector_load %arg8[%swap3A_344] {strides = array<i32>} : memref<256xi32, #tpu.memory_space<vmem>>, vector<16xi32>,
    tpu.vector_store %arg8[%swap3A_344], %add3A_343 {strides = array<i32>} : memref<256xi32, #tpu.memory_space<vmem>>, vector<16xi32>,
    %add3A_346 = arith.addi %add3A_287, %min3A_333 : vector<16xi32>
    %swap3A_347 = arith.constant 48 : index
    %swap3A_348 = tpu.vector_load %arg8[%swap3A_347] {strides = array<i32>} : memref<256xi32, #tpu.memory_space<vmem>>, vector<16xi32>,
    tpu.vector_store %arg8[%swap3A_347], %add3A_346 {strides = array<i32>} : memref<256xi32, #tpu.memory_space<vmem>>, vector<16xi32>,
    %add3A_349 = arith.addi %add3A_287, %min3A_342 : vector<16xi32>
    %swap3A_350 = arith.constant 80 : index
    %swap3A_351 = tpu.vector_load %arg8[%swap3A_350] {strides = array<i32>} : memref<256xi32, #tpu.memory_space<vmem>>, vector<16xi32>,
    tpu.vector_store %arg8[%swap3A_350], %add3A_349 {strides = array<i32>} : memref<256xi32, #tpu.memory_space<vmem>>, vector<16xi32>,
    %add3A_352 = arith.addi %add3A_301, %min3A_324 : vector<16xi32>
    %swap3A_353 = arith.constant 112 : index
    %swap3A_354 = tpu.vector_load %arg8[%swap3A_353] {strides = array<i32>} : memref<256xi32, #tpu.memory_space<vmem>>, vector<16xi32>,
    tpu.vector_store %arg8[%swap3A_353], %add3A_352 {strides = array<i32>} : memref<256xi32, #tpu.memory_space<vmem>>, vector<16xi32>,
    %add3A_355 = arith.addi %add3A_301, %min3A_342 : vector<16xi32>
    %swap3A_356 = arith.constant 144 : index
    %swap3A_357 = tpu.vector_load %arg8[%swap3A_356] {strides = array<i32>} : memref<256xi32, #tpu.memory_space<vmem>>, vector<16xi32>,
    tpu.vector_store %arg8[%swap3A_356], %add3A_355 {strides = array<i32>} : memref<256xi32, #tpu.memory_space<vmem>>, vector<16xi32>,
    %add3A_358 = arith.addi %add3A_315, %min3A_324 : vector<16xi32>
    %swap3A_359 = arith.constant 176 : index
    %swap3A_360 = tpu.vector_load %arg8[%swap3A_359] {strides = array<i32>} : memref<256xi32, #tpu.memory_space<vmem>>, vector<16xi32>,
    tpu.vector_store %arg8[%swap3A_359], %add3A_358 {strides = array<i32>} : memref<256xi32, #tpu.memory_space<vmem>>, vector<16xi32>,
    %add3A_361 = arith.addi %add3A_315, %min3A_333 : vector<16xi32>
    %swap3A_362 = arith.constant 208 : index
    %swap3A_363 = tpu.vector_load %arg8[%swap3A_362] {strides = array<i32>} : memref<256xi32, #tpu.memory_space<vmem>>, vector<16xi32>,
    tpu.vector_store %arg8[%swap3A_362], %add3A_361 {strides = array<i32>} : memref<256xi32, #tpu.memory_space<vmem>>, vector<16xi32>,
    %add3A_364 = arith.addi %add3A_315, %min3A_342 : vector<16xi32>
    %swap3A_365 = arith.constant 240 : index
    %swap3A_366 = tpu.vector_load %arg8[%swap3A_365] {strides = array<i32>} : memref<256xi32, #tpu.memory_space<vmem>>, vector<16xi32>,
    tpu.vector_store %arg8[%swap3A_365], %add3A_364 {strides = array<i32>} : memref<256xi32, #tpu.memory_space<vmem>>, vector<16xi32>,
    %dma_start3A_367 = arith.constant 0 : i32
    %dma_start3A_368 = tpu.memref_slice %arg9[%dma_start3A_367] : memref<256xf32, #tpu.memory_space<vmem>> -> memref<128xf32, #tpu.memory_space<vmem>>
    %dma_start3A_369 = arith.constant 0 : i32
    %dma_start3A_370 = tpu.memref_slice %arg8[%dma_start3A_369] : memref<256xi32, #tpu.memory_space<vmem>> -> memref<128xi32, #tpu.memory_space<vmem>>
    %dma_start3A_371 = arith.constant 0 : i32
    %dma_start3A_372 = tpu.memref_slice %arg13[%dma_start3A_371] : memref<1048576xf32, #tpu.memory_space<vmem_shared>> -> memref<1048576xf32, #tpu.memory_space<vmem_shared>>
    tpu.enqueue_indirect_dma source(%dma_start3A_372 : memref<1048576xf32, #tpu.memory_space<vmem_shared>>) target(%dma_start3A_368 : memref<128xf32, #tpu.memory_space<vmem>>) offsets(%dma_start3A_370 : memref<128xi32, #tpu.memory_space<vmem>>) semaphore(%arg14 : memref<!tpu.dma_semaphore, #tpu.memory_space<semaphore_mem>>)
    %dma_start3A_373 = arith.constant 128 : i32
    %dma_start3A_374 = tpu.memref_slice %arg9[%dma_start3A_373] : memref<256xf32, #tpu.memory_space<vmem>> -> memref<128xf32, #tpu.memory_space<vmem>>
    %dma_start3A_375 = arith.constant 128 : i32
    %dma_start3A_376 = tpu.memref_slice %arg8[%dma_start3A_375] : memref<256xi32, #tpu.memory_space<vmem>> -> memref<128xi32, #tpu.memory_space<vmem>>
    %dma_start3A_377 = arith.constant 0 : i32
    %dma_start3A_378 = tpu.memref_slice %arg13[%dma_start3A_377] : memref<1048576xf32, #tpu.memory_space<vmem_shared>> -> memref<1048576xf32, #tpu.memory_space<vmem_shared>>
    tpu.enqueue_indirect_dma source(%dma_start3A_378 : memref<1048576xf32, #tpu.memory_space<vmem_shared>>) target(%dma_start3A_374 : memref<128xf32, #tpu.memory_space<vmem>>) offsets(%dma_start3A_376 : memref<128xi32, #tpu.memory_space<vmem>>) semaphore(%arg14 : memref<!tpu.dma_semaphore, #tpu.memory_space<semaphore_mem>>)
    %get3A_379 = arith.constant 32 : index
    %get3A_380 = tpu.vector_load %arg5[%get3A_379] {strides = array<i32>} : memref<64xi32, #tpu.memory_space<vmem>>, vector<16xi32>,
    %get3A_381 = arith.constant 32 : index
    %get3A_382 = tpu.vector_load %arg6[%get3A_381] {strides = array<i32>} : memref<64xi32, #tpu.memory_space<vmem>>, vector<16xi32>,
    %add3A_383 = arith.constant -1 : i32
    %add3A_384 = vector.broadcast %add3A_383 : i32 to vector<16xi32>
    %add3A_385 = arith.addi %get3A_380, %add3A_384 : vector<16xi32>
    %jit3A_386 = arith.constant 0 : i32
    %jit3A_387 = arith.constant 511 : i32
    %max3A_388 = vector.broadcast %jit3A_386 : i32 to vector<16xi32>
    %max3A_389 = arith.maxsi %max3A_388, %add3A_385 : vector<16xi32>
    %min3A_390 = vector.broadcast %jit3A_387 : i32 to vector<16xi32>
    %min3A_391 = arith.minsi %min3A_390, %max3A_389 : vector<16xi32>
    %shift_left3A_392 = arith.constant 9 : i32
    %shift_left3A_393 = vector.broadcast %shift_left3A_392 : i32 to vector<16xi32>
    %shift_left3A_394 = arith.shli %min3A_391, %shift_left3A_393 : vector<16xi32>
    %add3A_395 = vector.broadcast %mul3A_61 : i32 to vector<16xi32>
    %add3A_396 = arith.addi %shift_left3A_394, %add3A_395 : vector<16xi32>
    %add3A_397 = arith.constant 0 : i32
    %add3A_398 = vector.broadcast %add3A_397 : i32 to vector<16xi32>
    %add3A_399 = arith.addi %get3A_380, %add3A_398 : vector<16xi32>
    %jit3A_400 = arith.constant 0 : i32
    %jit3A_401 = arith.constant 511 : i32
    %max3A_402 = vector.broadcast %jit3A_400 : i32 to vector<16xi32>
    %max3A_403 = arith.maxsi %max3A_402, %add3A_399 : vector<16xi32>
    %min3A_404 = vector.broadcast %jit3A_401 : i32 to vector<16xi32>
    %min3A_405 = arith.minsi %min3A_404, %max3A_403 : vector<16xi32>
    %shift_left3A_406 = arith.constant 9 : i32
    %shift_left3A_407 = vector.broadcast %shift_left3A_406 : i32 to vector<16xi32>
    %shift_left3A_408 = arith.shli %min3A_405, %shift_left3A_407 : vector<16xi32>
    %add3A_409 = vector.broadcast %mul3A_61 : i32 to vector<16xi32>
    %add3A_410 = arith.addi %shift_left3A_408, %add3A_409 : vector<16xi32>
    %add3A_411 = arith.constant 1 : i32
    %add3A_412 = vector.broadcast %add3A_411 : i32 to vector<16xi32>
    %add3A_413 = arith.addi %get3A_380, %add3A_412 : vector<16xi32>
    %jit3A_414 = arith.constant 0 : i32
    %jit3A_415 = arith.constant 511 : i32
    %max3A_416 = vector.broadcast %jit3A_414 : i32 to vector<16xi32>
    %max3A_417 = arith.maxsi %max3A_416, %add3A_413 : vector<16xi32>
    %min3A_418 = vector.broadcast %jit3A_415 : i32 to vector<16xi32>
    %min3A_419 = arith.minsi %min3A_418, %max3A_417 : vector<16xi32>
    %shift_left3A_420 = arith.constant 9 : i32
    %shift_left3A_421 = vector.broadcast %shift_left3A_420 : i32 to vector<16xi32>
    %shift_left3A_422 = arith.shli %min3A_419, %shift_left3A_421 : vector<16xi32>
    %add3A_423 = vector.broadcast %mul3A_61 : i32 to vector<16xi32>
    %add3A_424 = arith.addi %shift_left3A_422, %add3A_423 : vector<16xi32>
    %add3A_425 = arith.constant -1 : i32
    %add3A_426 = vector.broadcast %add3A_425 : i32 to vector<16xi32>
    %add3A_427 = arith.addi %get3A_382, %add3A_426 : vector<16xi32>
    %jit3A_428 = arith.constant 0 : i32
    %jit3A_429 = arith.constant 511 : i32
    %max3A_430 = vector.broadcast %jit3A_428 : i32 to vector<16xi32>
    %max3A_431 = arith.maxsi %max3A_430, %add3A_427 : vector<16xi32>
    %min3A_432 = vector.broadcast %jit3A_429 : i32 to vector<16xi32>
    %min3A_433 = arith.minsi %min3A_432, %max3A_431 : vector<16xi32>
    %add3A_434 = arith.constant 0 : i32
    %add3A_435 = vector.broadcast %add3A_434 : i32 to vector<16xi32>
    %add3A_436 = arith.addi %get3A_382, %add3A_435 : vector<16xi32>
    %jit3A_437 = arith.constant 0 : i32
    %jit3A_438 = arith.constant 511 : i32
    %max3A_439 = vector.broadcast %jit3A_437 : i32 to vector<16xi32>
    %max3A_440 = arith.maxsi %max3A_439, %add3A_436 : vector<16xi32>
    %min3A_441 = vector.broadcast %jit3A_438 : i32 to vector<16xi32>
    %min3A_442 = arith.minsi %min3A_441, %max3A_440 : vector<16xi32>
    %add3A_443 = arith.constant 1 : i32
    %add3A_444 = vector.broadcast %add3A_443 : i32 to vector<16xi32>
    %add3A_445 = arith.addi %get3A_382, %add3A_444 : vector<16xi32>
    %jit3A_446 = arith.constant 0 : i32
    %jit3A_447 = arith.constant 511 : i32
    %max3A_448 = vector.broadcast %jit3A_446 : i32 to vector<16xi32>
    %max3A_449 = arith.maxsi %max3A_448, %add3A_445 : vector<16xi32>
    %min3A_450 = vector.broadcast %jit3A_447 : i32 to vector<16xi32>
    %min3A_451 = arith.minsi %min3A_450, %max3A_449 : vector<16xi32>
    %add3A_452 = arith.addi %add3A_396, %min3A_433 : vector<16xi32>
    %swap3A_453 = arith.constant 0 : index
    %swap3A_454 = tpu.vector_load %arg10[%swap3A_453] {strides = array<i32>} : memref<256xi32, #tpu.memory_space<vmem>>, vector<16xi32>,
    tpu.vector_store %arg10[%swap3A_453], %add3A_452 {strides = array<i32>} : memref<256xi32, #tpu.memory_space<vmem>>, vector<16xi32>,
    %add3A_455 = arith.addi %add3A_396, %min3A_442 : vector<16xi32>
    %swap3A_456 = arith.constant 32 : index
    %swap3A_457 = tpu.vector_load %arg10[%swap3A_456] {strides = array<i32>} : memref<256xi32, #tpu.memory_space<vmem>>, vector<16xi32>,
    tpu.vector_store %arg10[%swap3A_456], %add3A_455 {strides = array<i32>} : memref<256xi32, #tpu.memory_space<vmem>>, vector<16xi32>,
    %add3A_458 = arith.addi %add3A_396, %min3A_451 : vector<16xi32>
    %swap3A_459 = arith.constant 64 : index
    %swap3A_460 = tpu.vector_load %arg10[%swap3A_459] {strides = array<i32>} : memref<256xi32, #tpu.memory_space<vmem>>, vector<16xi32>,
    tpu.vector_store %arg10[%swap3A_459], %add3A_458 {strides = array<i32>} : memref<256xi32, #tpu.memory_space<vmem>>, vector<16xi32>,
    %add3A_461 = arith.addi %add3A_410, %min3A_433 : vector<16xi32>
    %swap3A_462 = arith.constant 96 : index
    %swap3A_463 = tpu.vector_load %arg10[%swap3A_462] {strides = array<i32>} : memref<256xi32, #tpu.memory_space<vmem>>, vector<16xi32>,
    tpu.vector_store %arg10[%swap3A_462], %add3A_461 {strides = array<i32>} : memref<256xi32, #tpu.memory_space<vmem>>, vector<16xi32>,
    %add3A_464 = arith.addi %add3A_410, %min3A_451 : vector<16xi32>
    %swap3A_465 = arith.constant 128 : index
    %swap3A_466 = tpu.vector_load %arg10[%swap3A_465] {strides = array<i32>} : memref<256xi32, #tpu.memory_space<vmem>>, vector<16xi32>,
    tpu.vector_store %arg10[%swap3A_465], %add3A_464 {strides = array<i32>} : memref<256xi32, #tpu.memory_space<vmem>>, vector<16xi32>,
    %add3A_467 = arith.addi %add3A_424, %min3A_433 : vector<16xi32>
    %swap3A_468 = arith.constant 160 : index
    %swap3A_469 = tpu.vector_load %arg10[%swap3A_468] {strides = array<i32>} : memref<256xi32, #tpu.memory_space<vmem>>, vector<16xi32>,
    tpu.vector_store %arg10[%swap3A_468], %add3A_467 {strides = array<i32>} : memref<256xi32, #tpu.memory_space<vmem>>, vector<16xi32>,
    %add3A_470 = arith.addi %add3A_424, %min3A_442 : vector<16xi32>
    %swap3A_471 = arith.constant 192 : index
    %swap3A_472 = tpu.vector_load %arg10[%swap3A_471] {strides = array<i32>} : memref<256xi32, #tpu.memory_space<vmem>>, vector<16xi32>,
    tpu.vector_store %arg10[%swap3A_471], %add3A_470 {strides = array<i32>} : memref<256xi32, #tpu.memory_space<vmem>>, vector<16xi32>,
    %add3A_473 = arith.addi %add3A_424, %min3A_451 : vector<16xi32>
    %swap3A_474 = arith.constant 224 : index
    %swap3A_475 = tpu.vector_load %arg10[%swap3A_474] {strides = array<i32>} : memref<256xi32, #tpu.memory_space<vmem>>, vector<16xi32>,
    tpu.vector_store %arg10[%swap3A_474], %add3A_473 {strides = array<i32>} : memref<256xi32, #tpu.memory_space<vmem>>, vector<16xi32>,
    %get3A_476 = arith.constant 48 : index
    %get3A_477 = tpu.vector_load %arg5[%get3A_476] {strides = array<i32>} : memref<64xi32, #tpu.memory_space<vmem>>, vector<16xi32>,
    %get3A_478 = arith.constant 48 : index
    %get3A_479 = tpu.vector_load %arg6[%get3A_478] {strides = array<i32>} : memref<64xi32, #tpu.memory_space<vmem>>, vector<16xi32>,
    %add3A_480 = arith.constant -1 : i32
    %add3A_481 = vector.broadcast %add3A_480 : i32 to vector<16xi32>
    %add3A_482 = arith.addi %get3A_477, %add3A_481 : vector<16xi32>
    %jit3A_483 = arith.constant 0 : i32
    %jit3A_484 = arith.constant 511 : i32
    %max3A_485 = vector.broadcast %jit3A_483 : i32 to vector<16xi32>
    %max3A_486 = arith.maxsi %max3A_485, %add3A_482 : vector<16xi32>
    %min3A_487 = vector.broadcast %jit3A_484 : i32 to vector<16xi32>
    %min3A_488 = arith.minsi %min3A_487, %max3A_486 : vector<16xi32>
    %shift_left3A_489 = arith.constant 9 : i32
    %shift_left3A_490 = vector.broadcast %shift_left3A_489 : i32 to vector<16xi32>
    %shift_left3A_491 = arith.shli %min3A_488, %shift_left3A_490 : vector<16xi32>
    %add3A_492 = vector.broadcast %mul3A_61 : i32 to vector<16xi32>
    %add3A_493 = arith.addi %shift_left3A_491, %add3A_492 : vector<16xi32>
    %add3A_494 = arith.constant 0 : i32
    %add3A_495 = vector.broadcast %add3A_494 : i32 to vector<16xi32>
    %add3A_496 = arith.addi %get3A_477, %add3A_495 : vector<16xi32>
    %jit3A_497 = arith.constant 0 : i32
    %jit3A_498 = arith.constant 511 : i32
    %max3A_499 = vector.broadcast %jit3A_497 : i32 to vector<16xi32>
    %max3A_500 = arith.maxsi %max3A_499, %add3A_496 : vector<16xi32>
    %min3A_501 = vector.broadcast %jit3A_498 : i32 to vector<16xi32>
    %min3A_502 = arith.minsi %min3A_501, %max3A_500 : vector<16xi32>
    %shift_left3A_503 = arith.constant 9 : i32
    %shift_left3A_504 = vector.broadcast %shift_left3A_503 : i32 to vector<16xi32>
    %shift_left3A_505 = arith.shli %min3A_502, %shift_left3A_504 : vector<16xi32>
    %add3A_506 = vector.broadcast %mul3A_61 : i32 to vector<16xi32>
    %add3A_507 = arith.addi %shift_left3A_505, %add3A_506 : vector<16xi32>
    %add3A_508 = arith.constant 1 : i32
    %add3A_509 = vector.broadcast %add3A_508 : i32 to vector<16xi32>
    %add3A_510 = arith.addi %get3A_477, %add3A_509 : vector<16xi32>
    %jit3A_511 = arith.constant 0 : i32
    %jit3A_512 = arith.constant 511 : i32
    %max3A_513 = vector.broadcast %jit3A_511 : i32 to vector<16xi32>
    %max3A_514 = arith.maxsi %max3A_513, %add3A_510 : vector<16xi32>
    %min3A_515 = vector.broadcast %jit3A_512 : i32 to vector<16xi32>
    %min3A_516 = arith.minsi %min3A_515, %max3A_514 : vector<16xi32>
    %shift_left3A_517 = arith.constant 9 : i32
    %shift_left3A_518 = vector.broadcast %shift_left3A_517 : i32 to vector<16xi32>
    %shift_left3A_519 = arith.shli %min3A_516, %shift_left3A_518 : vector<16xi32>
    %add3A_520 = vector.broadcast %mul3A_61 : i32 to vector<16xi32>
    %add3A_521 = arith.addi %shift_left3A_519, %add3A_520 : vector<16xi32>
    %add3A_522 = arith.constant -1 : i32
    %add3A_523 = vector.broadcast %add3A_522 : i32 to vector<16xi32>
    %add3A_524 = arith.addi %get3A_479, %add3A_523 : vector<16xi32>
    %jit3A_525 = arith.constant 0 : i32
    %jit3A_526 = arith.constant 511 : i32
    %max3A_527 = vector.broadcast %jit3A_525 : i32 to vector<16xi32>
    %max3A_528 = arith.maxsi %max3A_527, %add3A_524 : vector<16xi32>
    %min3A_529 = vector.broadcast %jit3A_526 : i32 to vector<16xi32>
    %min3A_530 = arith.minsi %min3A_529, %max3A_528 : vector<16xi32>
    %add3A_531 = arith.constant 0 : i32
    %add3A_532 = vector.broadcast %add3A_531 : i32 to vector<16xi32>
    %add3A_533 = arith.addi %get3A_479, %add3A_532 : vector<16xi32>
    %jit3A_534 = arith.constant 0 : i32
    %jit3A_535 = arith.constant 511 : i32
    %max3A_536 = vector.broadcast %jit3A_534 : i32 to vector<16xi32>
    %max3A_537 = arith.maxsi %max3A_536, %add3A_533 : vector<16xi32>
    %min3A_538 = vector.broadcast %jit3A_535 : i32 to vector<16xi32>
    %min3A_539 = arith.minsi %min3A_538, %max3A_537 : vector<16xi32>
    %add3A_540 = arith.constant 1 : i32
    %add3A_541 = vector.broadcast %add3A_540 : i32 to vector<16xi32>
    %add3A_542 = arith.addi %get3A_479, %add3A_541 : vector<16xi32>
    %jit3A_543 = arith.constant 0 : i32
    %jit3A_544 = arith.constant 511 : i32
    %max3A_545 = vector.broadcast %jit3A_543 : i32 to vector<16xi32>
    %max3A_546 = arith.maxsi %max3A_545, %add3A_542 : vector<16xi32>
    %min3A_547 = vector.broadcast %jit3A_544 : i32 to vector<16xi32>
    %min3A_548 = arith.minsi %min3A_547, %max3A_546 : vector<16xi32>
    %add3A_549 = arith.addi %add3A_493, %min3A_530 : vector<16xi32>
    %swap3A_550 = arith.constant 16 : index
    %swap3A_551 = tpu.vector_load %arg10[%swap3A_550] {strides = array<i32>} : memref<256xi32, #tpu.memory_space<vmem>>, vector<16xi32>,
    tpu.vector_store %arg10[%swap3A_550], %add3A_549 {strides = array<i32>} : memref<256xi32, #tpu.memory_space<vmem>>, vector<16xi32>,
    %add3A_552 = arith.addi %add3A_493, %min3A_539 : vector<16xi32>
    %swap3A_553 = arith.constant 48 : index
    %swap3A_554 = tpu.vector_load %arg10[%swap3A_553] {strides = array<i32>} : memref<256xi32, #tpu.memory_space<vmem>>, vector<16xi32>,
    tpu.vector_store %arg10[%swap3A_553], %add3A_552 {strides = array<i32>} : memref<256xi32, #tpu.memory_space<vmem>>, vector<16xi32>,
    %add3A_555 = arith.addi %add3A_493, %min3A_548 : vector<16xi32>
    %swap3A_556 = arith.constant 80 : index
    %swap3A_557 = tpu.vector_load %arg10[%swap3A_556] {strides = array<i32>} : memref<256xi32, #tpu.memory_space<vmem>>, vector<16xi32>,
    tpu.vector_store %arg10[%swap3A_556], %add3A_555 {strides = array<i32>} : memref<256xi32, #tpu.memory_space<vmem>>, vector<16xi32>,
    %add3A_558 = arith.addi %add3A_507, %min3A_530 : vector<16xi32>
    %swap3A_559 = arith.constant 112 : index
    %swap3A_560 = tpu.vector_load %arg10[%swap3A_559] {strides = array<i32>} : memref<256xi32, #tpu.memory_space<vmem>>, vector<16xi32>,
    tpu.vector_store %arg10[%swap3A_559], %add3A_558 {strides = array<i32>} : memref<256xi32, #tpu.memory_space<vmem>>, vector<16xi32>,
    %add3A_561 = arith.addi %add3A_507, %min3A_548 : vector<16xi32>
    %swap3A_562 = arith.constant 144 : index
    %swap3A_563 = tpu.vector_load %arg10[%swap3A_562] {strides = array<i32>} : memref<256xi32, #tpu.memory_space<vmem>>, vector<16xi32>,
    tpu.vector_store %arg10[%swap3A_562], %add3A_561 {strides = array<i32>} : memref<256xi32, #tpu.memory_space<vmem>>, vector<16xi32>,
    %add3A_564 = arith.addi %add3A_521, %min3A_530 : vector<16xi32>
    %swap3A_565 = arith.constant 176 : index
    %swap3A_566 = tpu.vector_load %arg10[%swap3A_565] {strides = array<i32>} : memref<256xi32, #tpu.memory_space<vmem>>, vector<16xi32>,
    tpu.vector_store %arg10[%swap3A_565], %add3A_564 {strides = array<i32>} : memref<256xi32, #tpu.memory_space<vmem>>, vector<16xi32>,
    %add3A_567 = arith.addi %add3A_521, %min3A_539 : vector<16xi32>
    %swap3A_568 = arith.constant 208 : index
    %swap3A_569 = tpu.vector_load %arg10[%swap3A_568] {strides = array<i32>} : memref<256xi32, #tpu.memory_space<vmem>>, vector<16xi32>,
    tpu.vector_store %arg10[%swap3A_568], %add3A_567 {strides = array<i32>} : memref<256xi32, #tpu.memory_space<vmem>>, vector<16xi32>,
    %add3A_570 = arith.addi %add3A_521, %min3A_548 : vector<16xi32>
    %swap3A_571 = arith.constant 240 : index
    %swap3A_572 = tpu.vector_load %arg10[%swap3A_571] {strides = array<i32>} : memref<256xi32, #tpu.memory_space<vmem>>, vector<16xi32>,
    tpu.vector_store %arg10[%swap3A_571], %add3A_570 {strides = array<i32>} : memref<256xi32, #tpu.memory_space<vmem>>, vector<16xi32>,
    %dma_start3A_573 = arith.constant 0 : i32
    %dma_start3A_574 = tpu.memref_slice %arg11[%dma_start3A_573] : memref<256xf32, #tpu.memory_space<vmem>> -> memref<128xf32, #tpu.memory_space<vmem>>
    %dma_start3A_575 = arith.constant 0 : i32
    %dma_start3A_576 = tpu.memref_slice %arg10[%dma_start3A_575] : memref<256xi32, #tpu.memory_space<vmem>> -> memref<128xi32, #tpu.memory_space<vmem>>
    %dma_start3A_577 = arith.constant 0 : i32
    %dma_start3A_578 = tpu.memref_slice %arg13[%dma_start3A_577] : memref<1048576xf32, #tpu.memory_space<vmem_shared>> -> memref<1048576xf32, #tpu.memory_space<vmem_shared>>
    tpu.enqueue_indirect_dma source(%dma_start3A_578 : memref<1048576xf32, #tpu.memory_space<vmem_shared>>) target(%dma_start3A_574 : memref<128xf32, #tpu.memory_space<vmem>>) offsets(%dma_start3A_576 : memref<128xi32, #tpu.memory_space<vmem>>) semaphore(%arg15 : memref<!tpu.dma_semaphore, #tpu.memory_space<semaphore_mem>>)
    %dma_start3A_579 = arith.constant 128 : i32
    %dma_start3A_580 = tpu.memref_slice %arg11[%dma_start3A_579] : memref<256xf32, #tpu.memory_space<vmem>> -> memref<128xf32, #tpu.memory_space<vmem>>
    %dma_start3A_581 = arith.constant 128 : i32
    %dma_start3A_582 = tpu.memref_slice %arg10[%dma_start3A_581] : memref<256xi32, #tpu.memory_space<vmem>> -> memref<128xi32, #tpu.memory_space<vmem>>
    %dma_start3A_583 = arith.constant 0 : i32
    %dma_start3A_584 = tpu.memref_slice %arg13[%dma_start3A_583] : memref<1048576xf32, #tpu.memory_space<vmem_shared>> -> memref<1048576xf32, #tpu.memory_space<vmem_shared>>
    tpu.enqueue_indirect_dma source(%dma_start3A_584 : memref<1048576xf32, #tpu.memory_space<vmem_shared>>) target(%dma_start3A_580 : memref<128xf32, #tpu.memory_space<vmem>>) offsets(%dma_start3A_582 : memref<128xi32, #tpu.memory_space<vmem>>) semaphore(%arg15 : memref<!tpu.dma_semaphore, #tpu.memory_space<semaphore_mem>>)
    %scan3A = arith.constant 0 : i32
    %scan3A_585 = arith.constant 0 : i32
    %scan3A_586 = arith.constant 20 : i32
    %scan3A_587 = arith.addi %scan3A_585, %scan3A_586 : i32
    %scan3A_588 = arith.constant 1 : i32
    scf.for %scan3A_675 = %scan3A_585 to %scan3A_587 step %scan3A_588  : i32 {
      %dma_wait3A_676 = arith.constant 0 : i32
      %dma_wait3A_677 = tpu.memref_slice %arg9[%dma_wait3A_676] : memref<256xf32, #tpu.memory_space<vmem>> -> memref<128xf32, #tpu.memory_space<vmem>>
      %dma_wait3A_678 = arith.constant 0 : i32
      %dma_wait3A_679 = tpu.memref_slice %arg8[%dma_wait3A_678] : memref<256xi32, #tpu.memory_space<vmem>> -> memref<128xi32, #tpu.memory_space<vmem>>
      %dma_wait3A_680 = arith.constant 0 : i32
      %dma_wait3A_681 = tpu.memref_slice %arg13[%dma_wait3A_680] : memref<1048576xf32, #tpu.memory_space<vmem_shared>> -> memref<1048576xf32, #tpu.memory_space<vmem_shared>>
      tpu.wait_indirect_dma semaphore(%arg14 : memref<!tpu.dma_semaphore, #tpu.memory_space<semaphore_mem>>) src(%dma_wait3A_681 : memref<1048576xf32, #tpu.memory_space<vmem_shared>>) dst(%dma_wait3A_677 : memref<128xf32, #tpu.memory_space<vmem>>)
      %dma_wait3A_682 = arith.constant 128 : i32
      %dma_wait3A_683 = tpu.memref_slice %arg9[%dma_wait3A_682] : memref<256xf32, #tpu.memory_space<vmem>> -> memref<128xf32, #tpu.memory_space<vmem>>
      %dma_wait3A_684 = arith.constant 128 : i32
      %dma_wait3A_685 = tpu.memref_slice %arg8[%dma_wait3A_684] : memref<256xi32, #tpu.memory_space<vmem>> -> memref<128xi32, #tpu.memory_space<vmem>>
      %dma_wait3A_686 = arith.constant 0 : i32
      %dma_wait3A_687 = tpu.memref_slice %arg13[%dma_wait3A_686] : memref<1048576xf32, #tpu.memory_space<vmem_shared>> -> memref<1048576xf32, #tpu.memory_space<vmem_shared>>
      tpu.wait_indirect_dma semaphore(%arg14 : memref<!tpu.dma_semaphore, #tpu.memory_space<semaphore_mem>>) src(%dma_wait3A_687 : memref<1048576xf32, #tpu.memory_space<vmem_shared>>) dst(%dma_wait3A_683 : memref<128xf32, #tpu.memory_space<vmem>>)
      %get3A_688 = arith.constant 0 : index
      %get3A_689 = tpu.vector_load %arg5[%get3A_688] {strides = array<i32>} : memref<64xi32, #tpu.memory_space<vmem>>, vector<16xi32>,
      %get3A_690 = arith.constant 0 : index
      %get3A_691 = tpu.vector_load %arg6[%get3A_690] {strides = array<i32>} : memref<64xi32, #tpu.memory_space<vmem>>, vector<16xi32>,
      %get3A_692 = arith.constant 0 : index
      %get3A_693 = tpu.vector_load %arg9[%get3A_692] {strides = array<i32>} : memref<256xf32, #tpu.memory_space<vmem>>, vector<16xf32>,
      %broadcast_in_dim3A = arith.constant -1 : i32
      %broadcast_in_dim3A_694 = vector.broadcast %broadcast_in_dim3A : i32 to vector<16xi32>
      %broadcast_in_dim3A_695 = arith.constant -1 : i32
      %broadcast_in_dim3A_696 = vector.broadcast %broadcast_in_dim3A_695 : i32 to vector<16xi32>
      %get3A_697 = arith.constant 32 : index
      %get3A_698 = tpu.vector_load %arg9[%get3A_697] {strides = array<i32>} : memref<256xf32, #tpu.memory_space<vmem>>, vector<16xf32>,
      %gt3A = arith.cmpf ogt, %get3A_698, %get3A_693 : vector<16xf32>
      %select_n3A_699 = arith.select %gt3A, %get3A_698, %get3A_693 : vector<16xi1>, vector<16xf32>
      %jit3A_700 = arith.constant -1 : i32
      %broadcast_in_dim3A_701 = vector.broadcast %jit3A_700 : i32 to vector<16xi32>
      %select_n3A_702 = arith.select %gt3A, %broadcast_in_dim3A_701, %broadcast_in_dim3A_694 : vector<16xi1>, vector<16xi32>
      %jit3A_703 = arith.constant 0 : i32
      %broadcast_in_dim3A_704 = vector.broadcast %jit3A_703 : i32 to vector<16xi32>
      %select_n3A_705 = arith.select %gt3A, %broadcast_in_dim3A_704, %broadcast_in_dim3A_696 : vector<16xi1>, vector<16xi32>
      %get3A_706 = arith.constant 64 : index
      %get3A_707 = tpu.vector_load %arg9[%get3A_706] {strides = array<i32>} : memref<256xf32, #tpu.memory_space<vmem>>, vector<16xf32>,
      %gt3A_708 = arith.cmpf ogt, %get3A_707, %select_n3A_699 : vector<16xf32>
      %select_n3A_709 = arith.select %gt3A_708, %get3A_707, %select_n3A_699 : vector<16xi1>, vector<16xf32>
      %jit3A_710 = arith.constant -1 : i32
      %broadcast_in_dim3A_711 = vector.broadcast %jit3A_710 : i32 to vector<16xi32>
      %select_n3A_712 = arith.select %gt3A_708, %broadcast_in_dim3A_711, %select_n3A_702 : vector<16xi1>, vector<16xi32>
      %jit3A_713 = arith.constant 1 : i32
      %broadcast_in_dim3A_714 = vector.broadcast %jit3A_713 : i32 to vector<16xi32>
      %select_n3A_715 = arith.select %gt3A_708, %broadcast_in_dim3A_714, %select_n3A_705 : vector<16xi1>, vector<16xi32>
      %get3A_716 = arith.constant 96 : index
      %get3A_717 = tpu.vector_load %arg9[%get3A_716] {strides = array<i32>} : memref<256xf32, #tpu.memory_space<vmem>>, vector<16xf32>,
      %gt3A_718 = arith.cmpf ogt, %get3A_717, %select_n3A_709 : vector<16xf32>
      %select_n3A_719 = arith.select %gt3A_718, %get3A_717, %select_n3A_709 : vector<16xi1>, vector<16xf32>
      %jit3A_720 = arith.constant 0 : i32
      %broadcast_in_dim3A_721 = vector.broadcast %jit3A_720 : i32 to vector<16xi32>
      %select_n3A_722 = arith.select %gt3A_718, %broadcast_in_dim3A_721, %select_n3A_712 : vector<16xi1>, vector<16xi32>
      %jit3A_723 = arith.constant -1 : i32
      %broadcast_in_dim3A_724 = vector.broadcast %jit3A_723 : i32 to vector<16xi32>
      %select_n3A_725 = arith.select %gt3A_718, %broadcast_in_dim3A_724, %select_n3A_715 : vector<16xi1>, vector<16xi32>
      %get3A_726 = arith.constant 0 : index
      %get3A_727 = tpu.vector_load %arg7[%get3A_726] {strides = array<i32>} : memref<64xf32, #tpu.memory_space<vmem>>, vector<16xf32>,
      %gt3A_728 = arith.cmpf ogt, %get3A_727, %select_n3A_719 : vector<16xf32>
      %select_n3A_729 = arith.select %gt3A_728, %get3A_727, %select_n3A_719 : vector<16xi1>, vector<16xf32>
      %jit3A_730 = arith.constant 0 : i32
      %broadcast_in_dim3A_731 = vector.broadcast %jit3A_730 : i32 to vector<16xi32>
      %select_n3A_732 = arith.select %gt3A_728, %broadcast_in_dim3A_731, %select_n3A_722 : vector<16xi1>, vector<16xi32>
      %jit3A_733 = arith.constant 0 : i32
      %broadcast_in_dim3A_734 = vector.broadcast %jit3A_733 : i32 to vector<16xi32>
      %select_n3A_735 = arith.select %gt3A_728, %broadcast_in_dim3A_734, %select_n3A_725 : vector<16xi1>, vector<16xi32>
      %get3A_736 = arith.constant 128 : index
      %get3A_737 = tpu.vector_load %arg9[%get3A_736] {strides = array<i32>} : memref<256xf32, #tpu.memory_space<vmem>>, vector<16xf32>,
      %gt3A_738 = arith.cmpf ogt, %get3A_737, %select_n3A_729 : vector<16xf32>
      %select_n3A_739 = arith.select %gt3A_738, %get3A_737, %select_n3A_729 : vector<16xi1>, vector<16xf32>
      %jit3A_740 = arith.constant 0 : i32
      %broadcast_in_dim3A_741 = vector.broadcast %jit3A_740 : i32 to vector<16xi32>
      %select_n3A_742 = arith.select %gt3A_738, %broadcast_in_dim3A_741, %select_n3A_732 : vector<16xi1>, vector<16xi32>
      %jit3A_743 = arith.constant 1 : i32
      %broadcast_in_dim3A_744 = vector.broadcast %jit3A_743 : i32 to vector<16xi32>
      %select_n3A_745 = arith.select %gt3A_738, %broadcast_in_dim3A_744, %select_n3A_735 : vector<16xi1>, vector<16xi32>
      %get3A_746 = arith.constant 160 : index
      %get3A_747 = tpu.vector_load %arg9[%get3A_746] {strides = array<i32>} : memref<256xf32, #tpu.memory_space<vmem>>, vector<16xf32>,
      %gt3A_748 = arith.cmpf ogt, %get3A_747, %select_n3A_739 : vector<16xf32>
      %select_n3A_749 = arith.select %gt3A_748, %get3A_747, %select_n3A_739 : vector<16xi1>, vector<16xf32>
      %jit3A_750 = arith.constant 1 : i32
      %broadcast_in_dim3A_751 = vector.broadcast %jit3A_750 : i32 to vector<16xi32>
      %select_n3A_752 = arith.select %gt3A_748, %broadcast_in_dim3A_751, %select_n3A_742 : vector<16xi1>, vector<16xi32>
      %jit3A_753 = arith.constant -1 : i32
      %broadcast_in_dim3A_754 = vector.broadcast %jit3A_753 : i32 to vector<16xi32>
      %select_n3A_755 = arith.select %gt3A_748, %broadcast_in_dim3A_754, %select_n3A_745 : vector<16xi1>, vector<16xi32>
      %get3A_756 = arith.constant 192 : index
      %get3A_757 = tpu.vector_load %arg9[%get3A_756] {strides = array<i32>} : memref<256xf32, #tpu.memory_space<vmem>>, vector<16xf32>,
      %gt3A_758 = arith.cmpf ogt, %get3A_757, %select_n3A_749 : vector<16xf32>
      %select_n3A_759 = arith.select %gt3A_758, %get3A_757, %select_n3A_749 : vector<16xi1>, vector<16xf32>
      %jit3A_760 = arith.constant 1 : i32
      %broadcast_in_dim3A_761 = vector.broadcast %jit3A_760 : i32 to vector<16xi32>
      %select_n3A_762 = arith.select %gt3A_758, %broadcast_in_dim3A_761, %select_n3A_752 : vector<16xi1>, vector<16xi32>
      %jit3A_763 = arith.constant 0 : i32
      %broadcast_in_dim3A_764 = vector.broadcast %jit3A_763 : i32 to vector<16xi32>
      %select_n3A_765 = arith.select %gt3A_758, %broadcast_in_dim3A_764, %select_n3A_755 : vector<16xi1>, vector<16xi32>
      %get3A_766 = arith.constant 224 : index
      %get3A_767 = tpu.vector_load %arg9[%get3A_766] {strides = array<i32>} : memref<256xf32, #tpu.memory_space<vmem>>, vector<16xf32>,
      %gt3A_768 = arith.cmpf ogt, %get3A_767, %select_n3A_759 : vector<16xf32>
      %select_n3A_769 = arith.select %gt3A_768, %get3A_767, %select_n3A_759 : vector<16xi1>, vector<16xf32>
      %jit3A_770 = arith.constant 1 : i32
      %broadcast_in_dim3A_771 = vector.broadcast %jit3A_770 : i32 to vector<16xi32>
      %select_n3A_772 = arith.select %gt3A_768, %broadcast_in_dim3A_771, %select_n3A_762 : vector<16xi1>, vector<16xi32>
      %jit3A_773 = arith.constant 1 : i32
      %broadcast_in_dim3A_774 = vector.broadcast %jit3A_773 : i32 to vector<16xi32>
      %select_n3A_775 = arith.select %gt3A_768, %broadcast_in_dim3A_774, %select_n3A_765 : vector<16xi1>, vector<16xi32>
      %swap3A_776 = arith.constant 0 : index
      %swap3A_777 = tpu.vector_load %arg7[%swap3A_776] {strides = array<i32>} : memref<64xf32, #tpu.memory_space<vmem>>, vector<16xf32>,
      tpu.vector_store %arg7[%swap3A_776], %select_n3A_769 {strides = array<i32>} : memref<64xf32, #tpu.memory_space<vmem>>, vector<16xf32>,
      %add3A_778 = arith.addi %get3A_689, %select_n3A_772 : vector<16xi32>
      %jit3A_779 = arith.constant 0 : i32
      %jit3A_780 = arith.constant 511 : i32
      %max3A_781 = vector.broadcast %jit3A_779 : i32 to vector<16xi32>
      %max3A_782 = arith.maxsi %max3A_781, %add3A_778 : vector<16xi32>
      %min3A_783 = vector.broadcast %jit3A_780 : i32 to vector<16xi32>
      %min3A_784 = arith.minsi %min3A_783, %max3A_782 : vector<16xi32>
      %swap3A_785 = arith.constant 0 : index
      %swap3A_786 = tpu.vector_load %arg5[%swap3A_785] {strides = array<i32>} : memref<64xi32, #tpu.memory_space<vmem>>, vector<16xi32>,
      tpu.vector_store %arg5[%swap3A_785], %min3A_784 {strides = array<i32>} : memref<64xi32, #tpu.memory_space<vmem>>, vector<16xi32>,
      %add3A_787 = arith.addi %get3A_691, %select_n3A_775 : vector<16xi32>
      %jit3A_788 = arith.constant 0 : i32
      %jit3A_789 = arith.constant 511 : i32
      %max3A_790 = vector.broadcast %jit3A_788 : i32 to vector<16xi32>
      %max3A_791 = arith.maxsi %max3A_790, %add3A_787 : vector<16xi32>
      %min3A_792 = vector.broadcast %jit3A_789 : i32 to vector<16xi32>
      %min3A_793 = arith.minsi %min3A_792, %max3A_791 : vector<16xi32>
      %swap3A_794 = arith.constant 0 : index
      %swap3A_795 = tpu.vector_load %arg6[%swap3A_794] {strides = array<i32>} : memref<64xi32, #tpu.memory_space<vmem>>, vector<16xi32>,
      tpu.vector_store %arg6[%swap3A_794], %min3A_793 {strides = array<i32>} : memref<64xi32, #tpu.memory_space<vmem>>, vector<16xi32>,
      %get3A_796 = arith.constant 16 : index
      %get3A_797 = tpu.vector_load %arg5[%get3A_796] {strides = array<i32>} : memref<64xi32, #tpu.memory_space<vmem>>, vector<16xi32>,
      %get3A_798 = arith.constant 16 : index
      %get3A_799 = tpu.vector_load %arg6[%get3A_798] {strides = array<i32>} : memref<64xi32, #tpu.memory_space<vmem>>, vector<16xi32>,
      %get3A_800 = arith.constant 16 : index
      %get3A_801 = tpu.vector_load %arg9[%get3A_800] {strides = array<i32>} : memref<256xf32, #tpu.memory_space<vmem>>, vector<16xf32>,
      %broadcast_in_dim3A_802 = arith.constant -1 : i32
      %broadcast_in_dim3A_803 = vector.broadcast %broadcast_in_dim3A_802 : i32 to vector<16xi32>
      %broadcast_in_dim3A_804 = arith.constant -1 : i32
      %broadcast_in_dim3A_805 = vector.broadcast %broadcast_in_dim3A_804 : i32 to vector<16xi32>
      %get3A_806 = arith.constant 48 : index
      %get3A_807 = tpu.vector_load %arg9[%get3A_806] {strides = array<i32>} : memref<256xf32, #tpu.memory_space<vmem>>, vector<16xf32>,
      %gt3A_808 = arith.cmpf ogt, %get3A_807, %get3A_801 : vector<16xf32>
      %select_n3A_809 = arith.select %gt3A_808, %get3A_807, %get3A_801 : vector<16xi1>, vector<16xf32>
      %jit3A_810 = arith.constant -1 : i32
      %broadcast_in_dim3A_811 = vector.broadcast %jit3A_810 : i32 to vector<16xi32>
      %select_n3A_812 = arith.select %gt3A_808, %broadcast_in_dim3A_811, %broadcast_in_dim3A_803 : vector<16xi1>, vector<16xi32>
      %jit3A_813 = arith.constant 0 : i32
      %broadcast_in_dim3A_814 = vector.broadcast %jit3A_813 : i32 to vector<16xi32>
      %select_n3A_815 = arith.select %gt3A_808, %broadcast_in_dim3A_814, %broadcast_in_dim3A_805 : vector<16xi1>, vector<16xi32>
      %get3A_816 = arith.constant 80 : index
      %get3A_817 = tpu.vector_load %arg9[%get3A_816] {strides = array<i32>} : memref<256xf32, #tpu.memory_space<vmem>>, vector<16xf32>,
      %gt3A_818 = arith.cmpf ogt, %get3A_817, %select_n3A_809 : vector<16xf32>
      %select_n3A_819 = arith.select %gt3A_818, %get3A_817, %select_n3A_809 : vector<16xi1>, vector<16xf32>
      %jit3A_820 = arith.constant -1 : i32
      %broadcast_in_dim3A_821 = vector.broadcast %jit3A_820 : i32 to vector<16xi32>
      %select_n3A_822 = arith.select %gt3A_818, %broadcast_in_dim3A_821, %select_n3A_812 : vector<16xi1>, vector<16xi32>
      %jit3A_823 = arith.constant 1 : i32
      %broadcast_in_dim3A_824 = vector.broadcast %jit3A_823 : i32 to vector<16xi32>
      %select_n3A_825 = arith.select %gt3A_818, %broadcast_in_dim3A_824, %select_n3A_815 : vector<16xi1>, vector<16xi32>
      %get3A_826 = arith.constant 112 : index
      %get3A_827 = tpu.vector_load %arg9[%get3A_826] {strides = array<i32>} : memref<256xf32, #tpu.memory_space<vmem>>, vector<16xf32>,
      %gt3A_828 = arith.cmpf ogt, %get3A_827, %select_n3A_819 : vector<16xf32>
      %select_n3A_829 = arith.select %gt3A_828, %get3A_827, %select_n3A_819 : vector<16xi1>, vector<16xf32>
      %jit3A_830 = arith.constant 0 : i32
      %broadcast_in_dim3A_831 = vector.broadcast %jit3A_830 : i32 to vector<16xi32>
      %select_n3A_832 = arith.select %gt3A_828, %broadcast_in_dim3A_831, %select_n3A_822 : vector<16xi1>, vector<16xi32>
      %jit3A_833 = arith.constant -1 : i32
      %broadcast_in_dim3A_834 = vector.broadcast %jit3A_833 : i32 to vector<16xi32>
      %select_n3A_835 = arith.select %gt3A_828, %broadcast_in_dim3A_834, %select_n3A_825 : vector<16xi1>, vector<16xi32>
      %get3A_836 = arith.constant 16 : index
      %get3A_837 = tpu.vector_load %arg7[%get3A_836] {strides = array<i32>} : memref<64xf32, #tpu.memory_space<vmem>>, vector<16xf32>,
      %gt3A_838 = arith.cmpf ogt, %get3A_837, %select_n3A_829 : vector<16xf32>
      %select_n3A_839 = arith.select %gt3A_838, %get3A_837, %select_n3A_829 : vector<16xi1>, vector<16xf32>
      %jit3A_840 = arith.constant 0 : i32
      %broadcast_in_dim3A_841 = vector.broadcast %jit3A_840 : i32 to vector<16xi32>
      %select_n3A_842 = arith.select %gt3A_838, %broadcast_in_dim3A_841, %select_n3A_832 : vector<16xi1>, vector<16xi32>
      %jit3A_843 = arith.constant 0 : i32
      %broadcast_in_dim3A_844 = vector.broadcast %jit3A_843 : i32 to vector<16xi32>
      %select_n3A_845 = arith.select %gt3A_838, %broadcast_in_dim3A_844, %select_n3A_835 : vector<16xi1>, vector<16xi32>
      %get3A_846 = arith.constant 144 : index
      %get3A_847 = tpu.vector_load %arg9[%get3A_846] {strides = array<i32>} : memref<256xf32, #tpu.memory_space<vmem>>, vector<16xf32>,
      %gt3A_848 = arith.cmpf ogt, %get3A_847, %select_n3A_839 : vector<16xf32>
      %select_n3A_849 = arith.select %gt3A_848, %get3A_847, %select_n3A_839 : vector<16xi1>, vector<16xf32>
      %jit3A_850 = arith.constant 0 : i32
      %broadcast_in_dim3A_851 = vector.broadcast %jit3A_850 : i32 to vector<16xi32>
      %select_n3A_852 = arith.select %gt3A_848, %broadcast_in_dim3A_851, %select_n3A_842 : vector<16xi1>, vector<16xi32>
      %jit3A_853 = arith.constant 1 : i32
      %broadcast_in_dim3A_854 = vector.broadcast %jit3A_853 : i32 to vector<16xi32>
      %select_n3A_855 = arith.select %gt3A_848, %broadcast_in_dim3A_854, %select_n3A_845 : vector<16xi1>, vector<16xi32>
      %get3A_856 = arith.constant 176 : index
      %get3A_857 = tpu.vector_load %arg9[%get3A_856] {strides = array<i32>} : memref<256xf32, #tpu.memory_space<vmem>>, vector<16xf32>,
      %gt3A_858 = arith.cmpf ogt, %get3A_857, %select_n3A_849 : vector<16xf32>
      %select_n3A_859 = arith.select %gt3A_858, %get3A_857, %select_n3A_849 : vector<16xi1>, vector<16xf32>
      %jit3A_860 = arith.constant 1 : i32
      %broadcast_in_dim3A_861 = vector.broadcast %jit3A_860 : i32 to vector<16xi32>
      %select_n3A_862 = arith.select %gt3A_858, %broadcast_in_dim3A_861, %select_n3A_852 : vector<16xi1>, vector<16xi32>
      %jit3A_863 = arith.constant -1 : i32
      %broadcast_in_dim3A_864 = vector.broadcast %jit3A_863 : i32 to vector<16xi32>
      %select_n3A_865 = arith.select %gt3A_858, %broadcast_in_dim3A_864, %select_n3A_855 : vector<16xi1>, vector<16xi32>
      %get3A_866 = arith.constant 208 : index
      %get3A_867 = tpu.vector_load %arg9[%get3A_866] {strides = array<i32>} : memref<256xf32, #tpu.memory_space<vmem>>, vector<16xf32>,
      %gt3A_868 = arith.cmpf ogt, %get3A_867, %select_n3A_859 : vector<16xf32>
      %select_n3A_869 = arith.select %gt3A_868, %get3A_867, %select_n3A_859 : vector<16xi1>, vector<16xf32>
      %jit3A_870 = arith.constant 1 : i32
      %broadcast_in_dim3A_871 = vector.broadcast %jit3A_870 : i32 to vector<16xi32>
      %select_n3A_872 = arith.select %gt3A_868, %broadcast_in_dim3A_871, %select_n3A_862 : vector<16xi1>, vector<16xi32>
      %jit3A_873 = arith.constant 0 : i32
      %broadcast_in_dim3A_874 = vector.broadcast %jit3A_873 : i32 to vector<16xi32>
      %select_n3A_875 = arith.select %gt3A_868, %broadcast_in_dim3A_874, %select_n3A_865 : vector<16xi1>, vector<16xi32>
      %get3A_876 = arith.constant 240 : index
      %get3A_877 = tpu.vector_load %arg9[%get3A_876] {strides = array<i32>} : memref<256xf32, #tpu.memory_space<vmem>>, vector<16xf32>,
      %gt3A_878 = arith.cmpf ogt, %get3A_877, %select_n3A_869 : vector<16xf32>
      %select_n3A_879 = arith.select %gt3A_878, %get3A_877, %select_n3A_869 : vector<16xi1>, vector<16xf32>
      %jit3A_880 = arith.constant 1 : i32
      %broadcast_in_dim3A_881 = vector.broadcast %jit3A_880 : i32 to vector<16xi32>
      %select_n3A_882 = arith.select %gt3A_878, %broadcast_in_dim3A_881, %select_n3A_872 : vector<16xi1>, vector<16xi32>
      %jit3A_883 = arith.constant 1 : i32
      %broadcast_in_dim3A_884 = vector.broadcast %jit3A_883 : i32 to vector<16xi32>
      %select_n3A_885 = arith.select %gt3A_878, %broadcast_in_dim3A_884, %select_n3A_875 : vector<16xi1>, vector<16xi32>
      %swap3A_886 = arith.constant 16 : index
      %swap3A_887 = tpu.vector_load %arg7[%swap3A_886] {strides = array<i32>} : memref<64xf32, #tpu.memory_space<vmem>>, vector<16xf32>,
      tpu.vector_store %arg7[%swap3A_886], %select_n3A_879 {strides = array<i32>} : memref<64xf32, #tpu.memory_space<vmem>>, vector<16xf32>,
      %add3A_888 = arith.addi %get3A_797, %select_n3A_882 : vector<16xi32>
      %jit3A_889 = arith.constant 0 : i32
      %jit3A_890 = arith.constant 511 : i32
      %max3A_891 = vector.broadcast %jit3A_889 : i32 to vector<16xi32>
      %max3A_892 = arith.maxsi %max3A_891, %add3A_888 : vector<16xi32>
      %min3A_893 = vector.broadcast %jit3A_890 : i32 to vector<16xi32>
      %min3A_894 = arith.minsi %min3A_893, %max3A_892 : vector<16xi32>
      %swap3A_895 = arith.constant 16 : index
      %swap3A_896 = tpu.vector_load %arg5[%swap3A_895] {strides = array<i32>} : memref<64xi32, #tpu.memory_space<vmem>>, vector<16xi32>,
      tpu.vector_store %arg5[%swap3A_895], %min3A_894 {strides = array<i32>} : memref<64xi32, #tpu.memory_space<vmem>>, vector<16xi32>,
      %add3A_897 = arith.addi %get3A_799, %select_n3A_885 : vector<16xi32>
      %jit3A_898 = arith.constant 0 : i32
      %jit3A_899 = arith.constant 511 : i32
      %max3A_900 = vector.broadcast %jit3A_898 : i32 to vector<16xi32>
      %max3A_901 = arith.maxsi %max3A_900, %add3A_897 : vector<16xi32>
      %min3A_902 = vector.broadcast %jit3A_899 : i32 to vector<16xi32>
      %min3A_903 = arith.minsi %min3A_902, %max3A_901 : vector<16xi32>
      %swap3A_904 = arith.constant 16 : index
      %swap3A_905 = tpu.vector_load %arg6[%swap3A_904] {strides = array<i32>} : memref<64xi32, #tpu.memory_space<vmem>>, vector<16xi32>,
      tpu.vector_store %arg6[%swap3A_904], %min3A_903 {strides = array<i32>} : memref<64xi32, #tpu.memory_space<vmem>>, vector<16xi32>,
      %get3A_906 = arith.constant 0 : index
      %get3A_907 = tpu.vector_load %arg5[%get3A_906] {strides = array<i32>} : memref<64xi32, #tpu.memory_space<vmem>>, vector<16xi32>,
      %get3A_908 = arith.constant 0 : index
      %get3A_909 = tpu.vector_load %arg6[%get3A_908] {strides = array<i32>} : memref<64xi32, #tpu.memory_space<vmem>>, vector<16xi32>,
      %add3A_910 = arith.constant -1 : i32
      %add3A_911 = vector.broadcast %add3A_910 : i32 to vector<16xi32>
      %add3A_912 = arith.addi %get3A_907, %add3A_911 : vector<16xi32>
      %jit3A_913 = arith.constant 0 : i32
      %jit3A_914 = arith.constant 511 : i32
      %max3A_915 = vector.broadcast %jit3A_913 : i32 to vector<16xi32>
      %max3A_916 = arith.maxsi %max3A_915, %add3A_912 : vector<16xi32>
      %min3A_917 = vector.broadcast %jit3A_914 : i32 to vector<16xi32>
      %min3A_918 = arith.minsi %min3A_917, %max3A_916 : vector<16xi32>
      %shift_left3A_919 = arith.constant 9 : i32
      %shift_left3A_920 = vector.broadcast %shift_left3A_919 : i32 to vector<16xi32>
      %shift_left3A_921 = arith.shli %min3A_918, %shift_left3A_920 : vector<16xi32>
      %add3A_922 = vector.broadcast %mul3A_61 : i32 to vector<16xi32>
      %add3A_923 = arith.addi %shift_left3A_921, %add3A_922 : vector<16xi32>
      %add3A_924 = arith.constant 0 : i32
      %add3A_925 = vector.broadcast %add3A_924 : i32 to vector<16xi32>
      %add3A_926 = arith.addi %get3A_907, %add3A_925 : vector<16xi32>
      %jit3A_927 = arith.constant 0 : i32
      %jit3A_928 = arith.constant 511 : i32
      %max3A_929 = vector.broadcast %jit3A_927 : i32 to vector<16xi32>
      %max3A_930 = arith.maxsi %max3A_929, %add3A_926 : vector<16xi32>
      %min3A_931 = vector.broadcast %jit3A_928 : i32 to vector<16xi32>
      %min3A_932 = arith.minsi %min3A_931, %max3A_930 : vector<16xi32>
      %shift_left3A_933 = arith.constant 9 : i32
      %shift_left3A_934 = vector.broadcast %shift_left3A_933 : i32 to vector<16xi32>
      %shift_left3A_935 = arith.shli %min3A_932, %shift_left3A_934 : vector<16xi32>
      %add3A_936 = vector.broadcast %mul3A_61 : i32 to vector<16xi32>
      %add3A_937 = arith.addi %shift_left3A_935, %add3A_936 : vector<16xi32>
      %add3A_938 = arith.constant 1 : i32
      %add3A_939 = vector.broadcast %add3A_938 : i32 to vector<16xi32>
      %add3A_940 = arith.addi %get3A_907, %add3A_939 : vector<16xi32>
      %jit3A_941 = arith.constant 0 : i32
      %jit3A_942 = arith.constant 511 : i32
      %max3A_943 = vector.broadcast %jit3A_941 : i32 to vector<16xi32>
      %max3A_944 = arith.maxsi %max3A_943, %add3A_940 : vector<16xi32>
      %min3A_945 = vector.broadcast %jit3A_942 : i32 to vector<16xi32>
      %min3A_946 = arith.minsi %min3A_945, %max3A_944 : vector<16xi32>
      %shift_left3A_947 = arith.constant 9 : i32
      %shift_left3A_948 = vector.broadcast %shift_left3A_947 : i32 to vector<16xi32>
      %shift_left3A_949 = arith.shli %min3A_946, %shift_left3A_948 : vector<16xi32>
      %add3A_950 = vector.broadcast %mul3A_61 : i32 to vector<16xi32>
      %add3A_951 = arith.addi %shift_left3A_949, %add3A_950 : vector<16xi32>
      %add3A_952 = arith.constant -1 : i32
      %add3A_953 = vector.broadcast %add3A_952 : i32 to vector<16xi32>
      %add3A_954 = arith.addi %get3A_909, %add3A_953 : vector<16xi32>
      %jit3A_955 = arith.constant 0 : i32
      %jit3A_956 = arith.constant 511 : i32
      %max3A_957 = vector.broadcast %jit3A_955 : i32 to vector<16xi32>
      %max3A_958 = arith.maxsi %max3A_957, %add3A_954 : vector<16xi32>
      %min3A_959 = vector.broadcast %jit3A_956 : i32 to vector<16xi32>
      %min3A_960 = arith.minsi %min3A_959, %max3A_958 : vector<16xi32>
      %add3A_961 = arith.constant 0 : i32
      %add3A_962 = vector.broadcast %add3A_961 : i32 to vector<16xi32>
      %add3A_963 = arith.addi %get3A_909, %add3A_962 : vector<16xi32>
      %jit3A_964 = arith.constant 0 : i32
      %jit3A_965 = arith.constant 511 : i32
      %max3A_966 = vector.broadcast %jit3A_964 : i32 to vector<16xi32>
      %max3A_967 = arith.maxsi %max3A_966, %add3A_963 : vector<16xi32>
      %min3A_968 = vector.broadcast %jit3A_965 : i32 to vector<16xi32>
      %min3A_969 = arith.minsi %min3A_968, %max3A_967 : vector<16xi32>
      %add3A_970 = arith.constant 1 : i32
      %add3A_971 = vector.broadcast %add3A_970 : i32 to vector<16xi32>
      %add3A_972 = arith.addi %get3A_909, %add3A_971 : vector<16xi32>
      %jit3A_973 = arith.constant 0 : i32
      %jit3A_974 = arith.constant 511 : i32
      %max3A_975 = vector.broadcast %jit3A_973 : i32 to vector<16xi32>
      %max3A_976 = arith.maxsi %max3A_975, %add3A_972 : vector<16xi32>
      %min3A_977 = vector.broadcast %jit3A_974 : i32 to vector<16xi32>
      %min3A_978 = arith.minsi %min3A_977, %max3A_976 : vector<16xi32>
      %add3A_979 = arith.addi %add3A_923, %min3A_960 : vector<16xi32>
      %swap3A_980 = arith.constant 0 : index
      %swap3A_981 = tpu.vector_load %arg8[%swap3A_980] {strides = array<i32>} : memref<256xi32, #tpu.memory_space<vmem>>, vector<16xi32>,
      tpu.vector_store %arg8[%swap3A_980], %add3A_979 {strides = array<i32>} : memref<256xi32, #tpu.memory_space<vmem>>, vector<16xi32>,
      %add3A_982 = arith.addi %add3A_923, %min3A_969 : vector<16xi32>
      %swap3A_983 = arith.constant 32 : index
      %swap3A_984 = tpu.vector_load %arg8[%swap3A_983] {strides = array<i32>} : memref<256xi32, #tpu.memory_space<vmem>>, vector<16xi32>,
      tpu.vector_store %arg8[%swap3A_983], %add3A_982 {strides = array<i32>} : memref<256xi32, #tpu.memory_space<vmem>>, vector<16xi32>,
      %add3A_985 = arith.addi %add3A_923, %min3A_978 : vector<16xi32>
      %swap3A_986 = arith.constant 64 : index
      %swap3A_987 = tpu.vector_load %arg8[%swap3A_986] {strides = array<i32>} : memref<256xi32, #tpu.memory_space<vmem>>, vector<16xi32>,
      tpu.vector_store %arg8[%swap3A_986], %add3A_985 {strides = array<i32>} : memref<256xi32, #tpu.memory_space<vmem>>, vector<16xi32>,
      %add3A_988 = arith.addi %add3A_937, %min3A_960 : vector<16xi32>
      %swap3A_989 = arith.constant 96 : index
      %swap3A_990 = tpu.vector_load %arg8[%swap3A_989] {strides = array<i32>} : memref<256xi32, #tpu.memory_space<vmem>>, vector<16xi32>,
      tpu.vector_store %arg8[%swap3A_989], %add3A_988 {strides = array<i32>} : memref<256xi32, #tpu.memory_space<vmem>>, vector<16xi32>,
      %add3A_991 = arith.addi %add3A_937, %min3A_978 : vector<16xi32>
      %swap3A_992 = arith.constant 128 : index
      %swap3A_993 = tpu.vector_load %arg8[%swap3A_992] {strides = array<i32>} : memref<256xi32, #tpu.memory_space<vmem>>, vector<16xi32>,
      tpu.vector_store %arg8[%swap3A_992], %add3A_991 {strides = array<i32>} : memref<256xi32, #tpu.memory_space<vmem>>, vector<16xi32>,
      %add3A_994 = arith.addi %add3A_951, %min3A_960 : vector<16xi32>
      %swap3A_995 = arith.constant 160 : index
      %swap3A_996 = tpu.vector_load %arg8[%swap3A_995] {strides = array<i32>} : memref<256xi32, #tpu.memory_space<vmem>>, vector<16xi32>,
      tpu.vector_store %arg8[%swap3A_995], %add3A_994 {strides = array<i32>} : memref<256xi32, #tpu.memory_space<vmem>>, vector<16xi32>,
      %add3A_997 = arith.addi %add3A_951, %min3A_969 : vector<16xi32>
      %swap3A_998 = arith.constant 192 : index
      %swap3A_999 = tpu.vector_load %arg8[%swap3A_998] {strides = array<i32>} : memref<256xi32, #tpu.memory_space<vmem>>, vector<16xi32>,
      tpu.vector_store %arg8[%swap3A_998], %add3A_997 {strides = array<i32>} : memref<256xi32, #tpu.memory_space<vmem>>, vector<16xi32>,
      %add3A_1000 = arith.addi %add3A_951, %min3A_978 : vector<16xi32>
      %swap3A_1001 = arith.constant 224 : index
      %swap3A_1002 = tpu.vector_load %arg8[%swap3A_1001] {strides = array<i32>} : memref<256xi32, #tpu.memory_space<vmem>>, vector<16xi32>,
      tpu.vector_store %arg8[%swap3A_1001], %add3A_1000 {strides = array<i32>} : memref<256xi32, #tpu.memory_space<vmem>>, vector<16xi32>,
      %get3A_1003 = arith.constant 16 : index
      %get3A_1004 = tpu.vector_load %arg5[%get3A_1003] {strides = array<i32>} : memref<64xi32, #tpu.memory_space<vmem>>, vector<16xi32>,
      %get3A_1005 = arith.constant 16 : index
      %get3A_1006 = tpu.vector_load %arg6[%get3A_1005] {strides = array<i32>} : memref<64xi32, #tpu.memory_space<vmem>>, vector<16xi32>,
      %add3A_1007 = arith.constant -1 : i32
      %add3A_1008 = vector.broadcast %add3A_1007 : i32 to vector<16xi32>
      %add3A_1009 = arith.addi %get3A_1004, %add3A_1008 : vector<16xi32>
      %jit3A_1010 = arith.constant 0 : i32
      %jit3A_1011 = arith.constant 511 : i32
      %max3A_1012 = vector.broadcast %jit3A_1010 : i32 to vector<16xi32>
      %max3A_1013 = arith.maxsi %max3A_1012, %add3A_1009 : vector<16xi32>
      %min3A_1014 = vector.broadcast %jit3A_1011 : i32 to vector<16xi32>
      %min3A_1015 = arith.minsi %min3A_1014, %max3A_1013 : vector<16xi32>
      %shift_left3A_1016 = arith.constant 9 : i32
      %shift_left3A_1017 = vector.broadcast %shift_left3A_1016 : i32 to vector<16xi32>
      %shift_left3A_1018 = arith.shli %min3A_1015, %shift_left3A_1017 : vector<16xi32>
      %add3A_1019 = vector.broadcast %mul3A_61 : i32 to vector<16xi32>
      %add3A_1020 = arith.addi %shift_left3A_1018, %add3A_1019 : vector<16xi32>
      %add3A_1021 = arith.constant 0 : i32
      %add3A_1022 = vector.broadcast %add3A_1021 : i32 to vector<16xi32>
      %add3A_1023 = arith.addi %get3A_1004, %add3A_1022 : vector<16xi32>
      %jit3A_1024 = arith.constant 0 : i32
      %jit3A_1025 = arith.constant 511 : i32
      %max3A_1026 = vector.broadcast %jit3A_1024 : i32 to vector<16xi32>
      %max3A_1027 = arith.maxsi %max3A_1026, %add3A_1023 : vector<16xi32>
      %min3A_1028 = vector.broadcast %jit3A_1025 : i32 to vector<16xi32>
      %min3A_1029 = arith.minsi %min3A_1028, %max3A_1027 : vector<16xi32>
      %shift_left3A_1030 = arith.constant 9 : i32
      %shift_left3A_1031 = vector.broadcast %shift_left3A_1030 : i32 to vector<16xi32>
      %shift_left3A_1032 = arith.shli %min3A_1029, %shift_left3A_1031 : vector<16xi32>
      %add3A_1033 = vector.broadcast %mul3A_61 : i32 to vector<16xi32>
      %add3A_1034 = arith.addi %shift_left3A_1032, %add3A_1033 : vector<16xi32>
      %add3A_1035 = arith.constant 1 : i32
      %add3A_1036 = vector.broadcast %add3A_1035 : i32 to vector<16xi32>
      %add3A_1037 = arith.addi %get3A_1004, %add3A_1036 : vector<16xi32>
      %jit3A_1038 = arith.constant 0 : i32
      %jit3A_1039 = arith.constant 511 : i32
      %max3A_1040 = vector.broadcast %jit3A_1038 : i32 to vector<16xi32>
      %max3A_1041 = arith.maxsi %max3A_1040, %add3A_1037 : vector<16xi32>
      %min3A_1042 = vector.broadcast %jit3A_1039 : i32 to vector<16xi32>
      %min3A_1043 = arith.minsi %min3A_1042, %max3A_1041 : vector<16xi32>
      %shift_left3A_1044 = arith.constant 9 : i32
      %shift_left3A_1045 = vector.broadcast %shift_left3A_1044 : i32 to vector<16xi32>
      %shift_left3A_1046 = arith.shli %min3A_1043, %shift_left3A_1045 : vector<16xi32>
      %add3A_1047 = vector.broadcast %mul3A_61 : i32 to vector<16xi32>
      %add3A_1048 = arith.addi %shift_left3A_1046, %add3A_1047 : vector<16xi32>
      %add3A_1049 = arith.constant -1 : i32
      %add3A_1050 = vector.broadcast %add3A_1049 : i32 to vector<16xi32>
      %add3A_1051 = arith.addi %get3A_1006, %add3A_1050 : vector<16xi32>
      %jit3A_1052 = arith.constant 0 : i32
      %jit3A_1053 = arith.constant 511 : i32
      %max3A_1054 = vector.broadcast %jit3A_1052 : i32 to vector<16xi32>
      %max3A_1055 = arith.maxsi %max3A_1054, %add3A_1051 : vector<16xi32>
      %min3A_1056 = vector.broadcast %jit3A_1053 : i32 to vector<16xi32>
      %min3A_1057 = arith.minsi %min3A_1056, %max3A_1055 : vector<16xi32>
      %add3A_1058 = arith.constant 0 : i32
      %add3A_1059 = vector.broadcast %add3A_1058 : i32 to vector<16xi32>
      %add3A_1060 = arith.addi %get3A_1006, %add3A_1059 : vector<16xi32>
      %jit3A_1061 = arith.constant 0 : i32
      %jit3A_1062 = arith.constant 511 : i32
      %max3A_1063 = vector.broadcast %jit3A_1061 : i32 to vector<16xi32>
      %max3A_1064 = arith.maxsi %max3A_1063, %add3A_1060 : vector<16xi32>
      %min3A_1065 = vector.broadcast %jit3A_1062 : i32 to vector<16xi32>
      %min3A_1066 = arith.minsi %min3A_1065, %max3A_1064 : vector<16xi32>
      %add3A_1067 = arith.constant 1 : i32
      %add3A_1068 = vector.broadcast %add3A_1067 : i32 to vector<16xi32>
      %add3A_1069 = arith.addi %get3A_1006, %add3A_1068 : vector<16xi32>
      %jit3A_1070 = arith.constant 0 : i32
      %jit3A_1071 = arith.constant 511 : i32
      %max3A_1072 = vector.broadcast %jit3A_1070 : i32 to vector<16xi32>
      %max3A_1073 = arith.maxsi %max3A_1072, %add3A_1069 : vector<16xi32>
      %min3A_1074 = vector.broadcast %jit3A_1071 : i32 to vector<16xi32>
      %min3A_1075 = arith.minsi %min3A_1074, %max3A_1073 : vector<16xi32>
      %add3A_1076 = arith.addi %add3A_1020, %min3A_1057 : vector<16xi32>
      %swap3A_1077 = arith.constant 16 : index
      %swap3A_1078 = tpu.vector_load %arg8[%swap3A_1077] {strides = array<i32>} : memref<256xi32, #tpu.memory_space<vmem>>, vector<16xi32>,
      tpu.vector_store %arg8[%swap3A_1077], %add3A_1076 {strides = array<i32>} : memref<256xi32, #tpu.memory_space<vmem>>, vector<16xi32>,
      %add3A_1079 = arith.addi %add3A_1020, %min3A_1066 : vector<16xi32>
      %swap3A_1080 = arith.constant 48 : index
      %swap3A_1081 = tpu.vector_load %arg8[%swap3A_1080] {strides = array<i32>} : memref<256xi32, #tpu.memory_space<vmem>>, vector<16xi32>,
      tpu.vector_store %arg8[%swap3A_1080], %add3A_1079 {strides = array<i32>} : memref<256xi32, #tpu.memory_space<vmem>>, vector<16xi32>,
      %add3A_1082 = arith.addi %add3A_1020, %min3A_1075 : vector<16xi32>
      %swap3A_1083 = arith.constant 80 : index
      %swap3A_1084 = tpu.vector_load %arg8[%swap3A_1083] {strides = array<i32>} : memref<256xi32, #tpu.memory_space<vmem>>, vector<16xi32>,
      tpu.vector_store %arg8[%swap3A_1083], %add3A_1082 {strides = array<i32>} : memref<256xi32, #tpu.memory_space<vmem>>, vector<16xi32>,
      %add3A_1085 = arith.addi %add3A_1034, %min3A_1057 : vector<16xi32>
      %swap3A_1086 = arith.constant 112 : index
      %swap3A_1087 = tpu.vector_load %arg8[%swap3A_1086] {strides = array<i32>} : memref<256xi32, #tpu.memory_space<vmem>>, vector<16xi32>,
      tpu.vector_store %arg8[%swap3A_1086], %add3A_1085 {strides = array<i32>} : memref<256xi32, #tpu.memory_space<vmem>>, vector<16xi32>,
      %add3A_1088 = arith.addi %add3A_1034, %min3A_1075 : vector<16xi32>
      %swap3A_1089 = arith.constant 144 : index
      %swap3A_1090 = tpu.vector_load %arg8[%swap3A_1089] {strides = array<i32>} : memref<256xi32, #tpu.memory_space<vmem>>, vector<16xi32>,
      tpu.vector_store %arg8[%swap3A_1089], %add3A_1088 {strides = array<i32>} : memref<256xi32, #tpu.memory_space<vmem>>, vector<16xi32>,
      %add3A_1091 = arith.addi %add3A_1048, %min3A_1057 : vector<16xi32>
      %swap3A_1092 = arith.constant 176 : index
      %swap3A_1093 = tpu.vector_load %arg8[%swap3A_1092] {strides = array<i32>} : memref<256xi32, #tpu.memory_space<vmem>>, vector<16xi32>,
      tpu.vector_store %arg8[%swap3A_1092], %add3A_1091 {strides = array<i32>} : memref<256xi32, #tpu.memory_space<vmem>>, vector<16xi32>,
      %add3A_1094 = arith.addi %add3A_1048, %min3A_1066 : vector<16xi32>
      %swap3A_1095 = arith.constant 208 : index
      %swap3A_1096 = tpu.vector_load %arg8[%swap3A_1095] {strides = array<i32>} : memref<256xi32, #tpu.memory_space<vmem>>, vector<16xi32>,
      tpu.vector_store %arg8[%swap3A_1095], %add3A_1094 {strides = array<i32>} : memref<256xi32, #tpu.memory_space<vmem>>, vector<16xi32>,
      %add3A_1097 = arith.addi %add3A_1048, %min3A_1075 : vector<16xi32>
      %swap3A_1098 = arith.constant 240 : index
      %swap3A_1099 = tpu.vector_load %arg8[%swap3A_1098] {strides = array<i32>} : memref<256xi32, #tpu.memory_space<vmem>>, vector<16xi32>,
      tpu.vector_store %arg8[%swap3A_1098], %add3A_1097 {strides = array<i32>} : memref<256xi32, #tpu.memory_space<vmem>>, vector<16xi32>,
      %dma_start3A_1100 = arith.constant 0 : i32
      %dma_start3A_1101 = tpu.memref_slice %arg9[%dma_start3A_1100] : memref<256xf32, #tpu.memory_space<vmem>> -> memref<128xf32, #tpu.memory_space<vmem>>
      %dma_start3A_1102 = arith.constant 0 : i32
      %dma_start3A_1103 = tpu.memref_slice %arg8[%dma_start3A_1102] : memref<256xi32, #tpu.memory_space<vmem>> -> memref<128xi32, #tpu.memory_space<vmem>>
      %dma_start3A_1104 = arith.constant 0 : i32
      %dma_start3A_1105 = tpu.memref_slice %arg13[%dma_start3A_1104] : memref<1048576xf32, #tpu.memory_space<vmem_shared>> -> memref<1048576xf32, #tpu.memory_space<vmem_shared>>
      tpu.enqueue_indirect_dma source(%dma_start3A_1105 : memref<1048576xf32, #tpu.memory_space<vmem_shared>>) target(%dma_start3A_1101 : memref<128xf32, #tpu.memory_space<vmem>>) offsets(%dma_start3A_1103 : memref<128xi32, #tpu.memory_space<vmem>>) semaphore(%arg14 : memref<!tpu.dma_semaphore, #tpu.memory_space<semaphore_mem>>)
      %dma_start3A_1106 = arith.constant 128 : i32
      %dma_start3A_1107 = tpu.memref_slice %arg9[%dma_start3A_1106] : memref<256xf32, #tpu.memory_space<vmem>> -> memref<128xf32, #tpu.memory_space<vmem>>
      %dma_start3A_1108 = arith.constant 128 : i32
      %dma_start3A_1109 = tpu.memref_slice %arg8[%dma_start3A_1108] : memref<256xi32, #tpu.memory_space<vmem>> -> memref<128xi32, #tpu.memory_space<vmem>>
      %dma_start3A_1110 = arith.constant 0 : i32
      %dma_start3A_1111 = tpu.memref_slice %arg13[%dma_start3A_1110] : memref<1048576xf32, #tpu.memory_space<vmem_shared>> -> memref<1048576xf32, #tpu.memory_space<vmem_shared>>
      tpu.enqueue_indirect_dma source(%dma_start3A_1111 : memref<1048576xf32, #tpu.memory_space<vmem_shared>>) target(%dma_start3A_1107 : memref<128xf32, #tpu.memory_space<vmem>>) offsets(%dma_start3A_1109 : memref<128xi32, #tpu.memory_space<vmem>>) semaphore(%arg14 : memref<!tpu.dma_semaphore, #tpu.memory_space<semaphore_mem>>)
      %dma_wait3A_1112 = arith.constant 0 : i32
      %dma_wait3A_1113 = tpu.memref_slice %arg11[%dma_wait3A_1112] : memref<256xf32, #tpu.memory_space<vmem>> -> memref<128xf32, #tpu.memory_space<vmem>>
      %dma_wait3A_1114 = arith.constant 0 : i32
      %dma_wait3A_1115 = tpu.memref_slice %arg10[%dma_wait3A_1114] : memref<256xi32, #tpu.memory_space<vmem>> -> memref<128xi32, #tpu.memory_space<vmem>>
      %dma_wait3A_1116 = arith.constant 0 : i32
      %dma_wait3A_1117 = tpu.memref_slice %arg13[%dma_wait3A_1116] : memref<1048576xf32, #tpu.memory_space<vmem_shared>> -> memref<1048576xf32, #tpu.memory_space<vmem_shared>>
      tpu.wait_indirect_dma semaphore(%arg15 : memref<!tpu.dma_semaphore, #tpu.memory_space<semaphore_mem>>) src(%dma_wait3A_1117 : memref<1048576xf32, #tpu.memory_space<vmem_shared>>) dst(%dma_wait3A_1113 : memref<128xf32, #tpu.memory_space<vmem>>)
      %dma_wait3A_1118 = arith.constant 128 : i32
      %dma_wait3A_1119 = tpu.memref_slice %arg11[%dma_wait3A_1118] : memref<256xf32, #tpu.memory_space<vmem>> -> memref<128xf32, #tpu.memory_space<vmem>>
      %dma_wait3A_1120 = arith.constant 128 : i32
      %dma_wait3A_1121 = tpu.memref_slice %arg10[%dma_wait3A_1120] : memref<256xi32, #tpu.memory_space<vmem>> -> memref<128xi32, #tpu.memory_space<vmem>>
      %dma_wait3A_1122 = arith.constant 0 : i32
      %dma_wait3A_1123 = tpu.memref_slice %arg13[%dma_wait3A_1122] : memref<1048576xf32, #tpu.memory_space<vmem_shared>> -> memref<1048576xf32, #tpu.memory_space<vmem_shared>>
      tpu.wait_indirect_dma semaphore(%arg15 : memref<!tpu.dma_semaphore, #tpu.memory_space<semaphore_mem>>) src(%dma_wait3A_1123 : memref<1048576xf32, #tpu.memory_space<vmem_shared>>) dst(%dma_wait3A_1119 : memref<128xf32, #tpu.memory_space<vmem>>)
      %get3A_1124 = arith.constant 32 : index
      %get3A_1125 = tpu.vector_load %arg5[%get3A_1124] {strides = array<i32>} : memref<64xi32, #tpu.memory_space<vmem>>, vector<16xi32>,
      %get3A_1126 = arith.constant 32 : index
      %get3A_1127 = tpu.vector_load %arg6[%get3A_1126] {strides = array<i32>} : memref<64xi32, #tpu.memory_space<vmem>>, vector<16xi32>,
      %get3A_1128 = arith.constant 0 : index
      %get3A_1129 = tpu.vector_load %arg11[%get3A_1128] {strides = array<i32>} : memref<256xf32, #tpu.memory_space<vmem>>, vector<16xf32>,
      %broadcast_in_dim3A_1130 = arith.constant -1 : i32
      %broadcast_in_dim3A_1131 = vector.broadcast %broadcast_in_dim3A_1130 : i32 to vector<16xi32>
      %broadcast_in_dim3A_1132 = arith.constant -1 : i32
      %broadcast_in_dim3A_1133 = vector.broadcast %broadcast_in_dim3A_1132 : i32 to vector<16xi32>
      %get3A_1134 = arith.constant 32 : index
      %get3A_1135 = tpu.vector_load %arg11[%get3A_1134] {strides = array<i32>} : memref<256xf32, #tpu.memory_space<vmem>>, vector<16xf32>,
      %gt3A_1136 = arith.cmpf ogt, %get3A_1135, %get3A_1129 : vector<16xf32>
      %select_n3A_1137 = arith.select %gt3A_1136, %get3A_1135, %get3A_1129 : vector<16xi1>, vector<16xf32>
      %jit3A_1138 = arith.constant -1 : i32
      %broadcast_in_dim3A_1139 = vector.broadcast %jit3A_1138 : i32 to vector<16xi32>
      %select_n3A_1140 = arith.select %gt3A_1136, %broadcast_in_dim3A_1139, %broadcast_in_dim3A_1131 : vector<16xi1>, vector<16xi32>
      %jit3A_1141 = arith.constant 0 : i32
      %broadcast_in_dim3A_1142 = vector.broadcast %jit3A_1141 : i32 to vector<16xi32>
      %select_n3A_1143 = arith.select %gt3A_1136, %broadcast_in_dim3A_1142, %broadcast_in_dim3A_1133 : vector<16xi1>, vector<16xi32>
      %get3A_1144 = arith.constant 64 : index
      %get3A_1145 = tpu.vector_load %arg11[%get3A_1144] {strides = array<i32>} : memref<256xf32, #tpu.memory_space<vmem>>, vector<16xf32>,
      %gt3A_1146 = arith.cmpf ogt, %get3A_1145, %select_n3A_1137 : vector<16xf32>
      %select_n3A_1147 = arith.select %gt3A_1146, %get3A_1145, %select_n3A_1137 : vector<16xi1>, vector<16xf32>
      %jit3A_1148 = arith.constant -1 : i32
      %broadcast_in_dim3A_1149 = vector.broadcast %jit3A_1148 : i32 to vector<16xi32>
      %select_n3A_1150 = arith.select %gt3A_1146, %broadcast_in_dim3A_1149, %select_n3A_1140 : vector<16xi1>, vector<16xi32>
      %jit3A_1151 = arith.constant 1 : i32
      %broadcast_in_dim3A_1152 = vector.broadcast %jit3A_1151 : i32 to vector<16xi32>
      %select_n3A_1153 = arith.select %gt3A_1146, %broadcast_in_dim3A_1152, %select_n3A_1143 : vector<16xi1>, vector<16xi32>
      %get3A_1154 = arith.constant 96 : index
      %get3A_1155 = tpu.vector_load %arg11[%get3A_1154] {strides = array<i32>} : memref<256xf32, #tpu.memory_space<vmem>>, vector<16xf32>,
      %gt3A_1156 = arith.cmpf ogt, %get3A_1155, %select_n3A_1147 : vector<16xf32>
      %select_n3A_1157 = arith.select %gt3A_1156, %get3A_1155, %select_n3A_1147 : vector<16xi1>, vector<16xf32>
      %jit3A_1158 = arith.constant 0 : i32
      %broadcast_in_dim3A_1159 = vector.broadcast %jit3A_1158 : i32 to vector<16xi32>
      %select_n3A_1160 = arith.select %gt3A_1156, %broadcast_in_dim3A_1159, %select_n3A_1150 : vector<16xi1>, vector<16xi32>
      %jit3A_1161 = arith.constant -1 : i32
      %broadcast_in_dim3A_1162 = vector.broadcast %jit3A_1161 : i32 to vector<16xi32>
      %select_n3A_1163 = arith.select %gt3A_1156, %broadcast_in_dim3A_1162, %select_n3A_1153 : vector<16xi1>, vector<16xi32>
      %get3A_1164 = arith.constant 32 : index
      %get3A_1165 = tpu.vector_load %arg7[%get3A_1164] {strides = array<i32>} : memref<64xf32, #tpu.memory_space<vmem>>, vector<16xf32>,
      %gt3A_1166 = arith.cmpf ogt, %get3A_1165, %select_n3A_1157 : vector<16xf32>
      %select_n3A_1167 = arith.select %gt3A_1166, %get3A_1165, %select_n3A_1157 : vector<16xi1>, vector<16xf32>
      %jit3A_1168 = arith.constant 0 : i32
      %broadcast_in_dim3A_1169 = vector.broadcast %jit3A_1168 : i32 to vector<16xi32>
      %select_n3A_1170 = arith.select %gt3A_1166, %broadcast_in_dim3A_1169, %select_n3A_1160 : vector<16xi1>, vector<16xi32>
      %jit3A_1171 = arith.constant 0 : i32
      %broadcast_in_dim3A_1172 = vector.broadcast %jit3A_1171 : i32 to vector<16xi32>
      %select_n3A_1173 = arith.select %gt3A_1166, %broadcast_in_dim3A_1172, %select_n3A_1163 : vector<16xi1>, vector<16xi32>
      %get3A_1174 = arith.constant 128 : index
      %get3A_1175 = tpu.vector_load %arg11[%get3A_1174] {strides = array<i32>} : memref<256xf32, #tpu.memory_space<vmem>>, vector<16xf32>,
      %gt3A_1176 = arith.cmpf ogt, %get3A_1175, %select_n3A_1167 : vector<16xf32>
      %select_n3A_1177 = arith.select %gt3A_1176, %get3A_1175, %select_n3A_1167 : vector<16xi1>, vector<16xf32>
      %jit3A_1178 = arith.constant 0 : i32
      %broadcast_in_dim3A_1179 = vector.broadcast %jit3A_1178 : i32 to vector<16xi32>
      %select_n3A_1180 = arith.select %gt3A_1176, %broadcast_in_dim3A_1179, %select_n3A_1170 : vector<16xi1>, vector<16xi32>
      %jit3A_1181 = arith.constant 1 : i32
      %broadcast_in_dim3A_1182 = vector.broadcast %jit3A_1181 : i32 to vector<16xi32>
      %select_n3A_1183 = arith.select %gt3A_1176, %broadcast_in_dim3A_1182, %select_n3A_1173 : vector<16xi1>, vector<16xi32>
      %get3A_1184 = arith.constant 160 : index
      %get3A_1185 = tpu.vector_load %arg11[%get3A_1184] {strides = array<i32>} : memref<256xf32, #tpu.memory_space<vmem>>, vector<16xf32>,
      %gt3A_1186 = arith.cmpf ogt, %get3A_1185, %select_n3A_1177 : vector<16xf32>
      %select_n3A_1187 = arith.select %gt3A_1186, %get3A_1185, %select_n3A_1177 : vector<16xi1>, vector<16xf32>
      %jit3A_1188 = arith.constant 1 : i32
      %broadcast_in_dim3A_1189 = vector.broadcast %jit3A_1188 : i32 to vector<16xi32>
      %select_n3A_1190 = arith.select %gt3A_1186, %broadcast_in_dim3A_1189, %select_n3A_1180 : vector<16xi1>, vector<16xi32>
      %jit3A_1191 = arith.constant -1 : i32
      %broadcast_in_dim3A_1192 = vector.broadcast %jit3A_1191 : i32 to vector<16xi32>
      %select_n3A_1193 = arith.select %gt3A_1186, %broadcast_in_dim3A_1192, %select_n3A_1183 : vector<16xi1>, vector<16xi32>
      %get3A_1194 = arith.constant 192 : index
      %get3A_1195 = tpu.vector_load %arg11[%get3A_1194] {strides = array<i32>} : memref<256xf32, #tpu.memory_space<vmem>>, vector<16xf32>,
      %gt3A_1196 = arith.cmpf ogt, %get3A_1195, %select_n3A_1187 : vector<16xf32>
      %select_n3A_1197 = arith.select %gt3A_1196, %get3A_1195, %select_n3A_1187 : vector<16xi1>, vector<16xf32>
      %jit3A_1198 = arith.constant 1 : i32
      %broadcast_in_dim3A_1199 = vector.broadcast %jit3A_1198 : i32 to vector<16xi32>
      %select_n3A_1200 = arith.select %gt3A_1196, %broadcast_in_dim3A_1199, %select_n3A_1190 : vector<16xi1>, vector<16xi32>
      %jit3A_1201 = arith.constant 0 : i32
      %broadcast_in_dim3A_1202 = vector.broadcast %jit3A_1201 : i32 to vector<16xi32>
      %select_n3A_1203 = arith.select %gt3A_1196, %broadcast_in_dim3A_1202, %select_n3A_1193 : vector<16xi1>, vector<16xi32>
      %get3A_1204 = arith.constant 224 : index
      %get3A_1205 = tpu.vector_load %arg11[%get3A_1204] {strides = array<i32>} : memref<256xf32, #tpu.memory_space<vmem>>, vector<16xf32>,
      %gt3A_1206 = arith.cmpf ogt, %get3A_1205, %select_n3A_1197 : vector<16xf32>
      %select_n3A_1207 = arith.select %gt3A_1206, %get3A_1205, %select_n3A_1197 : vector<16xi1>, vector<16xf32>
      %jit3A_1208 = arith.constant 1 : i32
      %broadcast_in_dim3A_1209 = vector.broadcast %jit3A_1208 : i32 to vector<16xi32>
      %select_n3A_1210 = arith.select %gt3A_1206, %broadcast_in_dim3A_1209, %select_n3A_1200 : vector<16xi1>, vector<16xi32>
      %jit3A_1211 = arith.constant 1 : i32
      %broadcast_in_dim3A_1212 = vector.broadcast %jit3A_1211 : i32 to vector<16xi32>
      %select_n3A_1213 = arith.select %gt3A_1206, %broadcast_in_dim3A_1212, %select_n3A_1203 : vector<16xi1>, vector<16xi32>
      %swap3A_1214 = arith.constant 32 : index
      %swap3A_1215 = tpu.vector_load %arg7[%swap3A_1214] {strides = array<i32>} : memref<64xf32, #tpu.memory_space<vmem>>, vector<16xf32>,
      tpu.vector_store %arg7[%swap3A_1214], %select_n3A_1207 {strides = array<i32>} : memref<64xf32, #tpu.memory_space<vmem>>, vector<16xf32>,
      %add3A_1216 = arith.addi %get3A_1125, %select_n3A_1210 : vector<16xi32>
      %jit3A_1217 = arith.constant 0 : i32
      %jit3A_1218 = arith.constant 511 : i32
      %max3A_1219 = vector.broadcast %jit3A_1217 : i32 to vector<16xi32>
      %max3A_1220 = arith.maxsi %max3A_1219, %add3A_1216 : vector<16xi32>
      %min3A_1221 = vector.broadcast %jit3A_1218 : i32 to vector<16xi32>
      %min3A_1222 = arith.minsi %min3A_1221, %max3A_1220 : vector<16xi32>
      %swap3A_1223 = arith.constant 32 : index
      %swap3A_1224 = tpu.vector_load %arg5[%swap3A_1223] {strides = array<i32>} : memref<64xi32, #tpu.memory_space<vmem>>, vector<16xi32>,
      tpu.vector_store %arg5[%swap3A_1223], %min3A_1222 {strides = array<i32>} : memref<64xi32, #tpu.memory_space<vmem>>, vector<16xi32>,
      %add3A_1225 = arith.addi %get3A_1127, %select_n3A_1213 : vector<16xi32>
      %jit3A_1226 = arith.constant 0 : i32
      %jit3A_1227 = arith.constant 511 : i32
      %max3A_1228 = vector.broadcast %jit3A_1226 : i32 to vector<16xi32>
      %max3A_1229 = arith.maxsi %max3A_1228, %add3A_1225 : vector<16xi32>
      %min3A_1230 = vector.broadcast %jit3A_1227 : i32 to vector<16xi32>
      %min3A_1231 = arith.minsi %min3A_1230, %max3A_1229 : vector<16xi32>
      %swap3A_1232 = arith.constant 32 : index
      %swap3A_1233 = tpu.vector_load %arg6[%swap3A_1232] {strides = array<i32>} : memref<64xi32, #tpu.memory_space<vmem>>, vector<16xi32>,
      tpu.vector_store %arg6[%swap3A_1232], %min3A_1231 {strides = array<i32>} : memref<64xi32, #tpu.memory_space<vmem>>, vector<16xi32>,
      %get3A_1234 = arith.constant 48 : index
      %get3A_1235 = tpu.vector_load %arg5[%get3A_1234] {strides = array<i32>} : memref<64xi32, #tpu.memory_space<vmem>>, vector<16xi32>,
      %get3A_1236 = arith.constant 48 : index
      %get3A_1237 = tpu.vector_load %arg6[%get3A_1236] {strides = array<i32>} : memref<64xi32, #tpu.memory_space<vmem>>, vector<16xi32>,
      %get3A_1238 = arith.constant 16 : index
      %get3A_1239 = tpu.vector_load %arg11[%get3A_1238] {strides = array<i32>} : memref<256xf32, #tpu.memory_space<vmem>>, vector<16xf32>,
      %broadcast_in_dim3A_1240 = arith.constant -1 : i32
      %broadcast_in_dim3A_1241 = vector.broadcast %broadcast_in_dim3A_1240 : i32 to vector<16xi32>
      %broadcast_in_dim3A_1242 = arith.constant -1 : i32
      %broadcast_in_dim3A_1243 = vector.broadcast %broadcast_in_dim3A_1242 : i32 to vector<16xi32>
      %get3A_1244 = arith.constant 48 : index
      %get3A_1245 = tpu.vector_load %arg11[%get3A_1244] {strides = array<i32>} : memref<256xf32, #tpu.memory_space<vmem>>, vector<16xf32>,
      %gt3A_1246 = arith.cmpf ogt, %get3A_1245, %get3A_1239 : vector<16xf32>
      %select_n3A_1247 = arith.select %gt3A_1246, %get3A_1245, %get3A_1239 : vector<16xi1>, vector<16xf32>
      %jit3A_1248 = arith.constant -1 : i32
      %broadcast_in_dim3A_1249 = vector.broadcast %jit3A_1248 : i32 to vector<16xi32>
      %select_n3A_1250 = arith.select %gt3A_1246, %broadcast_in_dim3A_1249, %broadcast_in_dim3A_1241 : vector<16xi1>, vector<16xi32>
      %jit3A_1251 = arith.constant 0 : i32
      %broadcast_in_dim3A_1252 = vector.broadcast %jit3A_1251 : i32 to vector<16xi32>
      %select_n3A_1253 = arith.select %gt3A_1246, %broadcast_in_dim3A_1252, %broadcast_in_dim3A_1243 : vector<16xi1>, vector<16xi32>
      %get3A_1254 = arith.constant 80 : index
      %get3A_1255 = tpu.vector_load %arg11[%get3A_1254] {strides = array<i32>} : memref<256xf32, #tpu.memory_space<vmem>>, vector<16xf32>,
      %gt3A_1256 = arith.cmpf ogt, %get3A_1255, %select_n3A_1247 : vector<16xf32>
      %select_n3A_1257 = arith.select %gt3A_1256, %get3A_1255, %select_n3A_1247 : vector<16xi1>, vector<16xf32>
      %jit3A_1258 = arith.constant -1 : i32
      %broadcast_in_dim3A_1259 = vector.broadcast %jit3A_1258 : i32 to vector<16xi32>
      %select_n3A_1260 = arith.select %gt3A_1256, %broadcast_in_dim3A_1259, %select_n3A_1250 : vector<16xi1>, vector<16xi32>
      %jit3A_1261 = arith.constant 1 : i32
      %broadcast_in_dim3A_1262 = vector.broadcast %jit3A_1261 : i32 to vector<16xi32>
      %select_n3A_1263 = arith.select %gt3A_1256, %broadcast_in_dim3A_1262, %select_n3A_1253 : vector<16xi1>, vector<16xi32>
      %get3A_1264 = arith.constant 112 : index
      %get3A_1265 = tpu.vector_load %arg11[%get3A_1264] {strides = array<i32>} : memref<256xf32, #tpu.memory_space<vmem>>, vector<16xf32>,
      %gt3A_1266 = arith.cmpf ogt, %get3A_1265, %select_n3A_1257 : vector<16xf32>
      %select_n3A_1267 = arith.select %gt3A_1266, %get3A_1265, %select_n3A_1257 : vector<16xi1>, vector<16xf32>
      %jit3A_1268 = arith.constant 0 : i32
      %broadcast_in_dim3A_1269 = vector.broadcast %jit3A_1268 : i32 to vector<16xi32>
      %select_n3A_1270 = arith.select %gt3A_1266, %broadcast_in_dim3A_1269, %select_n3A_1260 : vector<16xi1>, vector<16xi32>
      %jit3A_1271 = arith.constant -1 : i32
      %broadcast_in_dim3A_1272 = vector.broadcast %jit3A_1271 : i32 to vector<16xi32>
      %select_n3A_1273 = arith.select %gt3A_1266, %broadcast_in_dim3A_1272, %select_n3A_1263 : vector<16xi1>, vector<16xi32>
      %get3A_1274 = arith.constant 48 : index
      %get3A_1275 = tpu.vector_load %arg7[%get3A_1274] {strides = array<i32>} : memref<64xf32, #tpu.memory_space<vmem>>, vector<16xf32>,
      %gt3A_1276 = arith.cmpf ogt, %get3A_1275, %select_n3A_1267 : vector<16xf32>
      %select_n3A_1277 = arith.select %gt3A_1276, %get3A_1275, %select_n3A_1267 : vector<16xi1>, vector<16xf32>
      %jit3A_1278 = arith.constant 0 : i32
      %broadcast_in_dim3A_1279 = vector.broadcast %jit3A_1278 : i32 to vector<16xi32>
      %select_n3A_1280 = arith.select %gt3A_1276, %broadcast_in_dim3A_1279, %select_n3A_1270 : vector<16xi1>, vector<16xi32>
      %jit3A_1281 = arith.constant 0 : i32
      %broadcast_in_dim3A_1282 = vector.broadcast %jit3A_1281 : i32 to vector<16xi32>
      %select_n3A_1283 = arith.select %gt3A_1276, %broadcast_in_dim3A_1282, %select_n3A_1273 : vector<16xi1>, vector<16xi32>
      %get3A_1284 = arith.constant 144 : index
      %get3A_1285 = tpu.vector_load %arg11[%get3A_1284] {strides = array<i32>} : memref<256xf32, #tpu.memory_space<vmem>>, vector<16xf32>,
      %gt3A_1286 = arith.cmpf ogt, %get3A_1285, %select_n3A_1277 : vector<16xf32>
      %select_n3A_1287 = arith.select %gt3A_1286, %get3A_1285, %select_n3A_1277 : vector<16xi1>, vector<16xf32>
      %jit3A_1288 = arith.constant 0 : i32
      %broadcast_in_dim3A_1289 = vector.broadcast %jit3A_1288 : i32 to vector<16xi32>
      %select_n3A_1290 = arith.select %gt3A_1286, %broadcast_in_dim3A_1289, %select_n3A_1280 : vector<16xi1>, vector<16xi32>
      %jit3A_1291 = arith.constant 1 : i32
      %broadcast_in_dim3A_1292 = vector.broadcast %jit3A_1291 : i32 to vector<16xi32>
      %select_n3A_1293 = arith.select %gt3A_1286, %broadcast_in_dim3A_1292, %select_n3A_1283 : vector<16xi1>, vector<16xi32>
      %get3A_1294 = arith.constant 176 : index
      %get3A_1295 = tpu.vector_load %arg11[%get3A_1294] {strides = array<i32>} : memref<256xf32, #tpu.memory_space<vmem>>, vector<16xf32>,
      %gt3A_1296 = arith.cmpf ogt, %get3A_1295, %select_n3A_1287 : vector<16xf32>
      %select_n3A_1297 = arith.select %gt3A_1296, %get3A_1295, %select_n3A_1287 : vector<16xi1>, vector<16xf32>
      %jit3A_1298 = arith.constant 1 : i32
      %broadcast_in_dim3A_1299 = vector.broadcast %jit3A_1298 : i32 to vector<16xi32>
      %select_n3A_1300 = arith.select %gt3A_1296, %broadcast_in_dim3A_1299, %select_n3A_1290 : vector<16xi1>, vector<16xi32>
      %jit3A_1301 = arith.constant -1 : i32
      %broadcast_in_dim3A_1302 = vector.broadcast %jit3A_1301 : i32 to vector<16xi32>
      %select_n3A_1303 = arith.select %gt3A_1296, %broadcast_in_dim3A_1302, %select_n3A_1293 : vector<16xi1>, vector<16xi32>
      %get3A_1304 = arith.constant 208 : index
      %get3A_1305 = tpu.vector_load %arg11[%get3A_1304] {strides = array<i32>} : memref<256xf32, #tpu.memory_space<vmem>>, vector<16xf32>,
      %gt3A_1306 = arith.cmpf ogt, %get3A_1305, %select_n3A_1297 : vector<16xf32>
      %select_n3A_1307 = arith.select %gt3A_1306, %get3A_1305, %select_n3A_1297 : vector<16xi1>, vector<16xf32>
      %jit3A_1308 = arith.constant 1 : i32
      %broadcast_in_dim3A_1309 = vector.broadcast %jit3A_1308 : i32 to vector<16xi32>
      %select_n3A_1310 = arith.select %gt3A_1306, %broadcast_in_dim3A_1309, %select_n3A_1300 : vector<16xi1>, vector<16xi32>
      %jit3A_1311 = arith.constant 0 : i32
      %broadcast_in_dim3A_1312 = vector.broadcast %jit3A_1311 : i32 to vector<16xi32>
      %select_n3A_1313 = arith.select %gt3A_1306, %broadcast_in_dim3A_1312, %select_n3A_1303 : vector<16xi1>, vector<16xi32>
      %get3A_1314 = arith.constant 240 : index
      %get3A_1315 = tpu.vector_load %arg11[%get3A_1314] {strides = array<i32>} : memref<256xf32, #tpu.memory_space<vmem>>, vector<16xf32>,
      %gt3A_1316 = arith.cmpf ogt, %get3A_1315, %select_n3A_1307 : vector<16xf32>
      %select_n3A_1317 = arith.select %gt3A_1316, %get3A_1315, %select_n3A_1307 : vector<16xi1>, vector<16xf32>
      %jit3A_1318 = arith.constant 1 : i32
      %broadcast_in_dim3A_1319 = vector.broadcast %jit3A_1318 : i32 to vector<16xi32>
      %select_n3A_1320 = arith.select %gt3A_1316, %broadcast_in_dim3A_1319, %select_n3A_1310 : vector<16xi1>, vector<16xi32>
      %jit3A_1321 = arith.constant 1 : i32
      %broadcast_in_dim3A_1322 = vector.broadcast %jit3A_1321 : i32 to vector<16xi32>
      %select_n3A_1323 = arith.select %gt3A_1316, %broadcast_in_dim3A_1322, %select_n3A_1313 : vector<16xi1>, vector<16xi32>
      %swap3A_1324 = arith.constant 48 : index
      %swap3A_1325 = tpu.vector_load %arg7[%swap3A_1324] {strides = array<i32>} : memref<64xf32, #tpu.memory_space<vmem>>, vector<16xf32>,
      tpu.vector_store %arg7[%swap3A_1324], %select_n3A_1317 {strides = array<i32>} : memref<64xf32, #tpu.memory_space<vmem>>, vector<16xf32>,
      %add3A_1326 = arith.addi %get3A_1235, %select_n3A_1320 : vector<16xi32>
      %jit3A_1327 = arith.constant 0 : i32
      %jit3A_1328 = arith.constant 511 : i32
      %max3A_1329 = vector.broadcast %jit3A_1327 : i32 to vector<16xi32>
      %max3A_1330 = arith.maxsi %max3A_1329, %add3A_1326 : vector<16xi32>
      %min3A_1331 = vector.broadcast %jit3A_1328 : i32 to vector<16xi32>
      %min3A_1332 = arith.minsi %min3A_1331, %max3A_1330 : vector<16xi32>
      %swap3A_1333 = arith.constant 48 : index
      %swap3A_1334 = tpu.vector_load %arg5[%swap3A_1333] {strides = array<i32>} : memref<64xi32, #tpu.memory_space<vmem>>, vector<16xi32>,
      tpu.vector_store %arg5[%swap3A_1333], %min3A_1332 {strides = array<i32>} : memref<64xi32, #tpu.memory_space<vmem>>, vector<16xi32>,
      %add3A_1335 = arith.addi %get3A_1237, %select_n3A_1323 : vector<16xi32>
      %jit3A_1336 = arith.constant 0 : i32
      %jit3A_1337 = arith.constant 511 : i32
      %max3A_1338 = vector.broadcast %jit3A_1336 : i32 to vector<16xi32>
      %max3A_1339 = arith.maxsi %max3A_1338, %add3A_1335 : vector<16xi32>
      %min3A_1340 = vector.broadcast %jit3A_1337 : i32 to vector<16xi32>
      %min3A_1341 = arith.minsi %min3A_1340, %max3A_1339 : vector<16xi32>
      %swap3A_1342 = arith.constant 48 : index
      %swap3A_1343 = tpu.vector_load %arg6[%swap3A_1342] {strides = array<i32>} : memref<64xi32, #tpu.memory_space<vmem>>, vector<16xi32>,
      tpu.vector_store %arg6[%swap3A_1342], %min3A_1341 {strides = array<i32>} : memref<64xi32, #tpu.memory_space<vmem>>, vector<16xi32>,
      %get3A_1344 = arith.constant 32 : index
      %get3A_1345 = tpu.vector_load %arg5[%get3A_1344] {strides = array<i32>} : memref<64xi32, #tpu.memory_space<vmem>>, vector<16xi32>,
      %get3A_1346 = arith.constant 32 : index
      %get3A_1347 = tpu.vector_load %arg6[%get3A_1346] {strides = array<i32>} : memref<64xi32, #tpu.memory_space<vmem>>, vector<16xi32>,
      %add3A_1348 = arith.constant -1 : i32
      %add3A_1349 = vector.broadcast %add3A_1348 : i32 to vector<16xi32>
      %add3A_1350 = arith.addi %get3A_1345, %add3A_1349 : vector<16xi32>
      %jit3A_1351 = arith.constant 0 : i32
      %jit3A_1352 = arith.constant 511 : i32
      %max3A_1353 = vector.broadcast %jit3A_1351 : i32 to vector<16xi32>
      %max3A_1354 = arith.maxsi %max3A_1353, %add3A_1350 : vector<16xi32>
      %min3A_1355 = vector.broadcast %jit3A_1352 : i32 to vector<16xi32>
      %min3A_1356 = arith.minsi %min3A_1355, %max3A_1354 : vector<16xi32>
      %shift_left3A_1357 = arith.constant 9 : i32
      %shift_left3A_1358 = vector.broadcast %shift_left3A_1357 : i32 to vector<16xi32>
      %shift_left3A_1359 = arith.shli %min3A_1356, %shift_left3A_1358 : vector<16xi32>
      %add3A_1360 = vector.broadcast %mul3A_61 : i32 to vector<16xi32>
      %add3A_1361 = arith.addi %shift_left3A_1359, %add3A_1360 : vector<16xi32>
      %add3A_1362 = arith.constant 0 : i32
      %add3A_1363 = vector.broadcast %add3A_1362 : i32 to vector<16xi32>
      %add3A_1364 = arith.addi %get3A_1345, %add3A_1363 : vector<16xi32>
      %jit3A_1365 = arith.constant 0 : i32
      %jit3A_1366 = arith.constant 511 : i32
      %max3A_1367 = vector.broadcast %jit3A_1365 : i32 to vector<16xi32>
      %max3A_1368 = arith.maxsi %max3A_1367, %add3A_1364 : vector<16xi32>
      %min3A_1369 = vector.broadcast %jit3A_1366 : i32 to vector<16xi32>
      %min3A_1370 = arith.minsi %min3A_1369, %max3A_1368 : vector<16xi32>
      %shift_left3A_1371 = arith.constant 9 : i32
      %shift_left3A_1372 = vector.broadcast %shift_left3A_1371 : i32 to vector<16xi32>
      %shift_left3A_1373 = arith.shli %min3A_1370, %shift_left3A_1372 : vector<16xi32>
      %add3A_1374 = vector.broadcast %mul3A_61 : i32 to vector<16xi32>
      %add3A_1375 = arith.addi %shift_left3A_1373, %add3A_1374 : vector<16xi32>
      %add3A_1376 = arith.constant 1 : i32
      %add3A_1377 = vector.broadcast %add3A_1376 : i32 to vector<16xi32>
      %add3A_1378 = arith.addi %get3A_1345, %add3A_1377 : vector<16xi32>
      %jit3A_1379 = arith.constant 0 : i32
      %jit3A_1380 = arith.constant 511 : i32
      %max3A_1381 = vector.broadcast %jit3A_1379 : i32 to vector<16xi32>
      %max3A_1382 = arith.maxsi %max3A_1381, %add3A_1378 : vector<16xi32>
      %min3A_1383 = vector.broadcast %jit3A_1380 : i32 to vector<16xi32>
      %min3A_1384 = arith.minsi %min3A_1383, %max3A_1382 : vector<16xi32>
      %shift_left3A_1385 = arith.constant 9 : i32
      %shift_left3A_1386 = vector.broadcast %shift_left3A_1385 : i32 to vector<16xi32>
      %shift_left3A_1387 = arith.shli %min3A_1384, %shift_left3A_1386 : vector<16xi32>
      %add3A_1388 = vector.broadcast %mul3A_61 : i32 to vector<16xi32>
      %add3A_1389 = arith.addi %shift_left3A_1387, %add3A_1388 : vector<16xi32>
      %add3A_1390 = arith.constant -1 : i32
      %add3A_1391 = vector.broadcast %add3A_1390 : i32 to vector<16xi32>
      %add3A_1392 = arith.addi %get3A_1347, %add3A_1391 : vector<16xi32>
      %jit3A_1393 = arith.constant 0 : i32
      %jit3A_1394 = arith.constant 511 : i32
      %max3A_1395 = vector.broadcast %jit3A_1393 : i32 to vector<16xi32>
      %max3A_1396 = arith.maxsi %max3A_1395, %add3A_1392 : vector<16xi32>
      %min3A_1397 = vector.broadcast %jit3A_1394 : i32 to vector<16xi32>
      %min3A_1398 = arith.minsi %min3A_1397, %max3A_1396 : vector<16xi32>
      %add3A_1399 = arith.constant 0 : i32
      %add3A_1400 = vector.broadcast %add3A_1399 : i32 to vector<16xi32>
      %add3A_1401 = arith.addi %get3A_1347, %add3A_1400 : vector<16xi32>
      %jit3A_1402 = arith.constant 0 : i32
      %jit3A_1403 = arith.constant 511 : i32
      %max3A_1404 = vector.broadcast %jit3A_1402 : i32 to vector<16xi32>
      %max3A_1405 = arith.maxsi %max3A_1404, %add3A_1401 : vector<16xi32>
      %min3A_1406 = vector.broadcast %jit3A_1403 : i32 to vector<16xi32>
      %min3A_1407 = arith.minsi %min3A_1406, %max3A_1405 : vector<16xi32>
      %add3A_1408 = arith.constant 1 : i32
      %add3A_1409 = vector.broadcast %add3A_1408 : i32 to vector<16xi32>
      %add3A_1410 = arith.addi %get3A_1347, %add3A_1409 : vector<16xi32>
      %jit3A_1411 = arith.constant 0 : i32
      %jit3A_1412 = arith.constant 511 : i32
      %max3A_1413 = vector.broadcast %jit3A_1411 : i32 to vector<16xi32>
      %max3A_1414 = arith.maxsi %max3A_1413, %add3A_1410 : vector<16xi32>
      %min3A_1415 = vector.broadcast %jit3A_1412 : i32 to vector<16xi32>
      %min3A_1416 = arith.minsi %min3A_1415, %max3A_1414 : vector<16xi32>
      %add3A_1417 = arith.addi %add3A_1361, %min3A_1398 : vector<16xi32>
      %swap3A_1418 = arith.constant 0 : index
      %swap3A_1419 = tpu.vector_load %arg10[%swap3A_1418] {strides = array<i32>} : memref<256xi32, #tpu.memory_space<vmem>>, vector<16xi32>,
      tpu.vector_store %arg10[%swap3A_1418], %add3A_1417 {strides = array<i32>} : memref<256xi32, #tpu.memory_space<vmem>>, vector<16xi32>,
      %add3A_1420 = arith.addi %add3A_1361, %min3A_1407 : vector<16xi32>
      %swap3A_1421 = arith.constant 32 : index
      %swap3A_1422 = tpu.vector_load %arg10[%swap3A_1421] {strides = array<i32>} : memref<256xi32, #tpu.memory_space<vmem>>, vector<16xi32>,
      tpu.vector_store %arg10[%swap3A_1421], %add3A_1420 {strides = array<i32>} : memref<256xi32, #tpu.memory_space<vmem>>, vector<16xi32>,
      %add3A_1423 = arith.addi %add3A_1361, %min3A_1416 : vector<16xi32>
      %swap3A_1424 = arith.constant 64 : index
      %swap3A_1425 = tpu.vector_load %arg10[%swap3A_1424] {strides = array<i32>} : memref<256xi32, #tpu.memory_space<vmem>>, vector<16xi32>,
      tpu.vector_store %arg10[%swap3A_1424], %add3A_1423 {strides = array<i32>} : memref<256xi32, #tpu.memory_space<vmem>>, vector<16xi32>,
      %add3A_1426 = arith.addi %add3A_1375, %min3A_1398 : vector<16xi32>
      %swap3A_1427 = arith.constant 96 : index
      %swap3A_1428 = tpu.vector_load %arg10[%swap3A_1427] {strides = array<i32>} : memref<256xi32, #tpu.memory_space<vmem>>, vector<16xi32>,
      tpu.vector_store %arg10[%swap3A_1427], %add3A_1426 {strides = array<i32>} : memref<256xi32, #tpu.memory_space<vmem>>, vector<16xi32>,
      %add3A_1429 = arith.addi %add3A_1375, %min3A_1416 : vector<16xi32>
      %swap3A_1430 = arith.constant 128 : index
      %swap3A_1431 = tpu.vector_load %arg10[%swap3A_1430] {strides = array<i32>} : memref<256xi32, #tpu.memory_space<vmem>>, vector<16xi32>,
      tpu.vector_store %arg10[%swap3A_1430], %add3A_1429 {strides = array<i32>} : memref<256xi32, #tpu.memory_space<vmem>>, vector<16xi32>,
      %add3A_1432 = arith.addi %add3A_1389, %min3A_1398 : vector<16xi32>
      %swap3A_1433 = arith.constant 160 : index
      %swap3A_1434 = tpu.vector_load %arg10[%swap3A_1433] {strides = array<i32>} : memref<256xi32, #tpu.memory_space<vmem>>, vector<16xi32>,
      tpu.vector_store %arg10[%swap3A_1433], %add3A_1432 {strides = array<i32>} : memref<256xi32, #tpu.memory_space<vmem>>, vector<16xi32>,
      %add3A_1435 = arith.addi %add3A_1389, %min3A_1407 : vector<16xi32>
      %swap3A_1436 = arith.constant 192 : index
      %swap3A_1437 = tpu.vector_load %arg10[%swap3A_1436] {strides = array<i32>} : memref<256xi32, #tpu.memory_space<vmem>>, vector<16xi32>,
      tpu.vector_store %arg10[%swap3A_1436], %add3A_1435 {strides = array<i32>} : memref<256xi32, #tpu.memory_space<vmem>>, vector<16xi32>,
      %add3A_1438 = arith.addi %add3A_1389, %min3A_1416 : vector<16xi32>
      %swap3A_1439 = arith.constant 224 : index
      %swap3A_1440 = tpu.vector_load %arg10[%swap3A_1439] {strides = array<i32>} : memref<256xi32, #tpu.memory_space<vmem>>, vector<16xi32>,
      tpu.vector_store %arg10[%swap3A_1439], %add3A_1438 {strides = array<i32>} : memref<256xi32, #tpu.memory_space<vmem>>, vector<16xi32>,
      %get3A_1441 = arith.constant 48 : index
      %get3A_1442 = tpu.vector_load %arg5[%get3A_1441] {strides = array<i32>} : memref<64xi32, #tpu.memory_space<vmem>>, vector<16xi32>,
      %get3A_1443 = arith.constant 48 : index
      %get3A_1444 = tpu.vector_load %arg6[%get3A_1443] {strides = array<i32>} : memref<64xi32, #tpu.memory_space<vmem>>, vector<16xi32>,
      %add3A_1445 = arith.constant -1 : i32
      %add3A_1446 = vector.broadcast %add3A_1445 : i32 to vector<16xi32>
      %add3A_1447 = arith.addi %get3A_1442, %add3A_1446 : vector<16xi32>
      %jit3A_1448 = arith.constant 0 : i32
      %jit3A_1449 = arith.constant 511 : i32
      %max3A_1450 = vector.broadcast %jit3A_1448 : i32 to vector<16xi32>
      %max3A_1451 = arith.maxsi %max3A_1450, %add3A_1447 : vector<16xi32>
      %min3A_1452 = vector.broadcast %jit3A_1449 : i32 to vector<16xi32>
      %min3A_1453 = arith.minsi %min3A_1452, %max3A_1451 : vector<16xi32>
      %shift_left3A_1454 = arith.constant 9 : i32
      %shift_left3A_1455 = vector.broadcast %shift_left3A_1454 : i32 to vector<16xi32>
      %shift_left3A_1456 = arith.shli %min3A_1453, %shift_left3A_1455 : vector<16xi32>
      %add3A_1457 = vector.broadcast %mul3A_61 : i32 to vector<16xi32>
      %add3A_1458 = arith.addi %shift_left3A_1456, %add3A_1457 : vector<16xi32>
      %add3A_1459 = arith.constant 0 : i32
      %add3A_1460 = vector.broadcast %add3A_1459 : i32 to vector<16xi32>
      %add3A_1461 = arith.addi %get3A_1442, %add3A_1460 : vector<16xi32>
      %jit3A_1462 = arith.constant 0 : i32
      %jit3A_1463 = arith.constant 511 : i32
      %max3A_1464 = vector.broadcast %jit3A_1462 : i32 to vector<16xi32>
      %max3A_1465 = arith.maxsi %max3A_1464, %add3A_1461 : vector<16xi32>
      %min3A_1466 = vector.broadcast %jit3A_1463 : i32 to vector<16xi32>
      %min3A_1467 = arith.minsi %min3A_1466, %max3A_1465 : vector<16xi32>
      %shift_left3A_1468 = arith.constant 9 : i32
      %shift_left3A_1469 = vector.broadcast %shift_left3A_1468 : i32 to vector<16xi32>
      %shift_left3A_1470 = arith.shli %min3A_1467, %shift_left3A_1469 : vector<16xi32>
      %add3A_1471 = vector.broadcast %mul3A_61 : i32 to vector<16xi32>
      %add3A_1472 = arith.addi %shift_left3A_1470, %add3A_1471 : vector<16xi32>
      %add3A_1473 = arith.constant 1 : i32
      %add3A_1474 = vector.broadcast %add3A_1473 : i32 to vector<16xi32>
      %add3A_1475 = arith.addi %get3A_1442, %add3A_1474 : vector<16xi32>
      %jit3A_1476 = arith.constant 0 : i32
      %jit3A_1477 = arith.constant 511 : i32
      %max3A_1478 = vector.broadcast %jit3A_1476 : i32 to vector<16xi32>
      %max3A_1479 = arith.maxsi %max3A_1478, %add3A_1475 : vector<16xi32>
      %min3A_1480 = vector.broadcast %jit3A_1477 : i32 to vector<16xi32>
      %min3A_1481 = arith.minsi %min3A_1480, %max3A_1479 : vector<16xi32>
      %shift_left3A_1482 = arith.constant 9 : i32
      %shift_left3A_1483 = vector.broadcast %shift_left3A_1482 : i32 to vector<16xi32>
      %shift_left3A_1484 = arith.shli %min3A_1481, %shift_left3A_1483 : vector<16xi32>
      %add3A_1485 = vector.broadcast %mul3A_61 : i32 to vector<16xi32>
      %add3A_1486 = arith.addi %shift_left3A_1484, %add3A_1485 : vector<16xi32>
      %add3A_1487 = arith.constant -1 : i32
      %add3A_1488 = vector.broadcast %add3A_1487 : i32 to vector<16xi32>
      %add3A_1489 = arith.addi %get3A_1444, %add3A_1488 : vector<16xi32>
      %jit3A_1490 = arith.constant 0 : i32
      %jit3A_1491 = arith.constant 511 : i32
      %max3A_1492 = vector.broadcast %jit3A_1490 : i32 to vector<16xi32>
      %max3A_1493 = arith.maxsi %max3A_1492, %add3A_1489 : vector<16xi32>
      %min3A_1494 = vector.broadcast %jit3A_1491 : i32 to vector<16xi32>
      %min3A_1495 = arith.minsi %min3A_1494, %max3A_1493 : vector<16xi32>
      %add3A_1496 = arith.constant 0 : i32
      %add3A_1497 = vector.broadcast %add3A_1496 : i32 to vector<16xi32>
      %add3A_1498 = arith.addi %get3A_1444, %add3A_1497 : vector<16xi32>
      %jit3A_1499 = arith.constant 0 : i32
      %jit3A_1500 = arith.constant 511 : i32
      %max3A_1501 = vector.broadcast %jit3A_1499 : i32 to vector<16xi32>
      %max3A_1502 = arith.maxsi %max3A_1501, %add3A_1498 : vector<16xi32>
      %min3A_1503 = vector.broadcast %jit3A_1500 : i32 to vector<16xi32>
      %min3A_1504 = arith.minsi %min3A_1503, %max3A_1502 : vector<16xi32>
      %add3A_1505 = arith.constant 1 : i32
      %add3A_1506 = vector.broadcast %add3A_1505 : i32 to vector<16xi32>
      %add3A_1507 = arith.addi %get3A_1444, %add3A_1506 : vector<16xi32>
      %jit3A_1508 = arith.constant 0 : i32
      %jit3A_1509 = arith.constant 511 : i32
      %max3A_1510 = vector.broadcast %jit3A_1508 : i32 to vector<16xi32>
      %max3A_1511 = arith.maxsi %max3A_1510, %add3A_1507 : vector<16xi32>
      %min3A_1512 = vector.broadcast %jit3A_1509 : i32 to vector<16xi32>
      %min3A_1513 = arith.minsi %min3A_1512, %max3A_1511 : vector<16xi32>
      %add3A_1514 = arith.addi %add3A_1458, %min3A_1495 : vector<16xi32>
      %swap3A_1515 = arith.constant 16 : index
      %swap3A_1516 = tpu.vector_load %arg10[%swap3A_1515] {strides = array<i32>} : memref<256xi32, #tpu.memory_space<vmem>>, vector<16xi32>,
      tpu.vector_store %arg10[%swap3A_1515], %add3A_1514 {strides = array<i32>} : memref<256xi32, #tpu.memory_space<vmem>>, vector<16xi32>,
      %add3A_1517 = arith.addi %add3A_1458, %min3A_1504 : vector<16xi32>
      %swap3A_1518 = arith.constant 48 : index
      %swap3A_1519 = tpu.vector_load %arg10[%swap3A_1518] {strides = array<i32>} : memref<256xi32, #tpu.memory_space<vmem>>, vector<16xi32>,
      tpu.vector_store %arg10[%swap3A_1518], %add3A_1517 {strides = array<i32>} : memref<256xi32, #tpu.memory_space<vmem>>, vector<16xi32>,
      %add3A_1520 = arith.addi %add3A_1458, %min3A_1513 : vector<16xi32>
      %swap3A_1521 = arith.constant 80 : index
      %swap3A_1522 = tpu.vector_load %arg10[%swap3A_1521] {strides = array<i32>} : memref<256xi32, #tpu.memory_space<vmem>>, vector<16xi32>,
      tpu.vector_store %arg10[%swap3A_1521], %add3A_1520 {strides = array<i32>} : memref<256xi32, #tpu.memory_space<vmem>>, vector<16xi32>,
      %add3A_1523 = arith.addi %add3A_1472, %min3A_1495 : vector<16xi32>
      %swap3A_1524 = arith.constant 112 : index
      %swap3A_1525 = tpu.vector_load %arg10[%swap3A_1524] {strides = array<i32>} : memref<256xi32, #tpu.memory_space<vmem>>, vector<16xi32>,
      tpu.vector_store %arg10[%swap3A_1524], %add3A_1523 {strides = array<i32>} : memref<256xi32, #tpu.memory_space<vmem>>, vector<16xi32>,
      %add3A_1526 = arith.addi %add3A_1472, %min3A_1513 : vector<16xi32>
      %swap3A_1527 = arith.constant 144 : index
      %swap3A_1528 = tpu.vector_load %arg10[%swap3A_1527] {strides = array<i32>} : memref<256xi32, #tpu.memory_space<vmem>>, vector<16xi32>,
      tpu.vector_store %arg10[%swap3A_1527], %add3A_1526 {strides = array<i32>} : memref<256xi32, #tpu.memory_space<vmem>>, vector<16xi32>,
      %add3A_1529 = arith.addi %add3A_1486, %min3A_1495 : vector<16xi32>
      %swap3A_1530 = arith.constant 176 : index
      %swap3A_1531 = tpu.vector_load %arg10[%swap3A_1530] {strides = array<i32>} : memref<256xi32, #tpu.memory_space<vmem>>, vector<16xi32>,
      tpu.vector_store %arg10[%swap3A_1530], %add3A_1529 {strides = array<i32>} : memref<256xi32, #tpu.memory_space<vmem>>, vector<16xi32>,
      %add3A_1532 = arith.addi %add3A_1486, %min3A_1504 : vector<16xi32>
      %swap3A_1533 = arith.constant 208 : index
      %swap3A_1534 = tpu.vector_load %arg10[%swap3A_1533] {strides = array<i32>} : memref<256xi32, #tpu.memory_space<vmem>>, vector<16xi32>,
      tpu.vector_store %arg10[%swap3A_1533], %add3A_1532 {strides = array<i32>} : memref<256xi32, #tpu.memory_space<vmem>>, vector<16xi32>,
      %add3A_1535 = arith.addi %add3A_1486, %min3A_1513 : vector<16xi32>
      %swap3A_1536 = arith.constant 240 : index
      %swap3A_1537 = tpu.vector_load %arg10[%swap3A_1536] {strides = array<i32>} : memref<256xi32, #tpu.memory_space<vmem>>, vector<16xi32>,
      tpu.vector_store %arg10[%swap3A_1536], %add3A_1535 {strides = array<i32>} : memref<256xi32, #tpu.memory_space<vmem>>, vector<16xi32>,
      %dma_start3A_1538 = arith.constant 0 : i32
      %dma_start3A_1539 = tpu.memref_slice %arg11[%dma_start3A_1538] : memref<256xf32, #tpu.memory_space<vmem>> -> memref<128xf32, #tpu.memory_space<vmem>>
      %dma_start3A_1540 = arith.constant 0 : i32
      %dma_start3A_1541 = tpu.memref_slice %arg10[%dma_start3A_1540] : memref<256xi32, #tpu.memory_space<vmem>> -> memref<128xi32, #tpu.memory_space<vmem>>
      %dma_start3A_1542 = arith.constant 0 : i32
      %dma_start3A_1543 = tpu.memref_slice %arg13[%dma_start3A_1542] : memref<1048576xf32, #tpu.memory_space<vmem_shared>> -> memref<1048576xf32, #tpu.memory_space<vmem_shared>>
      tpu.enqueue_indirect_dma source(%dma_start3A_1543 : memref<1048576xf32, #tpu.memory_space<vmem_shared>>) target(%dma_start3A_1539 : memref<128xf32, #tpu.memory_space<vmem>>) offsets(%dma_start3A_1541 : memref<128xi32, #tpu.memory_space<vmem>>) semaphore(%arg15 : memref<!tpu.dma_semaphore, #tpu.memory_space<semaphore_mem>>)
      %dma_start3A_1544 = arith.constant 128 : i32
      %dma_start3A_1545 = tpu.memref_slice %arg11[%dma_start3A_1544] : memref<256xf32, #tpu.memory_space<vmem>> -> memref<128xf32, #tpu.memory_space<vmem>>
      %dma_start3A_1546 = arith.constant 128 : i32
      %dma_start3A_1547 = tpu.memref_slice %arg10[%dma_start3A_1546] : memref<256xi32, #tpu.memory_space<vmem>> -> memref<128xi32, #tpu.memory_space<vmem>>
      %dma_start3A_1548 = arith.constant 0 : i32
      %dma_start3A_1549 = tpu.memref_slice %arg13[%dma_start3A_1548] : memref<1048576xf32, #tpu.memory_space<vmem_shared>> -> memref<1048576xf32, #tpu.memory_space<vmem_shared>>
      tpu.enqueue_indirect_dma source(%dma_start3A_1549 : memref<1048576xf32, #tpu.memory_space<vmem_shared>>) target(%dma_start3A_1545 : memref<128xf32, #tpu.memory_space<vmem>>) offsets(%dma_start3A_1547 : memref<128xi32, #tpu.memory_space<vmem>>) semaphore(%arg15 : memref<!tpu.dma_semaphore, #tpu.memory_space<semaphore_mem>>)
    }
    %scan3A_589 = arith.constant 20 : i32
    %dma_wait3A_590 = arith.constant 0 : i32
    %dma_wait3A_591 = tpu.memref_slice %arg9[%dma_wait3A_590] : memref<256xf32, #tpu.memory_space<vmem>> -> memref<128xf32, #tpu.memory_space<vmem>>
    %dma_wait3A_592 = arith.constant 0 : i32
    %dma_wait3A_593 = tpu.memref_slice %arg8[%dma_wait3A_592] : memref<256xi32, #tpu.memory_space<vmem>> -> memref<128xi32, #tpu.memory_space<vmem>>
    %dma_wait3A_594 = arith.constant 0 : i32
    %dma_wait3A_595 = tpu.memref_slice %arg13[%dma_wait3A_594] : memref<1048576xf32, #tpu.memory_space<vmem_shared>> -> memref<1048576xf32, #tpu.memory_space<vmem_shared>>
    tpu.wait_indirect_dma semaphore(%arg14 : memref<!tpu.dma_semaphore, #tpu.memory_space<semaphore_mem>>) src(%dma_wait3A_595 : memref<1048576xf32, #tpu.memory_space<vmem_shared>>) dst(%dma_wait3A_591 : memref<128xf32, #tpu.memory_space<vmem>>)
    %dma_wait3A_596 = arith.constant 128 : i32
    %dma_wait3A_597 = tpu.memref_slice %arg9[%dma_wait3A_596] : memref<256xf32, #tpu.memory_space<vmem>> -> memref<128xf32, #tpu.memory_space<vmem>>
    %dma_wait3A_598 = arith.constant 128 : i32
    %dma_wait3A_599 = tpu.memref_slice %arg8[%dma_wait3A_598] : memref<256xi32, #tpu.memory_space<vmem>> -> memref<128xi32, #tpu.memory_space<vmem>>
    %dma_wait3A_600 = arith.constant 0 : i32
    %dma_wait3A_601 = tpu.memref_slice %arg13[%dma_wait3A_600] : memref<1048576xf32, #tpu.memory_space<vmem_shared>> -> memref<1048576xf32, #tpu.memory_space<vmem_shared>>
    tpu.wait_indirect_dma semaphore(%arg14 : memref<!tpu.dma_semaphore, #tpu.memory_space<semaphore_mem>>) src(%dma_wait3A_601 : memref<1048576xf32, #tpu.memory_space<vmem_shared>>) dst(%dma_wait3A_597 : memref<128xf32, #tpu.memory_space<vmem>>)
    %dma_wait3A_602 = arith.constant 0 : i32
    %dma_wait3A_603 = tpu.memref_slice %arg11[%dma_wait3A_602] : memref<256xf32, #tpu.memory_space<vmem>> -> memref<128xf32, #tpu.memory_space<vmem>>
    %dma_wait3A_604 = arith.constant 0 : i32
    %dma_wait3A_605 = tpu.memref_slice %arg10[%dma_wait3A_604] : memref<256xi32, #tpu.memory_space<vmem>> -> memref<128xi32, #tpu.memory_space<vmem>>
    %dma_wait3A_606 = arith.constant 0 : i32
    %dma_wait3A_607 = tpu.memref_slice %arg13[%dma_wait3A_606] : memref<1048576xf32, #tpu.memory_space<vmem_shared>> -> memref<1048576xf32, #tpu.memory_space<vmem_shared>>
    tpu.wait_indirect_dma semaphore(%arg15 : memref<!tpu.dma_semaphore, #tpu.memory_space<semaphore_mem>>) src(%dma_wait3A_607 : memref<1048576xf32, #tpu.memory_space<vmem_shared>>) dst(%dma_wait3A_603 : memref<128xf32, #tpu.memory_space<vmem>>)
    %dma_wait3A_608 = arith.constant 128 : i32
    %dma_wait3A_609 = tpu.memref_slice %arg11[%dma_wait3A_608] : memref<256xf32, #tpu.memory_space<vmem>> -> memref<128xf32, #tpu.memory_space<vmem>>
    %dma_wait3A_610 = arith.constant 128 : i32
    %dma_wait3A_611 = tpu.memref_slice %arg10[%dma_wait3A_610] : memref<256xi32, #tpu.memory_space<vmem>> -> memref<128xi32, #tpu.memory_space<vmem>>
    %dma_wait3A_612 = arith.constant 0 : i32
    %dma_wait3A_613 = tpu.memref_slice %arg13[%dma_wait3A_612] : memref<1048576xf32, #tpu.memory_space<vmem_shared>> -> memref<1048576xf32, #tpu.memory_space<vmem_shared>>
    tpu.wait_indirect_dma semaphore(%arg15 : memref<!tpu.dma_semaphore, #tpu.memory_space<semaphore_mem>>) src(%dma_wait3A_613 : memref<1048576xf32, #tpu.memory_space<vmem_shared>>) dst(%dma_wait3A_609 : memref<128xf32, #tpu.memory_space<vmem>>)
    %shift_left3A_614 = arith.constant 1 : i32
    %shift_left3A_615 = vector.broadcast %shift_left3A_614 : i32 to vector<16xi32>
    %shift_left3A_616 = arith.shli %iota3A, %shift_left3A_615 : vector<16xi32>
    %add3A_617 = arith.constant 0 : i32
    %add3A_618 = vector.broadcast %add3A_617 : i32 to vector<16xi32>
    %add3A_619 = arith.addi %shift_left3A_616, %add3A_618 : vector<16xi32>
    %get3A_620 = arith.constant 0 : index
    %get3A_621 = tpu.vector_load %arg5[%get3A_620] {strides = array<i32>} : memref<64xi32, #tpu.memory_space<vmem>>, vector<16xi32>,
    %convert_element_type3A = arith.sitofp %get3A_621 : vector<16xi32> to vector<16xf32>
    tpu.vector_store_idx %arg12[%add3A_619], %convert_element_type3A : memref<128xf32, #tpu.memory_space<vmem>>[vector<16xi32>], vector<16xf32>,
    %add3A_622 = arith.constant 1 : i32
    %add3A_623 = vector.broadcast %add3A_622 : i32 to vector<16xi32>
    %add3A_624 = arith.addi %add3A_619, %add3A_623 : vector<16xi32>
    %get3A_625 = arith.constant 0 : index
    %get3A_626 = tpu.vector_load %arg6[%get3A_625] {strides = array<i32>} : memref<64xi32, #tpu.memory_space<vmem>>, vector<16xi32>,
    %convert_element_type3A_627 = arith.sitofp %get3A_626 : vector<16xi32> to vector<16xf32>
    tpu.vector_store_idx %arg12[%add3A_624], %convert_element_type3A_627 : memref<128xf32, #tpu.memory_space<vmem>>[vector<16xi32>], vector<16xf32>,
    %shift_left3A_628 = arith.constant 1 : i32
    %shift_left3A_629 = vector.broadcast %shift_left3A_628 : i32 to vector<16xi32>
    %shift_left3A_630 = arith.shli %iota3A, %shift_left3A_629 : vector<16xi32>
    %add3A_631 = arith.constant 32 : i32
    %add3A_632 = vector.broadcast %add3A_631 : i32 to vector<16xi32>
    %add3A_633 = arith.addi %shift_left3A_630, %add3A_632 : vector<16xi32>
    %get3A_634 = arith.constant 16 : index
    %get3A_635 = tpu.vector_load %arg5[%get3A_634] {strides = array<i32>} : memref<64xi32, #tpu.memory_space<vmem>>, vector<16xi32>,
    %convert_element_type3A_636 = arith.sitofp %get3A_635 : vector<16xi32> to vector<16xf32>
    tpu.vector_store_idx %arg12[%add3A_633], %convert_element_type3A_636 : memref<128xf32, #tpu.memory_space<vmem>>[vector<16xi32>], vector<16xf32>,
    %add3A_637 = arith.constant 1 : i32
    %add3A_638 = vector.broadcast %add3A_637 : i32 to vector<16xi32>
    %add3A_639 = arith.addi %add3A_633, %add3A_638 : vector<16xi32>
    %get3A_640 = arith.constant 16 : index
    %get3A_641 = tpu.vector_load %arg6[%get3A_640] {strides = array<i32>} : memref<64xi32, #tpu.memory_space<vmem>>, vector<16xi32>,
    %convert_element_type3A_642 = arith.sitofp %get3A_641 : vector<16xi32> to vector<16xf32>
    tpu.vector_store_idx %arg12[%add3A_639], %convert_element_type3A_642 : memref<128xf32, #tpu.memory_space<vmem>>[vector<16xi32>], vector<16xf32>,
    %shift_left3A_643 = arith.constant 1 : i32
    %shift_left3A_644 = vector.broadcast %shift_left3A_643 : i32 to vector<16xi32>
    %shift_left3A_645 = arith.shli %iota3A, %shift_left3A_644 : vector<16xi32>
    %add3A_646 = arith.constant 64 : i32
    %add3A_647 = vector.broadcast %add3A_646 : i32 to vector<16xi32>
    %add3A_648 = arith.addi %shift_left3A_645, %add3A_647 : vector<16xi32>
    %get3A_649 = arith.constant 32 : index
    %get3A_650 = tpu.vector_load %arg5[%get3A_649] {strides = array<i32>} : memref<64xi32, #tpu.memory_space<vmem>>, vector<16xi32>,
    %convert_element_type3A_651 = arith.sitofp %get3A_650 : vector<16xi32> to vector<16xf32>
    tpu.vector_store_idx %arg12[%add3A_648], %convert_element_type3A_651 : memref<128xf32, #tpu.memory_space<vmem>>[vector<16xi32>], vector<16xf32>,
    %add3A_652 = arith.constant 1 : i32
    %add3A_653 = vector.broadcast %add3A_652 : i32 to vector<16xi32>
    %add3A_654 = arith.addi %add3A_648, %add3A_653 : vector<16xi32>
    %get3A_655 = arith.constant 32 : index
    %get3A_656 = tpu.vector_load %arg6[%get3A_655] {strides = array<i32>} : memref<64xi32, #tpu.memory_space<vmem>>, vector<16xi32>,
    %convert_element_type3A_657 = arith.sitofp %get3A_656 : vector<16xi32> to vector<16xf32>
    tpu.vector_store_idx %arg12[%add3A_654], %convert_element_type3A_657 : memref<128xf32, #tpu.memory_space<vmem>>[vector<16xi32>], vector<16xf32>,
    %shift_left3A_658 = arith.constant 1 : i32
    %shift_left3A_659 = vector.broadcast %shift_left3A_658 : i32 to vector<16xi32>
    %shift_left3A_660 = arith.shli %iota3A, %shift_left3A_659 : vector<16xi32>
    %add3A_661 = arith.constant 96 : i32
    %add3A_662 = vector.broadcast %add3A_661 : i32 to vector<16xi32>
    %add3A_663 = arith.addi %shift_left3A_660, %add3A_662 : vector<16xi32>
    %get3A_664 = arith.constant 48 : index
    %get3A_665 = tpu.vector_load %arg5[%get3A_664] {strides = array<i32>} : memref<64xi32, #tpu.memory_space<vmem>>, vector<16xi32>,
    %convert_element_type3A_666 = arith.sitofp %get3A_665 : vector<16xi32> to vector<16xf32>
    tpu.vector_store_idx %arg12[%add3A_663], %convert_element_type3A_666 : memref<128xf32, #tpu.memory_space<vmem>>[vector<16xi32>], vector<16xf32>,
    %add3A_667 = arith.constant 1 : i32
    %add3A_668 = vector.broadcast %add3A_667 : i32 to vector<16xi32>
    %add3A_669 = arith.addi %add3A_663, %add3A_668 : vector<16xi32>
    %get3A_670 = arith.constant 48 : index
    %get3A_671 = tpu.vector_load %arg6[%get3A_670] {strides = array<i32>} : memref<64xi32, #tpu.memory_space<vmem>>, vector<16xi32>,
    %convert_element_type3A_672 = arith.sitofp %get3A_671 : vector<16xi32> to vector<16xf32>
    tpu.vector_store_idx %arg12[%add3A_669], %convert_element_type3A_672 : memref<128xf32, #tpu.memory_space<vmem>>[vector<16xi32>], vector<16xf32>,
    %mul3A_673 = arith.constant 2 : i32
    %mul3A_674 = arith.muli %mul3A_2, %mul3A_673 : i32
    "tpu.region"() ({
      %run_scoped3A = tpu.sem_alloc : memref<!tpu.dma_semaphore, #tpu.memory_space<semaphore_mem>>
      %dma_start3A_675 = tpu.memref_slice %arg3[%mul3A_674] : memref<4096xf32, #tpu.memory_space<hbm>> -> memref<128xf32, #tpu.memory_space<hbm>>
      %dma_start3A_676 = tpu.memref_slice %arg3[%mul3A_674] : memref<4096xf32, #tpu.memory_space<hbm>> -> memref<128xf32, #tpu.memory_space<hbm>>
      tpu.enqueue_dma source(%arg12 : memref<128xf32, #tpu.memory_space<vmem>>) target(%dma_start3A_676 : memref<128xf32, #tpu.memory_space<hbm>>) target_semaphore(%run_scoped3A : memref<!tpu.dma_semaphore, #tpu.memory_space<semaphore_mem>>)
      %dma_wait3A_677 = tpu.memref_slice %arg3[%mul3A_674] : memref<4096xf32, #tpu.memory_space<hbm>> -> memref<128xf32, #tpu.memory_space<hbm>>
      %dma_wait3A_678 = tpu.memref_slice %arg3[%mul3A_674] : memref<4096xf32, #tpu.memory_space<hbm>> -> memref<128xf32, #tpu.memory_space<hbm>>
      tpu.wait_dma2 semaphore(%run_scoped3A : memref<!tpu.dma_semaphore, #tpu.memory_space<semaphore_mem>>) src(%arg12 : memref<128xf32, #tpu.memory_space<vmem>>) dst(%dma_wait3A_678 : memref<128xf32, #tpu.memory_space<hbm>>)
      tpu.yield
    }) : () -> ()
    return
  }
}

module attributes {stable_mosaic.version = 14 : i64} {
  func.func @_smooth_body(%arg0: i32, %arg1: memref<4x1x512x512xf32, #tpu.memory_space<vmem>>, %arg2: memref<4x256x2xi32, #tpu.memory_space<vmem>>, %arg3: memref<4x2056x128xf32, #tpu.memory_space<vmem>>) attributes {dimension_semantics = [#tpu.dimension_semantics<arbitrary>], iteration_bounds = array<i64: 2>, scalar_prefetch = 0 : i64, scratch_operands = 0 : i64, tpu.core_type = #tpu.core_type<tc>, window_params = [{transform_indices = @transform_0, window_bounds = array<i64: 4, 1, 512, 512>}, {transform_indices = @transform_1, window_bounds = array<i64: 4, 256, 2>}, {transform_indices = @transform_2, window_bounds = array<i64: 4, 2056, 128>}]} {
    %get3A = arith.constant 0 : index
    %get3A_0 = arith.constant 0 : index
    %get3A_1 = arith.constant 0 : index
    %get3A_2 = arith.constant 0 : index
    %get3A_3 = vector.load %arg1[%get3A, %get3A_0, %get3A_1, %get3A_2] : memref<4x1x512x512xf32, #tpu.memory_space<vmem>>, vector<1x1x512x512xf32>
    %get3A_4 = vector.shape_cast %get3A_3 : vector<1x1x512x512xf32> to vector<512x512xf32>
    %broadcast_in_dim3A = arith.constant 0.000000e+00 : f32
    %broadcast_in_dim3A_5 = vector.broadcast %broadcast_in_dim3A : f32 to vector<1x512xf32>
    %slice3A = vector.extract_strided_slice %get3A_4 {offsets = [1, 0], sizes = [511, 512], strides = [1, 1]} : vector<512x512xf32> to vector<511x512xf32>
    %concatenate3A = tpu.concatenate %slice3A, %broadcast_in_dim3A_5 in 0 : vector<511x512xf32>, vector<1x512xf32> -> vector<512x512xf32>
    %add3A = arith.addf %get3A_4, %concatenate3A : vector<512x512xf32>
    %slice3A_6 = vector.extract_strided_slice %get3A_4 {offsets = [0, 0], sizes = [511, 512], strides = [1, 1]} : vector<512x512xf32> to vector<511x512xf32>
    %concatenate3A_7 = tpu.concatenate %broadcast_in_dim3A_5, %slice3A_6 in 0 : vector<1x512xf32>, vector<511x512xf32> -> vector<512x512xf32>
    %add3A_8 = arith.addf %add3A, %concatenate3A_7 : vector<512x512xf32>
    %broadcast_in_dim3A_9 = arith.constant 0.000000e+00 : f32
    %broadcast_in_dim3A_10 = vector.broadcast %broadcast_in_dim3A_9 : f32 to vector<512x1xf32>
    %slice3A_11 = vector.extract_strided_slice %add3A_8 {offsets = [0, 1], sizes = [512, 511], strides = [1, 1]} : vector<512x512xf32> to vector<512x511xf32>
    %concatenate3A_12 = tpu.concatenate %slice3A_11, %broadcast_in_dim3A_10 in 1 : vector<512x511xf32>, vector<512x1xf32> -> vector<512x512xf32>
    %add3A_13 = arith.addf %add3A_8, %concatenate3A_12 : vector<512x512xf32>
    %slice3A_14 = vector.extract_strided_slice %add3A_8 {offsets = [0, 0], sizes = [512, 511], strides = [1, 1]} : vector<512x512xf32> to vector<512x511xf32>
    %concatenate3A_15 = tpu.concatenate %broadcast_in_dim3A_10, %slice3A_14 in 1 : vector<512x1xf32>, vector<512x511xf32> -> vector<512x512xf32>
    %add3A_16 = arith.addf %add3A_13, %concatenate3A_15 : vector<512x512xf32>
    %mul3A = arith.constant 0.111111112 : f32
    %mul3A_17 = vector.broadcast %mul3A : f32 to vector<512x512xf32>
    %mul3A_18 = arith.mulf %add3A_16, %mul3A_17 : vector<512x512xf32>
    %reshape3A = vector.shape_cast %mul3A_18 : vector<512x512xf32> to vector<2048x128xf32>
    %swap3A = arith.constant 0 : index
    %swap3A_19 = arith.constant 0 : index
    %swap3A_20 = arith.constant 0 : index
    %swap3A_21 = vector.load %arg3[%swap3A, %swap3A_19, %swap3A_20] : memref<4x2056x128xf32, #tpu.memory_space<vmem>>, vector<1x2048x128xf32>
    %swap3A_22 = vector.shape_cast %swap3A_21 : vector<1x2048x128xf32> to vector<2048x128xf32>
    %swap3A_23 = vector.shape_cast %reshape3A : vector<2048x128xf32> to vector<1x2048x128xf32>
    tpu.vector_store %arg3[%swap3A, %swap3A_19, %swap3A_20], %swap3A_23 {strides = array<i32>} : memref<4x2056x128xf32, #tpu.memory_space<vmem>>, vector<1x2048x128xf32>,
    %get3A_24 = arith.constant 0 : index
    %get3A_25 = arith.constant 0 : index
    %get3A_26 = arith.constant 0 : index
    %get3A_27 = vector.load %arg2[%get3A_24, %get3A_25, %get3A_26] : memref<4x256x2xi32, #tpu.memory_space<vmem>>, vector<1x256x1xi32>
    %get3A_28 = vector.shape_cast %get3A_27 : vector<1x256x1xi32> to vector<256xi32>
    %bitcast_convert_type3A = tpu.bitcast %get3A_28 : vector<256xi32> -> vector<256xf32>
    %get3A_29 = arith.constant 0 : index
    %get3A_30 = arith.constant 0 : index
    %get3A_31 = arith.constant 1 : index
    %get3A_32 = vector.load %arg2[%get3A_29, %get3A_30, %get3A_31] : memref<4x256x2xi32, #tpu.memory_space<vmem>>, vector<1x256x1xi32>
    %get3A_33 = vector.shape_cast %get3A_32 : vector<1x256x1xi32> to vector<256xi32>
    %bitcast_convert_type3A_34 = tpu.bitcast %get3A_33 : vector<256xi32> -> vector<256xf32>
    %reshape3A_35 = vector.shape_cast %bitcast_convert_type3A : vector<256xf32> to vector<2x128xf32>
    %swap3A_36 = arith.constant 0 : index
    %swap3A_37 = arith.constant 2048 : index
    %swap3A_38 = arith.constant 0 : index
    %swap3A_39 = vector.load %arg3[%swap3A_36, %swap3A_37, %swap3A_38] : memref<4x2056x128xf32, #tpu.memory_space<vmem>>, vector<1x2x128xf32>
    %swap3A_40 = vector.shape_cast %swap3A_39 : vector<1x2x128xf32> to vector<2x128xf32>
    %swap3A_41 = vector.shape_cast %reshape3A_35 : vector<2x128xf32> to vector<1x2x128xf32>
    tpu.vector_store %arg3[%swap3A_36, %swap3A_37, %swap3A_38], %swap3A_41 {strides = array<i32>} : memref<4x2056x128xf32, #tpu.memory_space<vmem>>, vector<1x2x128xf32>,
    %reshape3A_42 = vector.shape_cast %bitcast_convert_type3A_34 : vector<256xf32> to vector<2x128xf32>
    %swap3A_43 = arith.constant 0 : index
    %swap3A_44 = arith.constant 2050 : index
    %swap3A_45 = arith.constant 0 : index
    %swap3A_46 = vector.load %arg3[%swap3A_43, %swap3A_44, %swap3A_45] : memref<4x2056x128xf32, #tpu.memory_space<vmem>>, vector<1x2x128xf32>
    %swap3A_47 = vector.shape_cast %swap3A_46 : vector<1x2x128xf32> to vector<2x128xf32>
    %swap3A_48 = vector.shape_cast %reshape3A_42 : vector<2x128xf32> to vector<1x2x128xf32>
    tpu.vector_store %arg3[%swap3A_43, %swap3A_44, %swap3A_45], %swap3A_48 {strides = array<i32>} : memref<4x2056x128xf32, #tpu.memory_space<vmem>>, vector<1x2x128xf32>,
    %broadcast_in_dim3A_49 = arith.constant 0.000000e+00 : f32
    %broadcast_in_dim3A_50 = vector.broadcast %broadcast_in_dim3A_49 : f32 to vector<4x128xf32>
    %swap3A_51 = arith.constant 0 : index
    %swap3A_52 = arith.constant 2052 : index
    %swap3A_53 = arith.constant 0 : index
    %swap3A_54 = vector.load %arg3[%swap3A_51, %swap3A_52, %swap3A_53] : memref<4x2056x128xf32, #tpu.memory_space<vmem>>, vector<1x4x128xf32>
    %swap3A_55 = vector.shape_cast %swap3A_54 : vector<1x4x128xf32> to vector<4x128xf32>
    %swap3A_56 = vector.shape_cast %broadcast_in_dim3A_50 : vector<4x128xf32> to vector<1x4x128xf32>
    tpu.vector_store %arg3[%swap3A_51, %swap3A_52, %swap3A_53], %swap3A_56 {strides = array<i32>} : memref<4x2056x128xf32, #tpu.memory_space<vmem>>, vector<1x4x128xf32>,
    %get3A_57 = arith.constant 1 : index
    %get3A_58 = arith.constant 0 : index
    %get3A_59 = arith.constant 0 : index
    %get3A_60 = arith.constant 0 : index
    %get3A_61 = vector.load %arg1[%get3A_57, %get3A_58, %get3A_59, %get3A_60] : memref<4x1x512x512xf32, #tpu.memory_space<vmem>>, vector<1x1x512x512xf32>
    %get3A_62 = vector.shape_cast %get3A_61 : vector<1x1x512x512xf32> to vector<512x512xf32>
    %broadcast_in_dim3A_63 = arith.constant 0.000000e+00 : f32
    %broadcast_in_dim3A_64 = vector.broadcast %broadcast_in_dim3A_63 : f32 to vector<1x512xf32>
    %slice3A_65 = vector.extract_strided_slice %get3A_62 {offsets = [1, 0], sizes = [511, 512], strides = [1, 1]} : vector<512x512xf32> to vector<511x512xf32>
    %concatenate3A_66 = tpu.concatenate %slice3A_65, %broadcast_in_dim3A_64 in 0 : vector<511x512xf32>, vector<1x512xf32> -> vector<512x512xf32>
    %add3A_67 = arith.addf %get3A_62, %concatenate3A_66 : vector<512x512xf32>
    %slice3A_68 = vector.extract_strided_slice %get3A_62 {offsets = [0, 0], sizes = [511, 512], strides = [1, 1]} : vector<512x512xf32> to vector<511x512xf32>
    %concatenate3A_69 = tpu.concatenate %broadcast_in_dim3A_64, %slice3A_68 in 0 : vector<1x512xf32>, vector<511x512xf32> -> vector<512x512xf32>
    %add3A_70 = arith.addf %add3A_67, %concatenate3A_69 : vector<512x512xf32>
    %broadcast_in_dim3A_71 = arith.constant 0.000000e+00 : f32
    %broadcast_in_dim3A_72 = vector.broadcast %broadcast_in_dim3A_71 : f32 to vector<512x1xf32>
    %slice3A_73 = vector.extract_strided_slice %add3A_70 {offsets = [0, 1], sizes = [512, 511], strides = [1, 1]} : vector<512x512xf32> to vector<512x511xf32>
    %concatenate3A_74 = tpu.concatenate %slice3A_73, %broadcast_in_dim3A_72 in 1 : vector<512x511xf32>, vector<512x1xf32> -> vector<512x512xf32>
    %add3A_75 = arith.addf %add3A_70, %concatenate3A_74 : vector<512x512xf32>
    %slice3A_76 = vector.extract_strided_slice %add3A_70 {offsets = [0, 0], sizes = [512, 511], strides = [1, 1]} : vector<512x512xf32> to vector<512x511xf32>
    %concatenate3A_77 = tpu.concatenate %broadcast_in_dim3A_72, %slice3A_76 in 1 : vector<512x1xf32>, vector<512x511xf32> -> vector<512x512xf32>
    %add3A_78 = arith.addf %add3A_75, %concatenate3A_77 : vector<512x512xf32>
    %mul3A_79 = arith.constant 0.111111112 : f32
    %mul3A_80 = vector.broadcast %mul3A_79 : f32 to vector<512x512xf32>
    %mul3A_81 = arith.mulf %add3A_78, %mul3A_80 : vector<512x512xf32>
    %reshape3A_82 = vector.shape_cast %mul3A_81 : vector<512x512xf32> to vector<2048x128xf32>
    %swap3A_83 = arith.constant 1 : index
    %swap3A_84 = arith.constant 0 : index
    %swap3A_85 = arith.constant 0 : index
    %swap3A_86 = vector.load %arg3[%swap3A_83, %swap3A_84, %swap3A_85] : memref<4x2056x128xf32, #tpu.memory_space<vmem>>, vector<1x2048x128xf32>
    %swap3A_87 = vector.shape_cast %swap3A_86 : vector<1x2048x128xf32> to vector<2048x128xf32>
    %swap3A_88 = vector.shape_cast %reshape3A_82 : vector<2048x128xf32> to vector<1x2048x128xf32>
    tpu.vector_store %arg3[%swap3A_83, %swap3A_84, %swap3A_85], %swap3A_88 {strides = array<i32>} : memref<4x2056x128xf32, #tpu.memory_space<vmem>>, vector<1x2048x128xf32>,
    %get3A_89 = arith.constant 1 : index
    %get3A_90 = arith.constant 0 : index
    %get3A_91 = arith.constant 0 : index
    %get3A_92 = vector.load %arg2[%get3A_89, %get3A_90, %get3A_91] : memref<4x256x2xi32, #tpu.memory_space<vmem>>, vector<1x256x1xi32>
    %get3A_93 = vector.shape_cast %get3A_92 : vector<1x256x1xi32> to vector<256xi32>
    %bitcast_convert_type3A_94 = tpu.bitcast %get3A_93 : vector<256xi32> -> vector<256xf32>
    %get3A_95 = arith.constant 1 : index
    %get3A_96 = arith.constant 0 : index
    %get3A_97 = arith.constant 1 : index
    %get3A_98 = vector.load %arg2[%get3A_95, %get3A_96, %get3A_97] : memref<4x256x2xi32, #tpu.memory_space<vmem>>, vector<1x256x1xi32>
    %get3A_99 = vector.shape_cast %get3A_98 : vector<1x256x1xi32> to vector<256xi32>
    %bitcast_convert_type3A_100 = tpu.bitcast %get3A_99 : vector<256xi32> -> vector<256xf32>
    %reshape3A_101 = vector.shape_cast %bitcast_convert_type3A_94 : vector<256xf32> to vector<2x128xf32>
    %swap3A_102 = arith.constant 1 : index
    %swap3A_103 = arith.constant 2048 : index
    %swap3A_104 = arith.constant 0 : index
    %swap3A_105 = vector.load %arg3[%swap3A_102, %swap3A_103, %swap3A_104] : memref<4x2056x128xf32, #tpu.memory_space<vmem>>, vector<1x2x128xf32>
    %swap3A_106 = vector.shape_cast %swap3A_105 : vector<1x2x128xf32> to vector<2x128xf32>
    %swap3A_107 = vector.shape_cast %reshape3A_101 : vector<2x128xf32> to vector<1x2x128xf32>
    tpu.vector_store %arg3[%swap3A_102, %swap3A_103, %swap3A_104], %swap3A_107 {strides = array<i32>} : memref<4x2056x128xf32, #tpu.memory_space<vmem>>, vector<1x2x128xf32>,
    %reshape3A_108 = vector.shape_cast %bitcast_convert_type3A_100 : vector<256xf32> to vector<2x128xf32>
    %swap3A_109 = arith.constant 1 : index
    %swap3A_110 = arith.constant 2050 : index
    %swap3A_111 = arith.constant 0 : index
    %swap3A_112 = vector.load %arg3[%swap3A_109, %swap3A_110, %swap3A_111] : memref<4x2056x128xf32, #tpu.memory_space<vmem>>, vector<1x2x128xf32>
    %swap3A_113 = vector.shape_cast %swap3A_112 : vector<1x2x128xf32> to vector<2x128xf32>
    %swap3A_114 = vector.shape_cast %reshape3A_108 : vector<2x128xf32> to vector<1x2x128xf32>
    tpu.vector_store %arg3[%swap3A_109, %swap3A_110, %swap3A_111], %swap3A_114 {strides = array<i32>} : memref<4x2056x128xf32, #tpu.memory_space<vmem>>, vector<1x2x128xf32>,
    %broadcast_in_dim3A_115 = arith.constant 0.000000e+00 : f32
    %broadcast_in_dim3A_116 = vector.broadcast %broadcast_in_dim3A_115 : f32 to vector<4x128xf32>
    %swap3A_117 = arith.constant 1 : index
    %swap3A_118 = arith.constant 2052 : index
    %swap3A_119 = arith.constant 0 : index
    %swap3A_120 = vector.load %arg3[%swap3A_117, %swap3A_118, %swap3A_119] : memref<4x2056x128xf32, #tpu.memory_space<vmem>>, vector<1x4x128xf32>
    %swap3A_121 = vector.shape_cast %swap3A_120 : vector<1x4x128xf32> to vector<4x128xf32>
    %swap3A_122 = vector.shape_cast %broadcast_in_dim3A_116 : vector<4x128xf32> to vector<1x4x128xf32>
    tpu.vector_store %arg3[%swap3A_117, %swap3A_118, %swap3A_119], %swap3A_122 {strides = array<i32>} : memref<4x2056x128xf32, #tpu.memory_space<vmem>>, vector<1x4x128xf32>,
    %get3A_123 = arith.constant 2 : index
    %get3A_124 = arith.constant 0 : index
    %get3A_125 = arith.constant 0 : index
    %get3A_126 = arith.constant 0 : index
    %get3A_127 = vector.load %arg1[%get3A_123, %get3A_124, %get3A_125, %get3A_126] : memref<4x1x512x512xf32, #tpu.memory_space<vmem>>, vector<1x1x512x512xf32>
    %get3A_128 = vector.shape_cast %get3A_127 : vector<1x1x512x512xf32> to vector<512x512xf32>
    %broadcast_in_dim3A_129 = arith.constant 0.000000e+00 : f32
    %broadcast_in_dim3A_130 = vector.broadcast %broadcast_in_dim3A_129 : f32 to vector<1x512xf32>
    %slice3A_131 = vector.extract_strided_slice %get3A_128 {offsets = [1, 0], sizes = [511, 512], strides = [1, 1]} : vector<512x512xf32> to vector<511x512xf32>
    %concatenate3A_132 = tpu.concatenate %slice3A_131, %broadcast_in_dim3A_130 in 0 : vector<511x512xf32>, vector<1x512xf32> -> vector<512x512xf32>
    %add3A_133 = arith.addf %get3A_128, %concatenate3A_132 : vector<512x512xf32>
    %slice3A_134 = vector.extract_strided_slice %get3A_128 {offsets = [0, 0], sizes = [511, 512], strides = [1, 1]} : vector<512x512xf32> to vector<511x512xf32>
    %concatenate3A_135 = tpu.concatenate %broadcast_in_dim3A_130, %slice3A_134 in 0 : vector<1x512xf32>, vector<511x512xf32> -> vector<512x512xf32>
    %add3A_136 = arith.addf %add3A_133, %concatenate3A_135 : vector<512x512xf32>
    %broadcast_in_dim3A_137 = arith.constant 0.000000e+00 : f32
    %broadcast_in_dim3A_138 = vector.broadcast %broadcast_in_dim3A_137 : f32 to vector<512x1xf32>
    %slice3A_139 = vector.extract_strided_slice %add3A_136 {offsets = [0, 1], sizes = [512, 511], strides = [1, 1]} : vector<512x512xf32> to vector<512x511xf32>
    %concatenate3A_140 = tpu.concatenate %slice3A_139, %broadcast_in_dim3A_138 in 1 : vector<512x511xf32>, vector<512x1xf32> -> vector<512x512xf32>
    %add3A_141 = arith.addf %add3A_136, %concatenate3A_140 : vector<512x512xf32>
    %slice3A_142 = vector.extract_strided_slice %add3A_136 {offsets = [0, 0], sizes = [512, 511], strides = [1, 1]} : vector<512x512xf32> to vector<512x511xf32>
    %concatenate3A_143 = tpu.concatenate %broadcast_in_dim3A_138, %slice3A_142 in 1 : vector<512x1xf32>, vector<512x511xf32> -> vector<512x512xf32>
    %add3A_144 = arith.addf %add3A_141, %concatenate3A_143 : vector<512x512xf32>
    %mul3A_145 = arith.constant 0.111111112 : f32
    %mul3A_146 = vector.broadcast %mul3A_145 : f32 to vector<512x512xf32>
    %mul3A_147 = arith.mulf %add3A_144, %mul3A_146 : vector<512x512xf32>
    %reshape3A_148 = vector.shape_cast %mul3A_147 : vector<512x512xf32> to vector<2048x128xf32>
    %swap3A_149 = arith.constant 2 : index
    %swap3A_150 = arith.constant 0 : index
    %swap3A_151 = arith.constant 0 : index
    %swap3A_152 = vector.load %arg3[%swap3A_149, %swap3A_150, %swap3A_151] : memref<4x2056x128xf32, #tpu.memory_space<vmem>>, vector<1x2048x128xf32>
    %swap3A_153 = vector.shape_cast %swap3A_152 : vector<1x2048x128xf32> to vector<2048x128xf32>
    %swap3A_154 = vector.shape_cast %reshape3A_148 : vector<2048x128xf32> to vector<1x2048x128xf32>
    tpu.vector_store %arg3[%swap3A_149, %swap3A_150, %swap3A_151], %swap3A_154 {strides = array<i32>} : memref<4x2056x128xf32, #tpu.memory_space<vmem>>, vector<1x2048x128xf32>,
    %get3A_155 = arith.constant 2 : index
    %get3A_156 = arith.constant 0 : index
    %get3A_157 = arith.constant 0 : index
    %get3A_158 = vector.load %arg2[%get3A_155, %get3A_156, %get3A_157] : memref<4x256x2xi32, #tpu.memory_space<vmem>>, vector<1x256x1xi32>
    %get3A_159 = vector.shape_cast %get3A_158 : vector<1x256x1xi32> to vector<256xi32>
    %bitcast_convert_type3A_160 = tpu.bitcast %get3A_159 : vector<256xi32> -> vector<256xf32>
    %get3A_161 = arith.constant 2 : index
    %get3A_162 = arith.constant 0 : index
    %get3A_163 = arith.constant 1 : index
    %get3A_164 = vector.load %arg2[%get3A_161, %get3A_162, %get3A_163] : memref<4x256x2xi32, #tpu.memory_space<vmem>>, vector<1x256x1xi32>
    %get3A_165 = vector.shape_cast %get3A_164 : vector<1x256x1xi32> to vector<256xi32>
    %bitcast_convert_type3A_166 = tpu.bitcast %get3A_165 : vector<256xi32> -> vector<256xf32>
    %reshape3A_167 = vector.shape_cast %bitcast_convert_type3A_160 : vector<256xf32> to vector<2x128xf32>
    %swap3A_168 = arith.constant 2 : index
    %swap3A_169 = arith.constant 2048 : index
    %swap3A_170 = arith.constant 0 : index
    %swap3A_171 = vector.load %arg3[%swap3A_168, %swap3A_169, %swap3A_170] : memref<4x2056x128xf32, #tpu.memory_space<vmem>>, vector<1x2x128xf32>
    %swap3A_172 = vector.shape_cast %swap3A_171 : vector<1x2x128xf32> to vector<2x128xf32>
    %swap3A_173 = vector.shape_cast %reshape3A_167 : vector<2x128xf32> to vector<1x2x128xf32>
    tpu.vector_store %arg3[%swap3A_168, %swap3A_169, %swap3A_170], %swap3A_173 {strides = array<i32>} : memref<4x2056x128xf32, #tpu.memory_space<vmem>>, vector<1x2x128xf32>,
    %reshape3A_174 = vector.shape_cast %bitcast_convert_type3A_166 : vector<256xf32> to vector<2x128xf32>
    %swap3A_175 = arith.constant 2 : index
    %swap3A_176 = arith.constant 2050 : index
    %swap3A_177 = arith.constant 0 : index
    %swap3A_178 = vector.load %arg3[%swap3A_175, %swap3A_176, %swap3A_177] : memref<4x2056x128xf32, #tpu.memory_space<vmem>>, vector<1x2x128xf32>
    %swap3A_179 = vector.shape_cast %swap3A_178 : vector<1x2x128xf32> to vector<2x128xf32>
    %swap3A_180 = vector.shape_cast %reshape3A_174 : vector<2x128xf32> to vector<1x2x128xf32>
    tpu.vector_store %arg3[%swap3A_175, %swap3A_176, %swap3A_177], %swap3A_180 {strides = array<i32>} : memref<4x2056x128xf32, #tpu.memory_space<vmem>>, vector<1x2x128xf32>,
    %broadcast_in_dim3A_181 = arith.constant 0.000000e+00 : f32
    %broadcast_in_dim3A_182 = vector.broadcast %broadcast_in_dim3A_181 : f32 to vector<4x128xf32>
    %swap3A_183 = arith.constant 2 : index
    %swap3A_184 = arith.constant 2052 : index
    %swap3A_185 = arith.constant 0 : index
    %swap3A_186 = vector.load %arg3[%swap3A_183, %swap3A_184, %swap3A_185] : memref<4x2056x128xf32, #tpu.memory_space<vmem>>, vector<1x4x128xf32>
    %swap3A_187 = vector.shape_cast %swap3A_186 : vector<1x4x128xf32> to vector<4x128xf32>
    %swap3A_188 = vector.shape_cast %broadcast_in_dim3A_182 : vector<4x128xf32> to vector<1x4x128xf32>
    tpu.vector_store %arg3[%swap3A_183, %swap3A_184, %swap3A_185], %swap3A_188 {strides = array<i32>} : memref<4x2056x128xf32, #tpu.memory_space<vmem>>, vector<1x4x128xf32>,
    %get3A_189 = arith.constant 3 : index
    %get3A_190 = arith.constant 0 : index
    %get3A_191 = arith.constant 0 : index
    %get3A_192 = arith.constant 0 : index
    %get3A_193 = vector.load %arg1[%get3A_189, %get3A_190, %get3A_191, %get3A_192] : memref<4x1x512x512xf32, #tpu.memory_space<vmem>>, vector<1x1x512x512xf32>
    %get3A_194 = vector.shape_cast %get3A_193 : vector<1x1x512x512xf32> to vector<512x512xf32>
    %broadcast_in_dim3A_195 = arith.constant 0.000000e+00 : f32
    %broadcast_in_dim3A_196 = vector.broadcast %broadcast_in_dim3A_195 : f32 to vector<1x512xf32>
    %slice3A_197 = vector.extract_strided_slice %get3A_194 {offsets = [1, 0], sizes = [511, 512], strides = [1, 1]} : vector<512x512xf32> to vector<511x512xf32>
    %concatenate3A_198 = tpu.concatenate %slice3A_197, %broadcast_in_dim3A_196 in 0 : vector<511x512xf32>, vector<1x512xf32> -> vector<512x512xf32>
    %add3A_199 = arith.addf %get3A_194, %concatenate3A_198 : vector<512x512xf32>
    %slice3A_200 = vector.extract_strided_slice %get3A_194 {offsets = [0, 0], sizes = [511, 512], strides = [1, 1]} : vector<512x512xf32> to vector<511x512xf32>
    %concatenate3A_201 = tpu.concatenate %broadcast_in_dim3A_196, %slice3A_200 in 0 : vector<1x512xf32>, vector<511x512xf32> -> vector<512x512xf32>
    %add3A_202 = arith.addf %add3A_199, %concatenate3A_201 : vector<512x512xf32>
    %broadcast_in_dim3A_203 = arith.constant 0.000000e+00 : f32
    %broadcast_in_dim3A_204 = vector.broadcast %broadcast_in_dim3A_203 : f32 to vector<512x1xf32>
    %slice3A_205 = vector.extract_strided_slice %add3A_202 {offsets = [0, 1], sizes = [512, 511], strides = [1, 1]} : vector<512x512xf32> to vector<512x511xf32>
    %concatenate3A_206 = tpu.concatenate %slice3A_205, %broadcast_in_dim3A_204 in 1 : vector<512x511xf32>, vector<512x1xf32> -> vector<512x512xf32>
    %add3A_207 = arith.addf %add3A_202, %concatenate3A_206 : vector<512x512xf32>
    %slice3A_208 = vector.extract_strided_slice %add3A_202 {offsets = [0, 0], sizes = [512, 511], strides = [1, 1]} : vector<512x512xf32> to vector<512x511xf32>
    %concatenate3A_209 = tpu.concatenate %broadcast_in_dim3A_204, %slice3A_208 in 1 : vector<512x1xf32>, vector<512x511xf32> -> vector<512x512xf32>
    %add3A_210 = arith.addf %add3A_207, %concatenate3A_209 : vector<512x512xf32>
    %mul3A_211 = arith.constant 0.111111112 : f32
    %mul3A_212 = vector.broadcast %mul3A_211 : f32 to vector<512x512xf32>
    %mul3A_213 = arith.mulf %add3A_210, %mul3A_212 : vector<512x512xf32>
    %reshape3A_214 = vector.shape_cast %mul3A_213 : vector<512x512xf32> to vector<2048x128xf32>
    %swap3A_215 = arith.constant 3 : index
    %swap3A_216 = arith.constant 0 : index
    %swap3A_217 = arith.constant 0 : index
    %swap3A_218 = vector.load %arg3[%swap3A_215, %swap3A_216, %swap3A_217] : memref<4x2056x128xf32, #tpu.memory_space<vmem>>, vector<1x2048x128xf32>
    %swap3A_219 = vector.shape_cast %swap3A_218 : vector<1x2048x128xf32> to vector<2048x128xf32>
    %swap3A_220 = vector.shape_cast %reshape3A_214 : vector<2048x128xf32> to vector<1x2048x128xf32>
    tpu.vector_store %arg3[%swap3A_215, %swap3A_216, %swap3A_217], %swap3A_220 {strides = array<i32>} : memref<4x2056x128xf32, #tpu.memory_space<vmem>>, vector<1x2048x128xf32>,
    %get3A_221 = arith.constant 3 : index
    %get3A_222 = arith.constant 0 : index
    %get3A_223 = arith.constant 0 : index
    %get3A_224 = vector.load %arg2[%get3A_221, %get3A_222, %get3A_223] : memref<4x256x2xi32, #tpu.memory_space<vmem>>, vector<1x256x1xi32>
    %get3A_225 = vector.shape_cast %get3A_224 : vector<1x256x1xi32> to vector<256xi32>
    %bitcast_convert_type3A_226 = tpu.bitcast %get3A_225 : vector<256xi32> -> vector<256xf32>
    %get3A_227 = arith.constant 3 : index
    %get3A_228 = arith.constant 0 : index
    %get3A_229 = arith.constant 1 : index
    %get3A_230 = vector.load %arg2[%get3A_227, %get3A_228, %get3A_229] : memref<4x256x2xi32, #tpu.memory_space<vmem>>, vector<1x256x1xi32>
    %get3A_231 = vector.shape_cast %get3A_230 : vector<1x256x1xi32> to vector<256xi32>
    %bitcast_convert_type3A_232 = tpu.bitcast %get3A_231 : vector<256xi32> -> vector<256xf32>
    %reshape3A_233 = vector.shape_cast %bitcast_convert_type3A_226 : vector<256xf32> to vector<2x128xf32>
    %swap3A_234 = arith.constant 3 : index
    %swap3A_235 = arith.constant 2048 : index
    %swap3A_236 = arith.constant 0 : index
    %swap3A_237 = vector.load %arg3[%swap3A_234, %swap3A_235, %swap3A_236] : memref<4x2056x128xf32, #tpu.memory_space<vmem>>, vector<1x2x128xf32>
    %swap3A_238 = vector.shape_cast %swap3A_237 : vector<1x2x128xf32> to vector<2x128xf32>
    %swap3A_239 = vector.shape_cast %reshape3A_233 : vector<2x128xf32> to vector<1x2x128xf32>
    tpu.vector_store %arg3[%swap3A_234, %swap3A_235, %swap3A_236], %swap3A_239 {strides = array<i32>} : memref<4x2056x128xf32, #tpu.memory_space<vmem>>, vector<1x2x128xf32>,
    %reshape3A_240 = vector.shape_cast %bitcast_convert_type3A_232 : vector<256xf32> to vector<2x128xf32>
    %swap3A_241 = arith.constant 3 : index
    %swap3A_242 = arith.constant 2050 : index
    %swap3A_243 = arith.constant 0 : index
    %swap3A_244 = vector.load %arg3[%swap3A_241, %swap3A_242, %swap3A_243] : memref<4x2056x128xf32, #tpu.memory_space<vmem>>, vector<1x2x128xf32>
    %swap3A_245 = vector.shape_cast %swap3A_244 : vector<1x2x128xf32> to vector<2x128xf32>
    %swap3A_246 = vector.shape_cast %reshape3A_240 : vector<2x128xf32> to vector<1x2x128xf32>
    tpu.vector_store %arg3[%swap3A_241, %swap3A_242, %swap3A_243], %swap3A_246 {strides = array<i32>} : memref<4x2056x128xf32, #tpu.memory_space<vmem>>, vector<1x2x128xf32>,
    %broadcast_in_dim3A_247 = arith.constant 0.000000e+00 : f32
    %broadcast_in_dim3A_248 = vector.broadcast %broadcast_in_dim3A_247 : f32 to vector<4x128xf32>
    %swap3A_249 = arith.constant 3 : index
    %swap3A_250 = arith.constant 2052 : index
    %swap3A_251 = arith.constant 0 : index
    %swap3A_252 = vector.load %arg3[%swap3A_249, %swap3A_250, %swap3A_251] : memref<4x2056x128xf32, #tpu.memory_space<vmem>>, vector<1x4x128xf32>
    %swap3A_253 = vector.shape_cast %swap3A_252 : vector<1x4x128xf32> to vector<4x128xf32>
    %swap3A_254 = vector.shape_cast %broadcast_in_dim3A_248 : vector<4x128xf32> to vector<1x4x128xf32>
    tpu.vector_store %arg3[%swap3A_249, %swap3A_250, %swap3A_251], %swap3A_254 {strides = array<i32>} : memref<4x2056x128xf32, #tpu.memory_space<vmem>>, vector<1x4x128xf32>,
    return
  }
  func.func @transform_0(%arg0: i32) -> (i32, i32, i32, i32) {
    %c0_i32 = arith.constant 0 : i32
    %c0_i32_0 = arith.constant 0 : i32
    %c0_i32_1 = arith.constant 0 : i32
    %c0_i32_2 = arith.constant 0 : i32
    return %arg0, %c0_i32, %c0_i32_0, %c0_i32_1 : i32, i32, i32, i32
  }
  func.func @transform_1(%arg0: i32) -> (i32, i32, i32) {
    %c0_i32 = arith.constant 0 : i32
    %c0_i32_0 = arith.constant 0 : i32
    %c0_i32_1 = arith.constant 0 : i32
    return %arg0, %c0_i32, %c0_i32_0 : i32, i32, i32
  }
  func.func @transform_2(%arg0: i32) -> (i32, i32, i32) {
    %c0_i32 = arith.constant 0 : i32
    %c0_i32_0 = arith.constant 0 : i32
    %c0_i32_1 = arith.constant 0 : i32
    return %arg0, %c0_i32, %c0_i32_0 : i32, i32, i32
  }
}

</mosaic_0001>

<sc_bundles>
// kernel: kernel.4.cloned.1.call-start
scs
__scs_entry_jumppad:
0x0: {  	(pc) =	sbr.rel $0x88, $3  }
0x1: {  	(tag) =	ssettag $0x0;
	lr =	simm.s32 $0x1  }
0x2: {  	[smem:$0x3F9F] =	sst lr;
	_ =	strace $0xD0000000  }
0x3: {  	_ = 	snop  }
0x4: {  	_ = 	snop  }
0x5: {  	_ = 	snop  }
0x6: {  	_ = 	snop  }
0x7: {  	_ = 	snop  }
__scs_overlays_trampoline_lowered:
0x8: {  	[smem:$0x3FAE] =	sst s0  }
0x9: {  	[smem:$0x3FAF] =	sst s1  }
0xa: {  	[smem:$0x3FB0] =	sst s2  }
0xb: {  	[smem:$0x3FB1] =	sst s3  }
0xc: {  	[smem:$0x3FB2] =	sst s4  }
0xd: {  	[smem:$0x3FB3] =	sst s5  }
0xe: {  	[smem:$0x3FB4] =	sst s6  }
0xf: {  	[smem:$0x3FB5] =	sst s7  }
0x10: {  	[smem:$0x3FB6] =	sst s8  }
0x11: {  	[smem:$0x3FB7] =	sst s9;
	s0 =	simm.s32 @!p0 $0x0  }
0x12: {  	s1 =	sld [smem:$0x3F9D];
	s0 =	simm.s32 @p0 $0x1  }
0x13: {  	[smem:$0x3FB8] =	sst s0;
	s0 =	simm.s32 @!p1 $0x0  }
0x14: {  	s2 =	sld [smem:$0x3F9C];
	s0 =	simm.s32 @p1 $0x1  }
0x15: {  	[smem:$0x3FB9] =	sst s0;
	s0 =	simm.s32 @!p2 $0x0  }
0x16: {  	s3 =	sld [smem:$0x3FDB];
	s0 =	simm.s32 @p2 $0x1  }
0x17: {  	s4 =	simm.s32 $0x1BF5;
	[smem:$0x3FBB] =	sst s0  }
0x18: {  	s0 =	sld [smem:$0x3F9E];
	_ =	swait.ge [sflag:s4], $0x0  }
0x19: {  	s7 =	sld [smem:$0x3F9F]  }
0x1a: {  	s8 =	sadd.s32 $0xFFFFE003, lr  }
0x1b: {  	s9 =	sadd.s32 $0xFFFFFEF7, lr;
	s5 =	simm.s32 $0xFFFFFFFF;
	p2 =	slt.u32 s8, $0xFFFFF086  }
0x1c: {  	p1 =	slt.u32 s9, $0xF7A;
	s5 =	simm.s32 @!p2 $0x0  }
0x1d: {  	s5 =	simm.s32 @p1 $0x1;
	p0 =	seq.s32 s7, s2  }
0x1e: {  	s7 =	smul.u32 @!p0 $0xF7A, s2;
	p2 =	seq.s32 @!p0 s5, $0x0  }
0x1f: {  	s9 =	smul.u32 $0xF7A, s1;
	s8 =	simm.s32 @!p0 $0x1BF5;
	p2 =	por !p2, p0  }
0x20: {  	[sflag:s8] =	ssyncset.s32 @!p0 $0xFFFFF086;
	s6 =	sadd.s32 @!p0 s3, s7;
	s7 =	simm.s32 @!p0 $0x108  }
0x21: {  	s3 =	sadd.s32 s3, s9;
	s6 =	sadd.s32 @!p0 $0x88, s6;
	s7 =	simm.s32 @p2 $0x1082  }
0x22: {  	[simem:s7], [sflag:s8] =	dma.local @!p0 [hbm:s6], $0xF7A  }
0x23: {  	s9 =	sor.u32 $0xD0000000, s2;
	s6 =	simm.s32 $0x108;
	_ =	swait.ge @!p0 [sflag:s8], $0x0  }
0x24: {  	s3 =	sadd.s32 $0x88, s3;
	s6 =	simm.s32 @!p1 $0x1082;
	[sflag:s4] =	ssyncset.s32 $0xFFFFF086  }
0x25: {  	[simem:s6], [sflag:s4] =	dma.local [hbm:s3], $0xF7A  }
0x26: {  	[smem:$0x3F9F] =	sst s1;
	(tag) =	ssettag s2;
	_ =	strace s9  }
0x27: {  	s1 =	sld [smem:$0x3FAF]  }
0x28: {  	s2 =	sld [smem:$0x3FB0]  }
0x29: {  	s4 =	sld [smem:$0x3FB2]  }
0x2a: {  	p0 =	seq.s32 s5, $0x0;
	s5 =	sld [smem:$0x3FB3]  }
0x2b: {  	s6 =	sld [smem:$0x3FB4]  }
0x2c: {  	s7 =	sld [smem:$0x3FB5]  }
0x2d: {  	s3 =	simm.s32 $0x108;
	s8 =	sld [smem:$0x3FB6]  }
0x2e: {  	s3 =	simm.s32 @!p0 $0x1082;
	s9 =	sld [smem:$0x3FB7]  }
0x2f: {  	lr =	sadd.s32 s0, s3;
	s0 =	sld [smem:$0x3FAE]  }
0x30: {  	s3 =	sld [smem:$0x3FB1]  }
0x31: {  	[smem:$0x3FBA] =	sst s10  }
0x32: {  	s10 =	sld [smem:$0x3FB8];
	_ =	sdelay $0x3  }
0x33: {  	p0 =	seq.s32 s10, $0x1;
	s10 =	sld [smem:$0x3FBA];
	_ =	sdelay $0x3  }
0x34: {  	[smem:$0x3FBA] =	sst s10  }
0x35: {  	s10 =	sld [smem:$0x3FB9];
	_ =	sdelay $0x3  }
0x36: {  	p1 =	seq.s32 s10, $0x1;
	s10 =	sld [smem:$0x3FBA];
	_ =	sdelay $0x3  }
0x37: {  	[smem:$0x3FBA] =	sst s10  }
0x38: {  	s10 =	sld [smem:$0x3FBB]  }
0x39: {  	_ = 	snop;
	(pc) =	sbr.ind lr, $3  }
0x3a: {  	_ = 	snop  }
0x3b: {  	_ = 	snop  }
0x3c: {  	p2 =	seq.s32 s10, $0x1;
	s10 =	sld [smem:$0x3FBA]  }
0x3d: {  	_ =	shalt  }
0x3e: {  	_ =	shalt  }
0x3f: {  	_ =	shalt  }
0x40: {  	_ =	shalt  }
0x41: {  	_ =	shalt  }
0x42: {  	_ =	shalt  }
0x43: {  	_ =	shalt  }
0x44: {  	_ =	shalt  }
0x45: {  	_ =	shalt  }
0x46: {  	_ =	shalt  }
0x47: {  	_ =	shalt  }
0x48: {  	_ =	shalt  }
0x49: {  	_ =	shalt  }
0x4a: {  	_ =	shalt  }
0x4b: {  	_ =	shalt  }
0x4c: {  	_ =	shalt  }
0x4d: {  	_ =	shalt  }
0x4e: {  	_ =	shalt  }
0x4f: {  	_ =	shalt  }
0x50: {  	_ =	shalt  }
0x51: {  	_ =	shalt  }
0x52: {  	_ =	shalt  }
0x53: {  	_ =	shalt  }
0x54: {  	_ =	shalt  }
0x55: {  	_ =	shalt  }
0x56: {  	_ =	shalt  }
0x57: {  	_ =	shalt  }
0x58: {  	_ =	shalt  }
0x59: {  	_ =	shalt  }
0x5a: {  	_ =	shalt  }
0x5b: {  	_ =	shalt  }
0x5c: {  	_ =	shalt  }
0x5d: {  	_ =	shalt  }
0x5e: {  	_ =	shalt  }
0x5f: {  	_ =	shalt  }
0x60: {  	_ =	shalt  }
0x61: {  	_ =	shalt  }
0x62: {  	_ =	shalt  }
0x63: {  	_ =	shalt  }
0x64: {  	_ =	shalt  }
0x65: {  	_ =	shalt  }
0x66: {  	_ =	shalt  }
0x67: {  	_ =	shalt  }
0x68: {  	_ =	shalt  }
0x69: {  	_ =	shalt  }
0x6a: {  	_ =	shalt  }
0x6b: {  	_ =	shalt  }
0x6c: {  	_ =	shalt  }
0x6d: {  	_ =	shalt  }
0x6e: {  	_ =	shalt  }
0x6f: {  	_ =	shalt  }
0x70: {  	_ =	shalt  }
0x71: {  	_ =	shalt  }
0x72: {  	_ =	shalt  }
0x73: {  	_ =	shalt  }
0x74: {  	_ =	shalt  }
0x75: {  	_ =	shalt  }
0x76: {  	_ =	shalt  }
0x77: {  	_ =	shalt  }
0x78: {  	_ =	shalt  }
0x79: {  	_ =	shalt  }
0x7a: {  	_ =	shalt  }
0x7b: {  	_ =	shalt  }
0x7c: {  	_ =	shalt  }
0x7d: {  	_ =	shalt  }
0x7e: {  	_ =	shalt  }
0x7f: {  	_ =	shalt  }
0x80: {  	_ =	shalt  }
0x81: {  	_ =	shalt  }
0x82: {  	_ =	shalt  }
0x83: {  	_ =	shalt  }
0x84: {  	_ =	shalt  }
0x85: {  	_ =	shalt  }
0x86: {  	_ =	shalt  }
0x87: {  	_ =	shalt  }
.Lfunc_end0:
.L_simem_size_0:
called_computation_lowered:
.L_overlay_start_0:
0x88: {  	s2 =	sld [smem:$0x3FD9]  }
0x89: {  	s3 =	sld [smem:$0x3FFE];
	_ =	sdelay $0x1  }
0x8a: {  	s1 =	srdreg.scid  }
0x8b: {  	s0 =	sand.u32 $0x1, s1  }
0x8c: {  	s17 =	sshll.u32 s0, $0xA;
	s2 =	sadd.s32 s3, s2  }
0x8d: {  	s2 =	sadd.s32 s2, s17  }
0x8e: {  	[smem:$0x3FC6] =	sst s2  }
0x8f: {  	_ = 	snop  }
0x90: {  	s2 =	sld [smem:$0x3FD0];
	(tm) =	ssettm $0x1  }
0x91: {  	s18 =	sld [smem:$0x3FFB];
	_ =	sdelay $0x3  }
0x92: {  	_ =	strace s18  }
0x93: {  	s3 =	sld [smem:$0x3FFC];
	_ =	sdelay $0x3  }
0x94: {  	_ =	strace s3  }
0x95: {  	s3 =	sld [smem:$0x3FFD];
	_ =	sdelay $0x3  }
0x96: {  	_ =	strace s3  }
0x97: {  	_ =	strace $0x8FFFFFFF  }
0x98: {  	s19 =	sld [smem:$0x3FDB];
	_ =	sdelay $0x1  }
0x99: {  	s4 =	simm.s32 $_scs_section_size  }
0x9a: {  	s5 =	simm.s32 $_size__tile_overlayer_lowered;
	s6 =	simm.s32 $_tile_overlayer_lowered  }
0x9b: {  	s22 =	simm.s32 $0x1BFF;
	s21 =	sshll.u32 s6, $0x1;
	s3 =	sadd.s32 s4, s19  }
0x9c: {  	s7 =	simm.s32 $0x0;
	s20 =	sshll.u32 s5, $0x1;
	s5 =	sadd.s32 s21, s3  }
0x9d: {  	[timem:s7], [sflag:s22] =	dma.local [hbm:s5], s20  }
0x9e: {  	_ =	swait.ge [sflag:s22], s20  }
0x9f: {  	s4 =	ssub.s32 $0x0, s20;
	[sflag:s22] =	ssyncset.done $0x0  }
0xa0: {  	[sflag:s22] =	ssyncadd.s32 s4;
	_ =	sdelay $0x1  }
0xa1: {  	s23 =	simm.s32 $0x1B8B  }
0xa2: {  	_ =	swait.ge [sflag:s23], $0x1  }
0xa3: {  	[sflag:s23] =	ssyncset.done $0x0  }
0xa4: {  	s25 =	simm.s32 $0x1B8E;
	s24 =	sld [smem:$0x3FFE];
	[sflag:s23] =	ssyncadd.s32 $0xFFFFFFFF  }
0xa5: {  	s26 =	simm.s32 $execute0_lowered;
	[smem:$0x3FD2] =	sst s25  }
0xa6: {  	s5 =	sshll.u32 s26, $0x1;
	_ =	strace $0x80000046;
	[dreg:$0x1] =	wrdreg $0xFFFFFFFF  }
0xa7: {  	s28 =	simm.s32 $_size_execute0_lowered;
	s3 =	sadd.s32 s3, s5;
	[dreg:$0x0] =	wrdreg $0x0  }
0xa8: {  	s5 =	sshll.u32 s28, $0x1;
	[dreg:$0x2] =	wrdreg s3  }
0xa9: {  	[dreg:$0x3] =	wrdreg s5  }
0xaa: {  	[dreg:$0x4] =	wrdreg $0xC0  }
0xab: {  	_ =	task [dreg:s7], $0x5FFFF  }
0xac: {  	[dreg:$0x1] =	wrdreg $0xFFFFFFFF  }
0xad: {  	[dreg:$0x0] =	wrdreg $0x60  }
0xae: {  	[dreg:$0x2] =	wrdreg s24  }
0xaf: {  	[dreg:$0x3] =	wrdreg s2  }
0xb0: {  	[dreg:$0x4] =	wrdreg $0x6800  }
0xb1: {  	[dreg:$0x5] =	wrdreg $0x9  }
0xb2: {  	_ =	task.clear_ibuf [dreg:s7], $0x6FFFF;
	_ =	strace $0x90000046  }
0xb3: {  	s29 =	simm.s32 $0x9;
	_ =	strace $0x80000048  }
0xb4: {  	_ =	swait.ge [sflag:s29], $0x1  }
0xb5: {  	[sflag:s29] =	ssyncadd.s32 $0xFFFFFFFF  }
0xb6: {  	_ =	strace $0x90000048  }
0xb7: {  	_ =	sfence  }
0xb8: {  	s30 =	sld [smem:$0x0];
	_ =	sdelay $0x2  }
0xb9: {  	s31 =	sshll.u32 s1, $0xD;
	s1 =	sshrl.u32 s1, $0x2  }
0xba: {  	s3 =	sand.u32 $0x4000, s31;
	s1 =	sadd.s32 s1, s30  }
0xbb: {  	s0 =	sor.u32 s3, s0;
	s1 =	sshll.u32 s1, $0x11  }
0xbc: {  	s0 =	sor.u32 s1, s0  }
0xbd: {  	s0 =	sadd.s32 $0x8F2B, s0  }
0xbe: {  	[sflag:s0] =	ssyncadd.remote.s32 $0x1  }
0xbf: {  	_ =	sfence.sel $0xFFFF  }
0xc0: {  	[dreg:$0x0] =	wrdreg $0xFFFFFFFF;
	(pc) =	sbr.abs _section_cstart, $3  }
0xc1: {  	[dreg:$0x1] =	wrdreg $0xFFFFFFFF  }
0xc2: {  	_ =	task.clear_ibuf [dreg:s7], $0x2FFFF;
	_ =	strace $0x9FFFFFFF  }
0xc3: {  	(tm) =	ssettm $0x7FFFFFFF  }
tec
execute0_lowered:
.L_overlay_start_1:
0x0: {  	(tag) =	ssettag $0x1  }
0x1: {  	s4 =	rddreg [dreg:$0x0]  }
0x2: {  	s6 =	rddreg [dreg:$0x1]  }
0x3: {  	s1 =	rddreg [dreg:$0x2]  }
0x4: {  	s0 =	rddreg [dreg:$0x3]  }
0x5: {  	s3 =	simm.s32 $0x0;
	s5 =	srdreg.scid;
	s2 =	stileid.u32  }
0x6: {  	s15 =	simm.s32 $0x1;
	s16 =	simm.s32 $0x80;
	s17 =	simm.s32 $0x300  }
0x7: {  	s18 =	simm.s32 $0x280;
	s19 =	simm.s32 $0x380;
	[smem:$0x7FF] =	sst s3  }
0x8: {  	s7 =	sand.u32 $0x1, s5;
	s9 =	sshrl.u32 s2, $0x2;
	s10 =	sadd.s32 $0x800, s4  }
0x9: {  	s21 =	sand.u32 $0x3, s2;
	s23 =	sshll.u32 s2, $0x10;
	s28 =	sshll.u32 s2, $0x6  }
0xa: {  	s31 =	sshll.u32 s2, $0x4;
	_ =	strace $0x80000047;
	s5 =	ssub.s32 $0x2, s7  }
0xb: {  	s8 =	sshll.u32 s7, $0x2;
	s24 =	sshll.u32 s9, $0x12;
	s25 =	sshll.u32 s21, $0x10  }
0xc: {  	s12 =	sadd.s32 s23, s1;
	s4 =	sshll.u32 s21, $0x6;
	s14 =	sshll.u32 s7, $0x8  }
0xd: {  	s21 =	simm.s32 $0x500;
	s23 =	simm.s32 $0x580;
	s8 =	sor.u32 s9, s8  }
0xe: {  	s20 =	sshrl.u32 s5, $0x1;
	v0 =	vmov s24;
	s24 =	simm.s32 $0x2;
	s22 =	smul.u32 $0x40400, s8  }
0xf: {  	s11 =	ssub.s32 s5, s20;
	s5 =	sor.u32 $0x1C03, s28;
	s20 =	simm.s32 $0x400  }
0x10: {  	s26 =	sadd.s32 s25, s22;
	s13 =	sor.u32 s4, s22;
	s22 =	simm.s32 $0x480  }
0x11: {  	s25 =	simm.s32 $0x600;
	s8 =	sshrl.u32 s26, $0x3;
	s29 =	sadd.s32 $0x40000, s13  }
0x12: {  	s30 =	sadd.s32 $0x40100, s13;
	s13 =	sadd.s32 s6, s31;
	s26 =	simm.s32 $0x0  }
0x13: {  	s4 =	sadd.s32 s10, s8;
	s8 =	sshrl.u32 s29, $0x3;
	s9 =	sshrl.u32 s30, $0x3  }
0x14: {  	s6 =	sadd.s32 s10, s8;
	s7 =	sadd.s32 s10, s9;
	s8 =	sadd.s32 s14, s13  }
0x15: {  	v2 =	vlaneseq.u32;
	s9 =	smax.u32 s11, $0x1;
	s10 =	sshrl.u32 s12, $0x3;
	s11 =	simm.s32 $0x3  }
0x16: {  	v1 =	vimm.s32 $0x0;
	v2 =	vmul.u32 $0x2, v2;
	s12 =	simm.s32 $0x40;
	s13 =	simm.s32 $0x200;
	s14 =	simm.s32 $0x180  }
.LBB2_1:
0x17: {  	[spmem:s10], [sflag:s5] =	dma.local [hbm:s4], $0x2000  }
0x18: {  	_ =	swait.ge [sflag:s11], $0x2000  }
0x19: {  	[sflag:s11] =	ssyncset.done $0x0  }
0x1a: {  	[sflag:s11] =	ssyncadd.s32 $0xFFFFE000  }
0x1b: {  	[tilespmem:s3], [sflag:$0x3] =	stream.linear.gather [hbm4b:s6+s3], $0x40, $0x38;
	[tilespmem:$0x10680] =	vst v63  }
0x1c: {  	_ =	swait.ge [sflag:s11], $0x40  }
0x1d: {  	[sflag:s11] =	ssyncset.done $0x0  }
0x1e: {  	[sflag:s11] =	ssyncadd.s32 $0xFFFFFFC0  }
0x1f: {  	[tilespmem:s12], [sflag:$0x3] =	stream.linear.gather [hbm4b:s7+s3], $0x40, $0x38;
	[tilespmem:$0x10680] =	vst v63  }
0x20: {  	_ =	swait.ge [sflag:s11], $0x40  }
0x21: {  	[sflag:s11] =	ssyncset.done $0x0  }
0x22: {  	[sflag:s11] =	ssyncadd.s32 $0xFFFFFFC0  }
0x23: {  	[bflag:$0x0] =	sbarrier.arrive $0xFFFF  }
0x24: {  	v3 =	vld [tilespmem:$0x0]  }
0x25: {  	v4 =	vld [tilespmem:$0x40]  }
0x26: {  	v5 =	vld [tilespmem:$0x10]  }
0x27: {  	v6 =	vld [tilespmem:$0x50]  }
0x28: {  	v7 =	vld [tilespmem:$0x20]  }
0x29: {  	v8 =	vld [tilespmem:$0x60]  }
0x2a: {  	v9 =	vld [tilespmem:$0x30]  }
0x2b: {  	[tilespmem:$0x80] =	vst v3;
	v3 =	vld [tilespmem:$0x70]  }
0x2c: {  	[tilespmem:$0x100] =	vst v4;
	v56 =	vld [tilespmem:$0x80]  }
0x2d: {  	[tilespmem:$0x90] =	vst v5;
	v57 =	vld [tilespmem:$0x100]  }
0x2e: {  	[tilespmem:$0x110] =	vst v6;
	v58 =	vld [tilespmem:$0x90]  }
0x2f: {  	[tilespmem:$0xA0] =	vst v7;
	v59 =	vld [tilespmem:$0x110]  }
0x30: {  	[tilespmem:$0xB0] =	vst v9;
	v60 =	vld [tilespmem:$0xA0]  }
0x31: {  	[tilespmem:$0x120] =	vst v8;
	v61 =	vld [tilespmem:$0xB0]  }
0x32: {  	[tilespmem:$0x130] =	vst v3;
	v3 =	vld [tilespmem:$0x120]  }
0x33: {  	v4 =	vshll.u32 v56, $0x9;
	v10 =	vld [tilespmem:$0x130]  }
0x34: {  	v6 =	vshll.u32 v58, $0x9;
	v4 =	vadd.s32 v0, v4  }
0x35: {  	v63 =	vshll.u32 v60, $0x9;
	v62 =	vadd.s32 v0, v6;
	v4 =	vadd.s32 v57, v4  }
0x36: {  	v12 =	vshll.u32 v61, $0x9;
	v11 =	vadd.s32 v0, v63;
	v9 =	vadd.s32 v59, v62;
	[tilespmem:$0x200] =	vst v4  }
0x37: {  	v13 =	vadd.s32 v0, v12;
	[tilespmem:$0x210] =	vst v9;
	v3 =	vadd.s32 v3, v11  }
0x38: {  	[tilespmem:$0x220] =	vst v3;
	v3 =	vadd.s32 v10, v13  }
0x39: {  	[tilespmem:$0x230] =	vst v3  }
0x3a: {  	[tilespmem:s14], [sflag:$0x1] =	stream.indirect.gather [spmem:s1], $0x1, s13, s12, $0xb8;
	[tilespmem:$0x10680] =	vst v63  }
0x3b: {  	_ =	swait.ge [sflag:s15], $0x40  }
0x3c: {  	[sflag:s15] =	ssyncset.done $0x0  }
0x3d: {  	[sflag:s15] =	ssyncadd.s32 $0xFFFFFFC0  }
0x3e: {  	v3 =	vld [tilespmem:$0x80]  }
0x3f: {  	v15 =	vld [tilespmem:$0x100]  }
0x40: {  	v18 =	vld [tilespmem:$0x90]  }
0x41: {  	v11 =	vld [tilespmem:$0x110];
	_ =	sdelay $0x2  }
0x42: {  	v14 =	vadd.s32 $0xFFFFFFFF, v3;
	vm5 =	vgt.s32 v3, $0x0  }
0x43: {  	v17 =	vadd.s32 $0xFFFFFFFF, v15;
	vm8 =	vgt.s32 v15, $0x0;
	v19 =	vadd.s32 $0x1, v15  }
0x44: {  	v13 =	vadd.s32 $0xFFFFFFFF, v18;
	vm11 =	vgt.s32 v18, $0x0;
	v25 =	vadd.s32 $0xFFFFFFFF, v11  }
0x45: {  	vm13 =	vgt.s32 v11, $0x0;
	v27 =	vadd.s32 $0x1, v11;
	v30 =	vadd.s32 $0x1, v18  }
0x46: {  	vm0 =	vgt.s32 v14, $0x0;
	v16 =	vnsel vm5, $0x0, v3;
	v3 =	vadd.s32 $0x1, v3  }
0x47: {  	vm7 =	vgt.s32 v17, $0x0;
	v5 =	vnsel vm8, $0x0, v15;
	vm9 =	vgt.s32 v19, $0x0  }
0x48: {  	vm10 =	vgt.s32 v13, $0x0;
	v24 =	vnsel vm11, $0x0, v18;
	vm12 =	vgt.s32 v25, $0x0  }
0x49: {  	v29 =	vnsel vm13, $0x0, v11;
	vm14 =	vgt.s32 v27, $0x0;
	vm15 =	vgt.s32 v30, $0x0  }
0x4a: {  	v4 =	vnsel vm0, $0x0, v14;
	v6 =	vmin.u32 v16, $0x1FF;
	vm6 =	vgt.s32 v3, $0x0  }
0x4b: {  	v7 =	vnsel vm7, $0x0, v17;
	v9 =	vnsel vm9, $0x0, v19;
	v6 =	vshll.u32 v6, $0x9  }
0x4c: {  	v4 =	vmin.u32 v4, $0x1FF;
	v7 =	vmin.u32 v7, $0x1FF;
	v6 =	vor.u32 v0, v6  }
0x4d: {  	v9 =	vmin.u32 v9, $0x1FF;
	v4 =	vshll.u32 v4, $0x9;
	v14 =	vor.u32 v7, v6  }
0x4e: {  	v3 =	vnsel vm6, $0x0, v3;
	v4 =	vor.u32 v0, v4;
	v6 =	vor.u32 v9, v6;
	[tilespmem:$0x260] =	vst v14  }
0x4f: {  	v5 =	vmin.u32 v5, $0x1FF;
	v3 =	vmin.u32 v3, $0x1FF;
	v20 =	vor.u32 v7, v4;
	[tilespmem:$0x280] =	vst v6  }
0x50: {  	v21 =	vnsel vm10, $0x0, v13;
	v3 =	vshll.u32 v3, $0x9;
	v12 =	vor.u32 v5, v4;
	[tilespmem:$0x200] =	vst v20  }
0x51: {  	v26 =	vnsel vm12, $0x0, v25;
	v3 =	vor.u32 v0, v3;
	v4 =	vor.u32 v9, v4;
	[tilespmem:$0x220] =	vst v12  }
0x52: {  	v31 =	vnsel vm14, $0x0, v27;
	v22 =	vmin.u32 v21, $0x1FF;
	v7 =	vor.u32 v7, v3;
	[tilespmem:$0x240] =	vst v4  }
0x53: {  	v8 =	vmin.u32 v31, $0x1FF;
	v23 =	vshll.u32 v22, $0x9;
	v5 =	vor.u32 v5, v3;
	[tilespmem:$0x2A0] =	vst v7  }
0x54: {  	v6 =	vmin.u32 v26, $0x1FF;
	v3 =	vor.u32 v9, v3;
	v4 =	vor.u32 v0, v23;
	[tilespmem:$0x2C0] =	vst v5  }
0x55: {  	v9 =	vmin.u32 v24, $0x1FF;
	[tilespmem:$0x2E0] =	vst v3;
	v3 =	vmin.u32 v29, $0x1FF;
	v32 =	vor.u32 v6, v4  }
0x56: {  	v28 =	vshll.u32 v9, $0x9;
	v5 =	vnsel vm15, $0x0, v30;
	[tilespmem:$0x210] =	vst v32;
	v33 =	vor.u32 v3, v4  }
0x57: {  	v7 =	vor.u32 v0, v28;
	v5 =	vmin.u32 v5, $0x1FF;
	v4 =	vor.u32 v8, v4;
	[tilespmem:$0x230] =	vst v33  }
0x58: {  	v5 =	vshll.u32 v5, $0x9;
	[tilespmem:$0x250] =	vst v4;
	v34 =	vor.u32 v6, v7  }
0x59: {  	v35 =	vor.u32 v8, v7;
	v5 =	vor.u32 v0, v5;
	[tilespmem:$0x270] =	vst v34  }
0x5a: {  	[tilespmem:$0x290] =	vst v35;
	v36 =	vor.u32 v6, v5  }
0x5b: {  	v3 =	vor.u32 v3, v5;
	[tilespmem:$0x2B0] =	vst v36  }
0x5c: {  	[tilespmem:$0x2D0] =	vst v3;
	v3 =	vor.u32 v8, v5  }
0x5d: {  	[tilespmem:$0x2F0] =	vst v3  }
0x5e: {  	[tilespmem:s17], [sflag:$0x1] =	stream.indirect.gather [spmem:s1], $0x1, s13, s16, $0xb8;
	[tilespmem:$0x10680] =	vst v63  }
0x5f: {  	_ = 	snop  }
0x60: {  	[tilespmem:s19], [sflag:$0x1] =	stream.indirect.gather [spmem:s1], $0x1, s18, s16, $0xb8;
	[tilespmem:$0x10680] =	vst v63  }
0x61: {  	v3 =	vld [tilespmem:$0xA0]  }
0x62: {  	v38 =	vld [tilespmem:$0x120]  }
0x63: {  	v41 =	vld [tilespmem:$0xB0]  }
0x64: {  	v46 =	vld [tilespmem:$0x130];
	_ =	sdelay $0x1  }
0x65: {  	v37 =	vadd.s32 $0xFFFFFFFF, v3  }
0x66: {  	vm5 =	vgt.s32 v3, $0x0;
	v40 =	vadd.s32 $0xFFFFFFFF, v38;
	vm8 =	vgt.s32 v38, $0x0  }
0x67: {  	v42 =	vadd.s32 $0x1, v38;
	v43 =	vadd.s32 $0xFFFFFFFF, v41;
	vm11 =	vgt.s32 v41, $0x0  }
0x68: {  	v50 =	vadd.s32 $0x1, v41;
	v51 =	vadd.s32 $0xFFFFFFFF, v46;
	vm4 =	vgt.s32 v37, $0x0  }
0x69: {  	v39 =	vnsel vm5, $0x0, v3;
	v3 =	vadd.s32 $0x1, v3;
	vm7 =	vgt.s32 v40, $0x0  }
0x6a: {  	v5 =	vnsel vm8, $0x0, v38;
	vm9 =	vgt.s32 v42, $0x0;
	vm10 =	vgt.s32 v43, $0x0  }
0x6b: {  	v8 =	vnsel vm11, $0x0, v41;
	vm12 =	vgt.s32 v50, $0x0;
	vm13 =	vgt.s32 v51, $0x0  }
0x6c: {  	v4 =	vnsel vm4, $0x0, v37;
	v6 =	vmin.u32 v39, $0x1FF;
	vm6 =	vgt.s32 v3, $0x0  }
0x6d: {  	v7 =	vnsel vm7, $0x0, v40;
	v9 =	vnsel vm9, $0x0, v42;
	v5 =	vmin.u32 v5, $0x1FF  }
0x6e: {  	v10 =	vnsel vm10, $0x0, v43;
	v52 =	vmin.u32 v8, $0x1FF;
	v53 =	vnsel vm12, $0x0, v50  }
0x6f: {  	v54 =	vnsel vm13, $0x0, v51;
	v4 =	vmin.u32 v4, $0x1FF;
	v6 =	vshll.u32 v6, $0x9  }
0x70: {  	v3 =	vnsel vm6, $0x0, v3;
	v7 =	vmin.u32 v7, $0x1FF;
	v6 =	vor.u32 v0, v6  }
0x71: {  	v9 =	vmin.u32 v9, $0x1FF;
	v4 =	vshll.u32 v4, $0x9;
	v47 =	vor.u32 v7, v6  }
0x72: {  	v10 =	vmin.u32 v10, $0x1FF;
	v4 =	vor.u32 v0, v4;
	v6 =	vor.u32 v9, v6;
	[tilespmem:$0x460] =	vst v47  }
0x73: {  	v56 =	vmin.u32 v54, $0x1FF;
	v8 =	vmin.u32 v53, $0x1FF;
	v44 =	vor.u32 v7, v4;
	[tilespmem:$0x480] =	vst v6  }
0x74: {  	v3 =	vmin.u32 v3, $0x1FF;
	v48 =	vshll.u32 v10, $0x9;
	v45 =	vor.u32 v5, v4;
	[tilespmem:$0x400] =	vst v44  }
0x75: {  	v8 =	vshll.u32 v8, $0x9;
	v49 =	vor.u32 v0, v48;
	v4 =	vor.u32 v9, v4;
	[tilespmem:$0x420] =	vst v45  }
0x76: {  	v3 =	vshll.u32 v3, $0x9;
	v8 =	vor.u32 v0, v8;
	v59 =	vor.u32 v56, v49;
	[tilespmem:$0x440] =	vst v4  }
0x77: {  	v3 =	vor.u32 v0, v3;
	v63 =	vor.u32 v56, v8;
	[tilespmem:$0x410] =	vst v59  }
0x78: {  	vm14 =	vgt.s32 v46, $0x0;
	v55 =	vadd.s32 $0x1, v46;
	v7 =	vor.u32 v7, v3;
	[tilespmem:$0x4B0] =	vst v63  }
0x79: {  	v57 =	vnsel vm14, $0x0, v46;
	v6 =	vshll.u32 v52, $0x9;
	v5 =	vor.u32 v5, v3;
	[tilespmem:$0x4A0] =	vst v7  }
0x7a: {  	vm15 =	vgt.s32 v55, $0x0;
	v3 =	vor.u32 v9, v3;
	v6 =	vor.u32 v0, v6;
	[tilespmem:$0x4C0] =	vst v5  }
0x7b: {  	v58 =	vnsel vm15, $0x0, v55;
	[tilespmem:$0x4E0] =	vst v3;
	v3 =	vmin.u32 v57, $0x1FF;
	v61 =	vor.u32 v56, v6  }
0x7c: {  	v7 =	vmin.u32 v58, $0x1FF;
	v60 =	vor.u32 v3, v49;
	[tilespmem:$0x470] =	vst v61  }
0x7d: {  	v4 =	vor.u32 v7, v49;
	[tilespmem:$0x430] =	vst v60  }
0x7e: {  	v62 =	vor.u32 v7, v6;
	[tilespmem:$0x450] =	vst v4  }
0x7f: {  	v3 =	vor.u32 v3, v8;
	[tilespmem:$0x490] =	vst v62  }
0x80: {  	[tilespmem:$0x4D0] =	vst v3;
	v3 =	vor.u32 v7, v8  }
0x81: {  	[tilespmem:$0x4F0] =	vst v3  }
0x82: {  	[tilespmem:s21], [sflag:$0x2] =	stream.indirect.gather [spmem:s1], $0x1, s20, s16, $0xb8;
	[tilespmem:$0x10680] =	vst v63  }
0x83: {  	s28 =	simm.s32 $0x14  }
0x84: {  	[tilespmem:s23], [sflag:$0x2] =	stream.indirect.gather [spmem:s1], $0x1, s22, s16, $0xb8;
	[tilespmem:$0x10680] =	vst v63  }
.LBB2_2:
0x85: {  	_ =	swait.ge [sflag:s15], $0x80  }
0x86: {  	[sflag:s15] =	ssyncset.done $0x0  }
0x87: {  	[sflag:s15] =	ssyncadd.s32 $0xFFFFFF80  }
0x88: {  	_ =	swait.ge [sflag:s15], $0x80  }
0x89: {  	[sflag:s15] =	ssyncset.done $0x0  }
0x8a: {  	[sflag:s15] =	ssyncadd.s32 $0xFFFFFF80  }
0x8b: {  	v3 =	vld [tilespmem:$0x300]  }
0x8c: {  	v4 =	vld [tilespmem:$0x320];
	_ =	sdelay $0x2  }
0x8d: {  	v5 =	vld [tilespmem:$0x340]  }
0x8e: {  	v6 =	vld [tilespmem:$0x360]  }
0x8f: {  	v7 =	vld [tilespmem:$0x310];
	vm0 =	vgt.f32 v4, v3  }
0x90: {  	v8 =	vld [tilespmem:$0x330];
	vm0 =	vmneg vm0  }
0x91: {  	v3 =	vsel vm0, v3, v4  }
0x92: {  	v48 =	vld [tilespmem:$0x180];
	vm1 =	vgt.f32 v5, v3  }
0x93: {  	v9 =	vld [tilespmem:$0x350];
	v3 =	vsel vm1, v5, v3  }
0x94: {  	v49 =	vld [tilespmem:$0x380];
	vm2 =	vgt.f32 v6, v3  }
0x95: {  	v11 =	vld [tilespmem:$0x370];
	vm4 =	vgt.f32 v8, v7;
	vm2 =	vmneg vm2  }
0x96: {  	v10 =	vsel vm0, $0xFFFFFFFF, v1;
	vm0 =	vmneg vm4;
	v3 =	vsel vm2, v3, v6  }
0x97: {  	v7 =	vsel vm0, v7, v8;
	vm3 =	vgt.f32 v48, v3  }
0x98: {  	v50 =	vld [tilespmem:$0x3A0];
	v10 =	vsel vm1, $0x1, v10;
	vm1 =	vgt.f32 v9, v7;
	vm3 =	vmneg vm3  }
0x99: {  	v51 =	vld [tilespmem:$0x3C0];
	v54 =	vsel vm1, v9, v7;
	v3 =	vsel vm3, v3, v48  }
0x9a: {  	v53 =	vld [tilespmem:$0x190];
	v61 =	vsel vm0, $0xFFFFFFFF, v1;
	vm6 =	vgt.f32 v11, v54;
	vm11 =	vgt.f32 v49, v3  }
0x9b: {  	v10 =	vnsel vm2, $0xFFFFFFFF, v10;
	vm2 =	vmand vm2, vm3;
	vm5 =	vmneg vm11  }
0x9c: {  	v52 =	vld [tilespmem:$0x3E0];
	v10 =	vnsel vm3, $0x0, v10;
	v3 =	vsel vm5, v3, v49;
	vm2 =	vmand vm5, vm2  }
0x9d: {  	v57 =	vld [tilespmem:$0x390];
	vm12 =	vgt.f32 v50, v3;
	v56 =	vsel vm2, $0xFFFFFFFF, v1;
	vm2 =	vmneg vm6  }
0x9e: {  	v58 =	vld [tilespmem:$0x100];
	v10 =	vnsel vm5, $0x1, v10;
	v3 =	vsel vm12, v50, v3;
	v6 =	vsel vm2, v54, v11  }
0x9f: {  	v55 =	vld [tilespmem:$0x80];
	v10 =	vsel vm12, $0xFFFFFFFF, v10;
	vm13 =	vgt.f32 v51, v3;
	vm9 =	vgt.f32 v53, v6  }
0xa0: {  	v12 =	vld [tilespmem:$0x3B0];
	v3 =	vsel vm13, v51, v3;
	vm14 =	vmor vm12, vm13;
	vm10 =	vmneg vm9  }
0xa1: {  	v10 =	vsel vm13, $0x0, v10;
	vm7 =	vgt.f32 v52, v3;
	v6 =	vsel vm10, v6, v53  }
0xa2: {  	vm15 =	vmor vm7, vm14;
	vm12 =	vgt.f32 v57, v6;
	v60 =	vsel vm7, $0x1, v10  }
0xa3: {  	v59 =	vld [tilespmem:$0x3D0];
	v9 =	vsel vm15, $0x1, v56;
	vm13 =	vmneg vm12;
	v8 =	vadd.s32 v58, v60  }
0xa4: {  	v7 =	vadd.s32 v55, v9;
	v4 =	vsel vm13, v6, v57;
	v9 =	vsel vm1, $0x1, v61  }
0xa5: {  	v62 =	vld [tilespmem:$0x3F0];
	vm15 =	vgt.s32 v8, $0x0;
	vm11 =	vgt.s32 v7, $0x0;
	vm14 =	vgt.f32 v12, v4  }
0xa6: {  	v9 =	vnsel vm2, $0xFFFFFFFF, v9;
	vm2 =	vmand vm2, vm10;
	v8 =	vnsel vm15, $0x0, v8  }
0xa7: {  	v63 =	vld [tilespmem:$0x90];
	v7 =	vnsel vm11, $0x0, v7;
	v4 =	vsel vm14, v12, v4;
	v9 =	vnsel vm10, $0x0, v9  }
0xa8: {  	v13 =	vld [tilespmem:$0x110];
	vm2 =	vmand vm13, vm2;
	v8 =	vmin.u32 v8, $0x1FF;
	vm8 =	vgt.f32 v59, v4  }
0xa9: {  	v7 =	vmin.u32 v7, $0x1FF;
	v14 =	vnsel vm13, $0x1, v9;
	[tilespmem:$0x100] =	vst v8;
	v4 =	vsel vm8, v59, v4  }
0xaa: {  	[tilespmem:$0x80] =	vst v7;
	v15 =	vsel vm14, $0xFFFFFFFF, v14;
	vm0 =	vmor vm14, vm8;
	v20 =	vld [tilespmem:$0x100];
	vm9 =	vgt.f32 v62, v4  }
0xab: {  	v17 =	vsel vm2, $0xFFFFFFFF, v1;
	v16 =	vld [tilespmem:$0x80];
	v5 =	vsel vm8, $0x0, v15;
	vm0 =	vmor vm9, vm0  }
0xac: {  	v5 =	vsel vm9, $0x1, v5;
	v9 =	vsel vm0, $0x1, v17  }
0xad: {  	v3 =	vsel vm7, v52, v3;
	v5 =	vadd.s32 v13, v5;
	v9 =	vadd.s32 v63, v9  }
0xae: {  	v4 =	vsel vm9, v62, v4;
	vm11 =	vgt.s32 v5, $0x0;
	vm10 =	vgt.s32 v9, $0x0  }
0xaf: {  	v5 =	vnsel vm11, $0x0, v5;
	v25 =	vadd.s32 $0xFFFFFFFF, v20;
	v26 =	vadd.s32 $0x1, v20  }
0xb0: {  	vm4 =	vgt.s32 v20, $0x0;
	v18 =	vnsel vm10, $0x0, v9;
	v19 =	vadd.s32 $0xFFFFFFFF, v16  }
0xb1: {  	v5 =	vmin.u32 v5, $0x1FF;
	vm13 =	vgt.s32 v16, $0x0;
	v21 =	vadd.s32 $0x1, v16  }
0xb2: {  	vm15 =	vgt.s32 v25, $0x0;
	vm5 =	vgt.s32 v26, $0x0;
	v9 =	vnsel vm4, $0x0, v20  }
0xb3: {  	v6 =	vmin.u32 v18, $0x1FF;
	vm12 =	vgt.s32 v19, $0x0;
	v7 =	vnsel vm13, $0x0, v16  }
0xb4: {  	vm14 =	vgt.s32 v21, $0x0;
	v11 =	vnsel vm15, $0x0, v25;
	v12 =	vnsel vm5, $0x0, v26  }
0xb5: {  	v27 =	vmin.u32 v9, $0x1FF;
	v8 =	vnsel vm12, $0x0, v19;
	v7 =	vmin.u32 v7, $0x1FF  }
0xb6: {  	[tilespmem:$0x110] =	vst v5;
	v23 =	vnsel vm14, $0x0, v21;
	v11 =	vmin.u32 v11, $0x1FF;
	v8 =	vmin.u32 v8, $0x1FF  }
0xb7: {  	[tilespmem:$0x90] =	vst v6;
	v14 =	vld [tilespmem:$0x110];
	v7 =	vshll.u32 v7, $0x9;
	v22 =	vshll.u32 v8, $0x9;
	v8 =	vmin.u32 v23, $0x1FF  }
0xb8: {  	v28 =	vmin.u32 v12, $0x1FF;
	v24 =	vld [tilespmem:$0x90];
	v7 =	vor.u32 v0, v7;
	v8 =	vshll.u32 v8, $0x9  }
0xb9: {  	v6 =	vor.u32 v0, v22;
	v31 =	vor.u32 v11, v7;
	v8 =	vor.u32 v0, v8  }
0xba: {  	[tilespmem:$0x180] =	vst v3;
	v3 =	vor.u32 v11, v6;
	v13 =	vor.u32 v27, v6;
	v30 =	vor.u32 v28, v6  }
0xbb: {  	[tilespmem:$0x200] =	vst v3;
	v3 =	vor.u32 v28, v7;
	v32 =	vor.u32 v11, v8;
	v5 =	vor.u32 v27, v8  }
0xbc: {  	[tilespmem:$0x190] =	vst v4;
	v34 =	vor.u32 v28, v8;
	v39 =	vadd.s32 $0xFFFFFFFF, v14;
	vm10 =	vgt.s32 v14, $0x0  }
0xbd: {  	[tilespmem:$0x260] =	vst v31;
	v41 =	vadd.s32 $0x1, v14;
	v29 =	vadd.s32 $0xFFFFFFFF, v24;
	vm7 =	vgt.s32 v24, $0x0  }
0xbe: {  	[tilespmem:$0x220] =	vst v13;
	v38 =	vadd.s32 $0x1, v24;
	vm9 =	vgt.s32 v39, $0x0;
	v43 =	vnsel vm10, $0x0, v14  }
0xbf: {  	[tilespmem:$0x240] =	vst v30;
	vm11 =	vgt.s32 v41, $0x0;
	vm6 =	vgt.s32 v29, $0x0;
	v36 =	vnsel vm7, $0x0, v24  }
0xc0: {  	[tilespmem:$0x280] =	vst v3;
	vm8 =	vgt.s32 v38, $0x0;
	v40 =	vnsel vm9, $0x0, v39;
	v37 =	vmin.u32 v36, $0x1FF  }
0xc1: {  	[tilespmem:$0x2A0] =	vst v32;
	v45 =	vnsel vm11, $0x0, v41;
	v12 =	vnsel vm6, $0x0, v29;
	v3 =	vshll.u32 v37, $0x9  }
0xc2: {  	[tilespmem:$0x2C0] =	vst v5;
	v42 =	vmin.u32 v40, $0x1FF;
	v33 =	vmin.u32 v12, $0x1FF;
	v3 =	vor.u32 v0, v3  }
0xc3: {  	[tilespmem:$0x2E0] =	vst v34;
	v6 =	vmin.u32 v45, $0x1FF;
	v11 =	vshll.u32 v33, $0x9;
	v50 =	vor.u32 v42, v3  }
0xc4: {  	v9 =	vnsel vm8, $0x0, v38;
	v35 =	vor.u32 v0, v11;
	v3 =	vor.u32 v6, v3;
	[tilespmem:$0x270] =	vst v50  }
0xc5: {  	v44 =	vmin.u32 v43, $0x1FF;
	v9 =	vmin.u32 v9, $0x1FF;
	v46 =	vor.u32 v42, v35;
	[tilespmem:$0x290] =	vst v3  }
0xc6: {  	v49 =	vshll.u32 v9, $0x9;
	v47 =	vor.u32 v44, v35;
	[tilespmem:$0x210] =	vst v46  }
0xc7: {  	v8 =	vor.u32 v0, v49;
	v48 =	vor.u32 v6, v35;
	[tilespmem:$0x230] =	vst v47  }
0xc8: {  	v3 =	vor.u32 v42, v8;
	[tilespmem:$0x250] =	vst v48  }
0xc9: {  	[tilespmem:$0x2B0] =	vst v3;
	v3 =	vor.u32 v44, v8  }
0xca: {  	[tilespmem:$0x2D0] =	vst v3;
	v3 =	vor.u32 v6, v8  }
0xcb: {  	[tilespmem:$0x2F0] =	vst v3  }
0xcc: {  	[tilespmem:s17], [sflag:$0x1] =	stream.indirect.gather [spmem:s1], $0x1, s13, s16, $0xb8;
	[tilespmem:$0x10680] =	vst v63  }
0xcd: {  	_ = 	snop  }
0xce: {  	[tilespmem:s19], [sflag:$0x1] =	stream.indirect.gather [spmem:s1], $0x1, s18, s16, $0xb8;
	[tilespmem:$0x10680] =	vst v63  }
0xcf: {  	_ =	swait.ge [sflag:s24], $0x80  }
0xd0: {  	[sflag:s24] =	ssyncset.done $0x0  }
0xd1: {  	[sflag:s24] =	ssyncadd.s32 $0xFFFFFF80  }
0xd2: {  	_ =	swait.ge [sflag:s24], $0x80  }
0xd3: {  	[sflag:s24] =	ssyncset.done $0x0  }
0xd4: {  	[sflag:s24] =	ssyncadd.s32 $0xFFFFFF80  }
0xd5: {  	v3 =	vld [tilespmem:$0x500]  }
0xd6: {  	v51 =	vld [tilespmem:$0x520];
	_ =	sdelay $0x2  }
0xd7: {  	v52 =	vld [tilespmem:$0x540]  }
0xd8: {  	v53 =	vld [tilespmem:$0x560]  }
0xd9: {  	v55 =	vld [tilespmem:$0x510];
	vm12 =	vgt.f32 v51, v3  }
0xda: {  	v56 =	vld [tilespmem:$0x530];
	vm0 =	vmneg vm12  }
0xdb: {  	v3 =	vsel vm0, v3, v51  }
0xdc: {  	v54 =	vld [tilespmem:$0x1A0];
	vm13 =	vgt.f32 v52, v3  }
0xdd: {  	v58 =	vld [tilespmem:$0x550];
	v3 =	vsel vm13, v52, v3  }
0xde: {  	v57 =	vld [tilespmem:$0x580];
	vm14 =	vgt.f32 v53, v3  }
0xdf: {  	v61 =	vld [tilespmem:$0x570];
	vm6 =	vgt.f32 v56, v55;
	vm2 =	vmneg vm14  }
0xe0: {  	v59 =	vsel vm0, $0xFFFFFFFF, v1;
	vm0 =	vmneg vm6;
	v3 =	vsel vm2, v3, v53  }
0xe1: {  	v5 =	vsel vm0, v55, v56;
	vm15 =	vgt.f32 v54, v3  }
0xe2: {  	v60 =	vld [tilespmem:$0x5A0];
	v23 =	vsel vm0, $0xFFFFFFFF, v1;
	vm9 =	vgt.f32 v58, v5;
	vm3 =	vmneg vm15  }
0xe3: {  	v9 =	vsel vm13, $0x1, v59;
	v5 =	vsel vm9, v58, v5;
	v3 =	vsel vm3, v3, v54  }
0xe4: {  	v62 =	vld [tilespmem:$0x5C0];
	v11 =	vsel vm9, $0x1, v23;
	vm11 =	vgt.f32 v61, v5;
	vm7 =	vgt.f32 v57, v3  }
0xe5: {  	v15 =	vld [tilespmem:$0x1B0];
	v9 =	vnsel vm2, $0xFFFFFFFF, v9;
	vm2 =	vmand vm2, vm3;
	vm8 =	vmneg vm7  }
0xe6: {  	v63 =	vld [tilespmem:$0x5E0];
	v14 =	vnsel vm3, $0x0, v9;
	v3 =	vsel vm8, v3, v57;
	vm2 =	vmand vm8, vm2  }
0xe7: {  	v7 =	vnsel vm8, $0x1, v14;
	vm10 =	vgt.f32 v60, v3;
	v17 =	vsel vm2, $0xFFFFFFFF, v1  }
0xe8: {  	v18 =	vld [tilespmem:$0x590];
	vm2 =	vmneg vm11;
	v3 =	vsel vm10, v60, v3;
	v7 =	vsel vm10, $0xFFFFFFFF, v7  }
0xe9: {  	v16 =	vld [tilespmem:$0xA0];
	v4 =	vsel vm2, v5, v61;
	v11 =	vnsel vm2, $0xFFFFFFFF, v11;
	vm12 =	vgt.f32 v62, v3  }
0xea: {  	v22 =	vld [tilespmem:$0x120];
	vm14 =	vgt.f32 v15, v4;
	v3 =	vsel vm12, v62, v3;
	vm3 =	vmor vm10, vm12  }
0xeb: {  	v20 =	vld [tilespmem:$0x5B0];
	v19 =	vsel vm12, $0x0, v7;
	vm15 =	vmneg vm14;
	vm13 =	vgt.f32 v63, v3  }
0xec: {  	v4 =	vsel vm15, v4, v15;
	vm9 =	vmand vm2, vm15;
	v11 =	vnsel vm15, $0x0, v11  }
0xed: {  	v21 =	vld [tilespmem:$0x5D0];
	vm3 =	vmor vm13, vm3;
	v3 =	vsel vm13, v63, v3;
	vm7 =	vgt.f32 v18, v4  }
0xee: {  	v5 =	vsel vm13, $0x1, v19;
	v9 =	vsel vm3, $0x1, v17;
	vm3 =	vmneg vm7  }
0xef: {  	v24 =	vld [tilespmem:$0x5F0];
	v5 =	vadd.s32 v22, v5;
	v6 =	vadd.s32 v16, v9;
	v4 =	vsel vm3, v4, v18  }
0xf0: {  	vm0 =	vmand vm3, vm9;
	vm13 =	vgt.s32 v5, $0x0;
	vm10 =	vgt.f32 v20, v4  }
0xf1: {  	v25 =	vld [tilespmem:$0xB0];
	vm8 =	vgt.s32 v6, $0x0;
	v5 =	vnsel vm13, $0x0, v5;
	v4 =	vsel vm10, v20, v4  }
0xf2: {  	v26 =	vld [tilespmem:$0x130];
	v6 =	vnsel vm8, $0x0, v6;
	v5 =	vmin.u32 v5, $0x1FF;
	vm11 =	vgt.f32 v21, v4  }
0xf3: {  	v28 =	vnsel vm3, $0x1, v11;
	v6 =	vmin.u32 v6, $0x1FF;
	[tilespmem:$0x120] =	vst v5;
	v4 =	vsel vm11, v21, v4  }
0xf4: {  	[tilespmem:$0xA0] =	vst v6;
	v6 =	vsel vm10, $0xFFFFFFFF, v28;
	vm1 =	vmor vm10, vm11;
	v33 =	vld [tilespmem:$0x120];
	vm12 =	vgt.f32 v24, v4  }
0xf5: {  	v27 =	vsel vm0, $0xFFFFFFFF, v1;
	v29 =	vld [tilespmem:$0xA0];
	v6 =	vsel vm11, $0x0, v6;
	vm1 =	vmor vm12, vm1  }
0xf6: {  	v6 =	vsel vm12, $0x1, v6;
	v30 =	vsel vm1, $0x1, v27  }
0xf7: {  	v6 =	vadd.s32 v26, v6;
	v9 =	vadd.s32 v25, v30  }
0xf8: {  	v4 =	vsel vm12, v24, v4;
	vm15 =	vgt.s32 v6, $0x0;
	vm14 =	vgt.s32 v9, $0x0  }
0xf9: {  	v6 =	vnsel vm15, $0x0, v6;
	v39 =	vadd.s32 $0xFFFFFFFF, v33;
	v40 =	vadd.s32 $0x1, v33  }
0xfa: {  	vm8 =	vgt.s32 v33, $0x0;
	v31 =	vnsel vm14, $0x0, v9;
	v32 =	vadd.s32 $0xFFFFFFFF, v29  }
0xfb: {  	v6 =	vmin.u32 v6, $0x1FF;
	vm5 =	vgt.s32 v29, $0x0;
	v34 =	vadd.s32 $0x1, v29  }
0xfc: {  	vm7 =	vgt.s32 v39, $0x0;
	vm9 =	vgt.s32 v40, $0x0;
	v9 =	vnsel vm8, $0x0, v33  }
0xfd: {  	v5 =	vmin.u32 v31, $0x1FF;
	vm4 =	vgt.s32 v32, $0x0;
	v8 =	vnsel vm5, $0x0, v29  }
0xfe: {  	vm6 =	vgt.s32 v34, $0x0;
	v11 =	vnsel vm7, $0x0, v39;
	v12 =	vnsel vm9, $0x0, v40  }
0xff: {  	v41 =	vmin.u32 v9, $0x1FF;
	v7 =	vnsel vm4, $0x0, v32;
	v36 =	vmin.u32 v8, $0x1FF  }
0x100: {  	[tilespmem:$0x130] =	vst v6;
	v37 =	vnsel vm6, $0x0, v34;
	v11 =	vmin.u32 v11, $0x1FF;
	v7 =	vmin.u32 v7, $0x1FF  }
0x101: {  	[tilespmem:$0xB0] =	vst v5;
	v42 =	vmin.u32 v12, $0x1FF;
	v45 =	vld [tilespmem:$0x130];
	v8 =	vmin.u32 v37, $0x1FF;
	v35 =	vshll.u32 v7, $0x9  }
0x102: {  	v38 =	vld [tilespmem:$0xB0];
	v7 =	vshll.u32 v36, $0x9;
	v8 =	vshll.u32 v8, $0x9;
	v5 =	vor.u32 v0, v35  }
0x103: {  	[tilespmem:$0x1A0] =	vst v3;
	v7 =	vor.u32 v0, v7;
	v8 =	vor.u32 v0, v8;
	v3 =	vor.u32 v11, v5  }
0x104: {  	v44 =	vor.u32 v41, v5;
	v46 =	vor.u32 v42, v5;
	v48 =	vor.u32 v11, v7  }
0x105: {  	[tilespmem:$0x1B0] =	vst v4;
	v49 =	vor.u32 v11, v8;
	v6 =	vor.u32 v41, v8;
	v50 =	vor.u32 v42, v8  }
0x106: {  	[tilespmem:$0x400] =	vst v3;
	v3 =	vor.u32 v42, v7;
	v53 =	vadd.s32 $0xFFFFFFFF, v45;
	vm14 =	vgt.s32 v45, $0x0  }
0x107: {  	[tilespmem:$0x420] =	vst v44;
	v55 =	vadd.s32 $0x1, v45;
	v43 =	vadd.s32 $0xFFFFFFFF, v38;
	vm11 =	vgt.s32 v38, $0x0  }
0x108: {  	[tilespmem:$0x440] =	vst v46;
	v52 =	vadd.s32 $0x1, v38;
	vm13 =	vgt.s32 v53, $0x0;
	v57 =	vnsel vm14, $0x0, v45  }
0x109: {  	[tilespmem:$0x460] =	vst v48;
	vm15 =	vgt.s32 v55, $0x0;
	vm10 =	vgt.s32 v43, $0x0;
	v51 =	vnsel vm11, $0x0, v38  }
0x10a: {  	[tilespmem:$0x4A0] =	vst v49;
	vm12 =	vgt.s32 v52, $0x0;
	v54 =	vnsel vm13, $0x0, v53;
	v8 =	vmin.u32 v51, $0x1FF  }
0x10b: {  	[tilespmem:$0x480] =	vst v3;
	v59 =	vnsel vm15, $0x0, v55;
	v47 =	vnsel vm10, $0x0, v43;
	v3 =	vshll.u32 v8, $0x9  }
0x10c: {  	[tilespmem:$0x4C0] =	vst v6;
	v56 =	vmin.u32 v54, $0x1FF;
	v5 =	vmin.u32 v47, $0x1FF;
	v3 =	vor.u32 v0, v3  }
0x10d: {  	[tilespmem:$0x4E0] =	vst v50;
	v7 =	vmin.u32 v59, $0x1FF;
	v5 =	vshll.u32 v5, $0x9;
	v63 =	vor.u32 v56, v3  }
0x10e: {  	v9 =	vnsel vm12, $0x0, v52;
	v5 =	vor.u32 v0, v5;
	v3 =	vor.u32 v7, v3;
	[tilespmem:$0x470] =	vst v63  }
0x10f: {  	v58 =	vmin.u32 v57, $0x1FF;
	v9 =	vmin.u32 v9, $0x1FF;
	v60 =	vor.u32 v56, v5;
	[tilespmem:$0x490] =	vst v3  }
0x110: {  	v62 =	vshll.u32 v9, $0x9;
	v61 =	vor.u32 v58, v5;
	[tilespmem:$0x410] =	vst v60  }
0x111: {  	v8 =	vor.u32 v0, v62;
	v5 =	vor.u32 v7, v5;
	[tilespmem:$0x430] =	vst v61  }
0x112: {  	v3 =	vor.u32 v56, v8;
	[tilespmem:$0x450] =	vst v5  }
0x113: {  	p0 =	sne.s32 s28, $0x1;
	[tilespmem:$0x4B0] =	vst v3;
	v3 =	vor.u32 v58, v8  }
.Ltmp0:
0x114: {  	[tilespmem:$0x4D0] =	vst v3;
	v3 =	vor.u32 v7, v8;
	(pc) =	sbr.rel @p0 .LBB2_2-.Ltmp0, $4  }
0x115: {  	[tilespmem:$0x4F0] =	vst v3  }
0x116: {  	[tilespmem:s21], [sflag:$0x2] =	stream.indirect.gather [spmem:s1], $0x1, s20, s16, $0xb8;
	[tilespmem:$0x10680] =	vst v63  }
0x117: {  	s28 =	sadd.s32 $0xFFFFFFFF, s28  }
0x118: {  	[tilespmem:s23], [sflag:$0x2] =	stream.indirect.gather [spmem:s1], $0x1, s22, s16, $0xb8;
	[tilespmem:$0x10680] =	vst v63  }
0x119: {  	_ =	swait.ge [sflag:s15], $0x80  }
0x11a: {  	[sflag:s15] =	ssyncset.done $0x0  }
0x11b: {  	[sflag:s15] =	ssyncadd.s32 $0xFFFFFF80  }
0x11c: {  	_ =	swait.ge [sflag:s15], $0x80  }
0x11d: {  	[sflag:s15] =	ssyncset.done $0x0  }
0x11e: {  	[sflag:s15] =	ssyncadd.s32 $0xFFFFFF80  }
0x11f: {  	_ =	swait.ge [sflag:s24], $0x80  }
0x120: {  	[sflag:s24] =	ssyncset.done $0x0  }
0x121: {  	[sflag:s24] =	ssyncadd.s32 $0xFFFFFF80  }
0x122: {  	_ =	swait.ge [sflag:s24], $0x80  }
0x123: {  	[sflag:s24] =	ssyncset.done $0x0  }
0x124: {  	[sflag:s24] =	ssyncadd.s32 $0xFFFFFF80  }
0x125: {  	v3 =	vld [tilespmem:$0x80];
	_ =	sdelay $0x4  }
0x126: {  	v3 =	vcvt.s32.f32 v3;
	_ =	sdelay $0x1  }
0x127: {  	[tilespmem:v2+s25+$0x0] =	vst.idx.msk $0xffff, v3  }
0x128: {  	v3 =	vld [tilespmem:$0x100];
	_ =	sdelay $0x1  }
0x129: {  	v4 =	vor.u32 $0x1, v2;
	_ =	sdelay $0x2  }
0x12a: {  	v3 =	vcvt.s32.f32 v3;
	_ =	sdelay $0x1  }
0x12b: {  	[tilespmem:v4+s25+$0x0] =	vst.idx.msk $0xffff, v3  }
0x12c: {  	v3 =	vld [tilespmem:$0x90];
	_ =	sdelay $0x1  }
0x12d: {  	v58 =	vor.u32 $0x20, v2;
	_ =	sdelay $0x2  }
0x12e: {  	v3 =	vcvt.s32.f32 v3;
	_ =	sdelay $0x1  }
0x12f: {  	[tilespmem:v58+s25+$0x0] =	vst.idx.msk $0xffff, v3  }
0x130: {  	v3 =	vld [tilespmem:$0x110];
	_ =	sdelay $0x1  }
0x131: {  	v59 =	vor.u32 $0x21, v2;
	_ =	sdelay $0x2  }
0x132: {  	v3 =	vcvt.s32.f32 v3;
	_ =	sdelay $0x1  }
0x133: {  	[tilespmem:v59+s25+$0x0] =	vst.idx.msk $0xffff, v3  }
0x134: {  	v3 =	vld [tilespmem:$0xA0];
	_ =	sdelay $0x1  }
0x135: {  	v60 =	vor.u32 $0x40, v2;
	_ =	sdelay $0x2  }
0x136: {  	v3 =	vcvt.s32.f32 v3;
	_ =	sdelay $0x1  }
0x137: {  	[tilespmem:v60+s25+$0x0] =	vst.idx.msk $0xffff, v3  }
0x138: {  	v3 =	vld [tilespmem:$0x120];
	_ =	sdelay $0x1  }
0x139: {  	v61 =	vor.u32 $0x41, v2;
	_ =	sdelay $0x2  }
0x13a: {  	v3 =	vcvt.s32.f32 v3;
	_ =	sdelay $0x1  }
0x13b: {  	[tilespmem:v61+s25+$0x0] =	vst.idx.msk $0xffff, v3  }
0x13c: {  	v3 =	vld [tilespmem:$0xB0];
	_ =	sdelay $0x1  }
0x13d: {  	v62 =	vor.u32 $0x60, v2;
	_ =	sdelay $0x2  }
0x13e: {  	v3 =	vcvt.s32.f32 v3;
	_ =	sdelay $0x1  }
0x13f: {  	[tilespmem:v62+s25+$0x0] =	vst.idx.msk $0xffff, v3  }
0x140: {  	v3 =	vld [tilespmem:$0x130];
	_ =	sdelay $0x1  }
0x141: {  	v63 =	vor.u32 $0x61, v2;
	_ =	sdelay $0x2  }
0x142: {  	s26 =	sadd.s32 $0x1, s26;
	v3 =	vcvt.s32.f32 v3  }
0x143: {  	p0 =	sne.s32 s26, s9  }
.Ltmp1:
0x144: {  	[tilespmem:v63+s25+$0x0] =	vst.idx.msk $0xffff, v3;
	(pc) =	sbr.rel @p0 .LBB2_1-.Ltmp1, $4  }
0x145: {  	[hbm4b:s8+s3] =	stream.linear.scatter [tilespmem:s25], [sflag:$0x3], $0x80, $0x38;
	[tilespmem:$0x10680] =	vst v63  }
0x146: {  	_ =	swait.ge [sflag:s11], $0x80  }
0x147: {  	[sflag:s11] =	ssyncset.done $0x0  }
0x148: {  	[sflag:s11] =	ssyncadd.s32 $0xFFFFFF80  }
0x149: {  	_ =	sfence.sel $0x180000  }
0x14a: {  	[bflag:$0x0] =	sbarrier.arrive $0xFFFF  }
0x14b: {  	p0 =	sne.s32 s2, $0x0;
	_ =	strace $0x90000047  }
0x14c: {  	s0 =	sadd.s32 @!p0 $0x100000, s0;
	[bflag:$0x2] =	sbarrier.arrive $0xFFFF  }
0x14d: {  	[sflag:s0] =	ssyncadd.tile.s32 @!p0 $0x1;
	_ =	shalt  }
.Lfunc_end2:
_tile_overlayer_lowered:
.L_overlay_start_2:
0x14e: {  	(tag) =	ssettag $0x2  }
0x14f: {  	s0 =	rddreg [dreg:$0x0];
	s2 =	stileid.u32  }
0x150: {  	s1 =	rddreg [dreg:$0x1];
	p0 =	sne.s32 s2, $0x0  }
0x151: {  	s3 =	rddreg [dreg:$0x2];
	[bflag:$0x3] =	sbarrier.arrive $0xFFFF;
	s2 =	simm.s32 @!p0 $0x1C03  }
0x152: {  	[timem:s3], [sflag:s2] =	dma.local @!p0 [hbm:s0], s1  }
0x153: {  	s0 =	simm.s32 @!p0 $0x3  }
0x154: {  	_ =	swait.ge @!p0 [sflag:s0], s1  }
0x155: {  	s1 =	ssub.s32 @!p0 $0x0, s1;
	[sflag:s0] =	ssyncset.done @!p0 $0x0  }
0x156: {  	[sflag:s0] =	ssyncadd.s32 @!p0 s1  }
0x157: {  	[bflag:$0x3] =	sbarrier.arrive $0xFFFF  }
0x158: {  	_ =	shalt  }

</sc_bundles>
